<compile_context>
chip_gen: v7x
topology: tpu7x:2x2x1
jax: 0.10.2.dev20260603
libtpu: 0.0.44.dev20260713+nightly
codegen_flags: <defaults>
</compile_context>

<pallas_src>
import jax
import jax.numpy as jnp
from jax import lax
from jax.experimental import pallas as pl
from jax.experimental.pallas import tpu as pltpu
from jax.experimental.pallas import tpu_sc as plsc

GROUP_SIZE = 64
NUM_GROUPS = 64
N = GROUP_SIZE * NUM_GROUPS
NDCG_K = 10
SIGMA = 1.0
ALPHA = 0.25
EPS = 1e-10
W_LAMBDA = 1.0
W_LISTMLE = 0.5
W_LISTNET = 0.5
W_APPROX_NDCG = 0.5
W_FOCAL = 0.25

NC = 2
NS = 16
NW = NC * NS
GPW = NUM_GROUPS // NW
L = 16
NB = GROUP_SIZE // L

LN2 = 0.6931471805599453


def _vlog(u):
    ix = plsc.bitcast(u, jnp.int32)
    ix = ix + (0x3F800000 - 0x3F3504F3)
    k = lax.shift_right_arithmetic(ix, 23) - 127
    ix = jnp.bitwise_and(ix, 0x007FFFFF) + 0x3F3504F3
    x = plsc.bitcast(ix, jnp.float32)
    f = x - 1.0
    s = f / (2.0 + f)
    z = s * s
    w = z * z
    t1 = w * (0.40000972152 + w * 0.24279078841)
    t2 = z * (0.66666662693 + w * 0.28498786688)
    r = t2 + t1
    hfsq = 0.5 * f * f
    return k.astype(jnp.float32) * LN2 + (f - (hfsq - s * (hfsq + r)))


_LOG1P = (1.6936626e-06, 9.9983257e-01, -4.9720332e-01, 3.1504127e-01,
          -1.8901955e-01, 8.1523180e-02, -1.7029611e-02)


def _softplus(x):
    y = jnp.exp(-jnp.abs(x))
    acc = jnp.zeros_like(y) + _LOG1P[-1]
    for c in _LOG1P[-2::-1]:
        acc = acc * y + c
    return jnp.maximum(x, 0.0) + acc


def _sc_body(logits_hbm, labels_hbm, out_hbm,
             gl_v, gy_v, disc_v, a_v, d_v, er_v, jn_v, out_v):
    wid = lax.axis_index("s") * NC + lax.axis_index("c")
    base = wid * (GPW * GROUP_SIZE)
    pltpu.sync_copy(logits_hbm.at[pl.ds(base, GPW * GROUP_SIZE)], gl_v)
    pltpu.sync_copy(labels_hbm.at[pl.ds(base, GPW * GROUP_SIZE)], gy_v)

    iota = lax.iota(jnp.int32, L)
    for b in range(NB):
        rp2 = (iota + (b * L + 2)).astype(jnp.float32)
        disc_v[pl.ds(b * L, L)] = LN2 / _vlog(rp2)
    outv = jnp.zeros((L,), jnp.float32)

    def group_body(gi, outv):
        g0 = gi * GROUP_SIZE
        gl = [gl_v[pl.ds(g0 + b * L, L)] for b in range(NB)]
        gy = [gy_v[pl.ds(g0 + b * L, L)] for b in range(NB)]
        ivecs = [iota + b * L for b in range(NB)]

        def rank_body(j, carry):
            jv = jnp.zeros((L,), jnp.int32) + j + g0
            gyj = plsc.load_gather(gy_v, [jv])
            glj = plsc.load_gather(gl_v, [jv])
            jvl = jv - g0
            out = []
            for b in range(NB):
                jlti = jvl < ivecs[b]
                cy = (gyj > gy[b]) | ((gyj == gy[b]) & jlti)
                cl = (glj > gl[b]) | ((glj == gl[b]) & jlti)
                out.append(carry[b] + cy.astype(jnp.int32))
                out.append(carry[NB + b] + cl.astype(jnp.int32))
            return tuple(out[0::2]) + tuple(out[1::2])

        zeros = tuple(jnp.zeros((L,), jnp.int32) for _ in range(2 * NB))
        ranks = lax.fori_loop(0, GROUP_SIZE, rank_body, zeros)
        ry = list(ranks[:NB])
        rl = list(ranks[NB:])

        gains = [jnp.exp(gy[b] * LN2) - 1.0 for b in range(NB)]
        dl = [plsc.load_gather(disc_v, [rl[b]]) for b in range(NB)]
        dy = [plsc.load_gather(disc_v, [ry[b]]) for b in range(NB)]
        idcg = 0.0
        adcg = 0.0
        npos = 0.0
        mx = -jnp.inf
        sum_gl = 0.0
        for b in range(NB):
            idcg = idcg + jnp.sum(jnp.where(ry[b] < NDCG_K, gains[b] * dy[b], 0.0))
            adcg = adcg + jnp.sum(jnp.where(rl[b] < NDCG_K, gains[b] * dl[b], 0.0))
            npos = npos + jnp.sum(jnp.where(gy[b] > 0.5, 1.0, 0.0))
            mx = jnp.maximum(mx, jnp.max(gl[b]))
            sum_gl = sum_gl + jnp.sum(gl[b])
            a_v[pl.ds(b * L, L)] = gains[b]
            d_v[pl.ds(b * L, L)] = dl[b]
        nneg = GROUP_SIZE - npos
        npairs = npos * nneg
        idcg_valid = idcg > 0.0
        idcg_safe = jnp.where(idcg_valid, idcg, 1.0)
        posf = [jnp.where(gy[b] > 0.5, 1.0, 0.0) for b in range(NB)]

        off = 0
        for b in range(NB):
            negb = gy[b] <= 0.5
            negi = negb.astype(jnp.int32)
            pref = plsc.cumsum(negi)
            plsc.store_scatter(jn_v, [pref - 1 + off], ivecs[b], mask=negb)
            off = off + jnp.sum(negi)
        nneg_i = off

        facc0 = tuple(jnp.zeros((L,), jnp.float32) for _ in range(NB))

        def pair_body(j, acc):
            jv = plsc.load_gather(jn_v, [jnp.zeros((L,), jnp.int32) + j])
            glj = plsc.load_gather(gl_v, [jv + g0])
            aj = plsc.load_gather(a_v, [jv])
            dj = plsc.load_gather(d_v, [jv])
            out = []
            for b in range(NB):
                sp = _softplus(glj - gl[b])
                delta = jnp.abs(gains[b] - aj) * jnp.abs(dj - dl[b])
                out.append(acc[b] + delta * sp)
            return tuple(out)

        accs = lax.fori_loop(0, nneg_i, pair_body, facc0)
        accs = [posf[b] * accs[b] for b in range(NB)]
        lam_sum = 0.0
        for b in range(NB):
            lam_sum = lam_sum + jnp.sum(accs[b])
        zv = jnp.zeros((L,), jnp.float32)
        lam = jnp.where(npairs > 0.0,
                        (zv + lam_sum) / (zv + idcg_safe * jnp.maximum(npairs, 1.0)),
                        0.0)
        lam_valid = idcg_valid & (npairs > 0.0)

        e = [jnp.exp(gl[b] - mx) for b in range(NB)]
        total = 0.0
        for b in range(NB):
            plsc.store_scatter(er_v, [ry[b]], e[b])
            total = total + jnp.sum(e[b])
        prev = 0.0
        sum_logc = 0.0
        for b in range(NB):
            s = er_v[pl.ds(b * L, L)]
            c = plsc.cumsum(s)
            suffix = (total - prev) - c + s
            sum_logc = sum_logc + jnp.sum(_vlog(suffix + EPS))
            prev = prev + jnp.sum(s)
        mle = -(sum_gl - (sum_logc + GROUP_SIZE * mx)) * (1.0 / GROUP_SIZE)

        my = -jnp.inf
        anyy = False
        for b in range(NB):
            my = jnp.maximum(my, jnp.max(gy[b]))
            anyy = anyy | jnp.any(gy[b] > 0.0)
        ey = [jnp.exp(gy[b] - my) for b in range(NB)]
        ty = 0.0
        for b in range(NB):
            ty = ty + jnp.sum(ey[b])
        log_t = _vlog(jnp.zeros((L,), jnp.float32) + total)
        log_ty = _vlog(jnp.zeros((L,), jnp.float32) + ty)
        lse_l = log_t + mx
        lse_y = log_ty + my
        kl = 0.0
        for b in range(NB):
            kl = kl + jnp.sum((ey[b] / ty) * ((gy[b] - lse_y) - (gl[b] - lse_l)))
        lnet = jnp.where(anyy, kl * (1.0 / GROUP_SIZE), 0.0)

        focal = 0.0
        for b in range(NB):
            probs = 1.0 / (1.0 + jnp.exp(-gl[b]))
            ce = (jnp.maximum(gl[b], 0.0) - gl[b] * posf[b]
                  + _softplus(-jnp.abs(gl[b])))
            p_t = jnp.where(gy[b] > 0.5, probs, 1.0 - probs)
            alpha_t = jnp.where(gy[b] > 0.5, ALPHA, 1.0 - ALPHA)
            om = 1.0 - p_t
            focal = focal + jnp.sum(alpha_t * (om * om) * ce)

        andcg = jnp.where(idcg_valid, 1.0 - (zv + adcg) / (zv + idcg_safe), 0.0)
        comps = (andcg, jnp.where(idcg_valid, 1.0, 0.0),
                 lam, jnp.where(lam_valid, 1.0, 0.0),
                 mle, focal,
                 lnet, jnp.where(anyy, 1.0, 0.0))
        lane0 = 8 * gi
        for ci, cval in enumerate(comps):
            outv = jnp.where(iota == lane0 + ci, cval, outv)
        return outv

    outv = lax.fori_loop(0, GPW, group_body, outv)

    out_v[...] = outv
    pltpu.sync_copy(out_v, out_hbm.at[pl.ds(wid * (8 * GPW), 8 * GPW)])


def _tc_finish(comp_ref, out_ref):
    compf = comp_ref[...]
    cidx = lax.iota(jnp.int32, NUM_GROUPS * 8) & 7

    def csum(c):
        return jnp.sum(jnp.where(cidx == c, compf, 0.0))

    def mm(c_val, c_valid):
        cnt = csum(c_valid)
        return jnp.where(cnt > 0.0, csum(c_val) / jnp.maximum(cnt, 1.0), 0.0)

    total = (W_LAMBDA * mm(2, 3)
             + W_LISTMLE * csum(4) * (1.0 / NUM_GROUPS)
             + W_LISTNET * mm(6, 7)
             + W_APPROX_NDCG * mm(0, 1)
             + W_FOCAL * csum(5) * (1.0 / N))
    out_ref[...] = jnp.full((1, 1), total, jnp.float32)


@jax.jit
def _run(logits, labels):

    sc = pl.kernel(
        _sc_body,
        out_type=jax.ShapeDtypeStruct((NUM_GROUPS * 8,), jnp.float32),
        mesh=plsc.VectorSubcoreMesh(core_axis_name="c", subcore_axis_name="s",
                                    num_cores=NC, num_subcores=NS),
        scratch_types=[
            pltpu.VMEM((GPW * GROUP_SIZE,), jnp.float32),
            pltpu.VMEM((GPW * GROUP_SIZE,), jnp.float32),
            pltpu.VMEM((GROUP_SIZE,), jnp.float32),
            pltpu.VMEM((GROUP_SIZE,), jnp.float32),
            pltpu.VMEM((GROUP_SIZE,), jnp.float32),
            pltpu.VMEM((GROUP_SIZE,), jnp.float32),
            pltpu.VMEM((GROUP_SIZE,), jnp.int32),
            pltpu.VMEM((L,), jnp.float32),
        ],
        compiler_params=pltpu.CompilerParams(needs_layout_passes=False),
    )
    comp = sc(logits, labels)

    out = pl.pallas_call(
        _tc_finish,
        out_shape=jax.ShapeDtypeStruct((1, 1), jnp.float32),
    )(comp)
    return out.reshape(())


def kernel(logits, labels, group_sizes):
    del group_sizes
    return _run(logits.astype(jnp.float32), labels.astype(jnp.float32))

# --- scband reference (transcript-rebuilt; emitter-appended) ---
"""Pipeline reference for scband-hybrid-reranker-loss-82669530514149 (READ-ONLY COPY).

The authoritative reference and input builder live on the scoring server;
editing this copy changes nothing except your own understanding.
"""

import jax, jax.numpy as jnp
import numpy as np

GROUP_SIZE = 64
NUM_GROUPS = 64
N = GROUP_SIZE * NUM_GROUPS
NDCG_K = 10
TEMP = 1.0
SIGMA = 1.0
ALPHA = 0.25
GAMMA = 2.0
EPS = 1e-10
# hybrid weights (LossConfig defaults assumed)
W_LAMBDA = 1.0
W_LISTMLE = 0.5
W_LISTNET = 0.5
W_APPROX_NDCG = 0.5
W_FOCAL = 0.25


def setup_inputs(seed: int = 0) -> dict:
    key = jax.random.key(seed)
    k1, k2 = jax.random.split(key)
    logits = jax.random.normal(k1, (N,), dtype=jnp.float32)
    # graded relevance labels in [0, 1); uniform so some > 0.5 (pos) and some <= 0.5 (neg)
    labels = jax.random.uniform(k2, (N,), dtype=jnp.float32)
    group_sizes = jnp.full((NUM_GROUPS,), GROUP_SIZE, dtype=jnp.int64)
    return {"logits": logits, "labels": labels, "group_sizes": group_sizes}


def _per_group_losses(gl, gy):
    """gl: [n] logits of one group, gy: [n] labels. Returns dict of scalar losses."""
    n = gl.shape[0]
    dtype = gl.dtype

    # ----- common ideal DCG -----
    ideal_order = jnp.argsort(-gy)
    ideal_gains = gy[ideal_order]
    k = min(NDCG_K, n)
    positions = jnp.arange(1, k + 1, dtype=dtype)
    idcg = jnp.sum((2.0 ** ideal_gains[:k] - 1.0) / jnp.log2(positions + 1.0))

    # ----- approx NDCG (as implemented: hard sort of soft scores) -----
    soft_scores = gl / max(TEMP, 1e-6)
    gains = 2.0 ** gy - 1.0
    sorted_idx = jnp.argsort(-soft_scores)
    discounts_k = 1.0 / jnp.log2(jnp.arange(1, k + 1, dtype=dtype) + 1.0)
    approx_dcg = jnp.sum(gains[sorted_idx[:k]] * discounts_k)
    approx_ndcg_l = jnp.where(idcg > 0, 1.0 - approx_dcg / jnp.where(idcg > 0, idcg, 1.0), 0.0)
    approx_valid = idcg > 0

    # ----- lambda loss (full pos x neg pairs) -----
    pred_order = jnp.argsort(-gl)
    pred_ranks = jnp.zeros((n,), dtype=jnp.int32).at[pred_order].set(jnp.arange(n, dtype=jnp.int32))
    pos_mask = gy > 0.5
    neg_mask = gy <= 0.5
    pair_pos = pos_mask[:, None] & neg_mask[None, :]  # [n, n] i pos, j neg
    s_diff = gl[:, None] - gl[None, :]
    rank = pred_ranks.astype(dtype) + 1.0
    disc = 1.0 / jnp.log2(rank + 1.0)
    delta = jnp.abs(gains[:, None] * (disc[None, :] - disc[:, None]) + gains[None, :] * (disc[:, None] - disc[None, :]))
    delta_ndcg = delta / jnp.where(idcg > 0, idcg, 1.0)
    pair_loss = delta_ndcg * jax.nn.softplus(-SIGMA * s_diff)
    n_pairs = jnp.sum(pair_pos)
    lambda_l = jnp.where(n_pairs > 0, jnp.sum(jnp.where(pair_pos, pair_loss, 0.0)) / jnp.maximum(n_pairs, 1), 0.0)
    lambda_valid = (idcg > 0) & (n_pairs > 0)

    # ----- listMLE -----
    sorted_logits = gl[ideal_order]
    max_logit = jnp.max(sorted_logits)
    exp_scores = jnp.exp(sorted_logits - max_logit)
    cumsum_exp = jnp.flip(jnp.cumsum(jnp.flip(exp_scores)))
    log_cumsum = jnp.log(cumsum_exp + EPS) + max_logit
    listmle_l = -jnp.sum(sorted_logits - log_cumsum) / n
    listmle_valid = jnp.array(True)

    # ----- listNet -----
    target = jax.nn.softmax(gy / max(TEMP, 1e-6))
    pred_log = jax.nn.log_softmax(gl / max(TEMP, 1e-6))
    # F.kl_div(pred, target, reduction='batchmean') on 1-D: sum(target*(log target - pred)) / n... torch batchmean over dim0 -> divide by n
    kl = jnp.sum(target * (jnp.log(jnp.clip(target, 1e-38)) - pred_log)) / n
    listnet_valid = jnp.any(gy > 0.0)
    listnet_l = jnp.where(listnet_valid, kl, 0.0)

    return (approx_ndcg_l, approx_valid, lambda_l, lambda_valid,
            listmle_l, listmle_valid, listnet_l, listnet_valid)


def reference(logits, labels, group_sizes):
    logits = logits.astype(jnp.float32)
    labels = labels.astype(jnp.float32)
    gl = logits.reshape(NUM_GROUPS, GROUP_SIZE)
    gy = labels.reshape(NUM_GROUPS, GROUP_SIZE)

    (andcg, andcg_v, lam, lam_v, mle, mle_v, lnet, lnet_v) = jax.vmap(_per_group_losses)(gl, gy)

    def masked_mean(vals, valid):
        cnt = jnp.sum(valid)
        return jnp.where(cnt > 0, jnp.sum(jnp.where(valid, vals, 0.0)) / jnp.maximum(cnt, 1), 0.0)

    approx_ndcg_total = masked_mean(andcg, andcg_v)
    lambda_total = masked_mean(lam, lam_v)
    listmle_total = masked_mean(mle, mle_v)
    listnet_total = masked_mean(lnet, lnet_v)

    # focal (pointwise over all items; binarize labels at 0.5 as positives)
    bin_labels = (labels > 0.5).astype(jnp.float32)
    probs = jax.nn.sigmoid(logits)
    ce = jnp.maximum(logits, 0.0) - logits * bin_labels + jnp.log1p(jnp.exp(-jnp.abs(logits)))
    p_t = probs * bin_labels + (1.0 - probs) * (1.0 - bin_labels)
    alpha_t = ALPHA * bin_labels + (1.0 - ALPHA) * (1.0 - bin_labels)
    focal_total = jnp.mean(alpha_t * (1.0 - p_t) ** GAMMA * ce)

    total = (W_LAMBDA * lambda_total + W_LISTMLE * listmle_total
             + W_LISTNET * listnet_total + W_APPROX_NDCG * approx_ndcg_total
             + W_FOCAL * focal_total)
    return total


if False:  # reference __main__ guard neutralized (emitter)
    inp = setup_inputs()
    out = reference(**inp)
    print(out)

if __name__ == "__main__":
    import jax
    _d = setup_inputs()
    print(jax.jit(kernel)(*tuple(_d.values())))

</pallas_src>

<mosaic_0001>
#map = affine_map<(d0, d1) -> (0)>
module attributes {stable_mosaic.version = 14 : i64} {
  func.func @_sc_body(%arg0: i32, %arg1: i32, %arg2: memref<4096xf32, #tpu.memory_space<hbm>>, %arg3: memref<4096xf32, #tpu.memory_space<hbm>>, %arg4: memref<512xf32, #tpu.memory_space<hbm>>, %arg5: memref<128xf32, #tpu.memory_space<vmem>>, %arg6: memref<128xf32, #tpu.memory_space<vmem>>, %arg7: memref<64xf32, #tpu.memory_space<vmem>>, %arg8: memref<64xf32, #tpu.memory_space<vmem>>, %arg9: memref<64xf32, #tpu.memory_space<vmem>>, %arg10: memref<64xf32, #tpu.memory_space<vmem>>, %arg11: memref<64xi32, #tpu.memory_space<vmem>>, %arg12: memref<16xf32, #tpu.memory_space<vmem>>) attributes {dimension_semantics = [#tpu.dimension_semantics<core_parallel>, #tpu.dimension_semantics<subcore_parallel>], iteration_bounds = array<i64: 2, 16>, scalar_prefetch = 0 : i64, scratch_operands = 8 : i64, tpu.core_type = #tpu.core_type<sc_vector_subcore>, window_params = [{transform_indices = #map}, {transform_indices = #map}, {transform_indices = #map}]} {
    %mul3A = arith.constant 2 : i32
    %mul3A_0 = arith.muli %arg1, %mul3A : i32
    %add3A = arith.addi %mul3A_0, %arg0 : i32
    %mul3A_1 = arith.constant 128 : i32
    %mul3A_2 = arith.muli %add3A, %mul3A_1 : i32
    "tpu.region"() ({
      %run_scoped3A = tpu.sem_alloc : memref<!tpu.dma_semaphore, #tpu.memory_space<semaphore_mem>>
      %dma_start3A = tpu.memref_slice %arg2[%mul3A_2] : memref<4096xf32, #tpu.memory_space<hbm>> -> memref<128xf32, #tpu.memory_space<hbm>>
      %dma_start3A_258 = tpu.memref_slice %arg2[%mul3A_2] : memref<4096xf32, #tpu.memory_space<hbm>> -> memref<128xf32, #tpu.memory_space<hbm>>
      tpu.enqueue_dma source(%dma_start3A_258 : memref<128xf32, #tpu.memory_space<hbm>>) target(%arg5 : memref<128xf32, #tpu.memory_space<vmem>>) target_semaphore(%run_scoped3A : memref<!tpu.dma_semaphore, #tpu.memory_space<semaphore_mem>>)
      %dma_wait3A = tpu.memref_slice %arg2[%mul3A_2] : memref<4096xf32, #tpu.memory_space<hbm>> -> memref<128xf32, #tpu.memory_space<hbm>>
      %dma_wait3A_259 = tpu.memref_slice %arg2[%mul3A_2] : memref<4096xf32, #tpu.memory_space<hbm>> -> memref<128xf32, #tpu.memory_space<hbm>>
      tpu.wait_dma2 semaphore(%run_scoped3A : memref<!tpu.dma_semaphore, #tpu.memory_space<semaphore_mem>>) src(%dma_wait3A_259 : memref<128xf32, #tpu.memory_space<hbm>>) dst(%arg5 : memref<128xf32, #tpu.memory_space<vmem>>)
      tpu.yield
    }) : () -> ()
    "tpu.region"() ({
      %run_scoped3A = tpu.sem_alloc : memref<!tpu.dma_semaphore, #tpu.memory_space<semaphore_mem>>
      %dma_start3A = tpu.memref_slice %arg3[%mul3A_2] : memref<4096xf32, #tpu.memory_space<hbm>> -> memref<128xf32, #tpu.memory_space<hbm>>
      %dma_start3A_258 = tpu.memref_slice %arg3[%mul3A_2] : memref<4096xf32, #tpu.memory_space<hbm>> -> memref<128xf32, #tpu.memory_space<hbm>>
      tpu.enqueue_dma source(%dma_start3A_258 : memref<128xf32, #tpu.memory_space<hbm>>) target(%arg6 : memref<128xf32, #tpu.memory_space<vmem>>) target_semaphore(%run_scoped3A : memref<!tpu.dma_semaphore, #tpu.memory_space<semaphore_mem>>)
      %dma_wait3A = tpu.memref_slice %arg3[%mul3A_2] : memref<4096xf32, #tpu.memory_space<hbm>> -> memref<128xf32, #tpu.memory_space<hbm>>
      %dma_wait3A_259 = tpu.memref_slice %arg3[%mul3A_2] : memref<4096xf32, #tpu.memory_space<hbm>> -> memref<128xf32, #tpu.memory_space<hbm>>
      tpu.wait_dma2 semaphore(%run_scoped3A : memref<!tpu.dma_semaphore, #tpu.memory_space<semaphore_mem>>) src(%dma_wait3A_259 : memref<128xf32, #tpu.memory_space<hbm>>) dst(%arg6 : memref<128xf32, #tpu.memory_space<vmem>>)
      tpu.yield
    }) : () -> ()
    %iota3A = tpu.iota {dimensions = array<i32: 0>} : vector<16xi32>
    %add3A_3 = arith.constant 2 : i32
    %add3A_4 = vector.broadcast %add3A_3 : i32 to vector<16xi32>
    %add3A_5 = arith.addi %iota3A, %add3A_4 : vector<16xi32>
    %convert_element_type3A = arith.sitofp %add3A_5 : vector<16xi32> to vector<16xf32>
    %bitcast3A = vector.bitcast %convert_element_type3A : vector<16xf32> to vector<16xi32>
    %add3A_6 = arith.constant 4913933 : i32
    %add3A_7 = vector.broadcast %add3A_6 : i32 to vector<16xi32>
    %add3A_8 = arith.addi %bitcast3A, %add3A_7 : vector<16xi32>
    %shift_right_arithmetic3A = arith.constant 23 : i32
    %shift_right_arithmetic3A_9 = vector.broadcast %shift_right_arithmetic3A : i32 to vector<16xi32>
    %shift_right_arithmetic3A_10 = arith.shrsi %add3A_8, %shift_right_arithmetic3A_9 : vector<16xi32>
    %sub3A = arith.constant 127 : i32
    %sub3A_11 = vector.broadcast %sub3A : i32 to vector<16xi32>
    %sub3A_12 = arith.subi %shift_right_arithmetic3A_10, %sub3A_11 : vector<16xi32>
    %and3A = arith.constant 8388607 : i32
    %and3A_13 = vector.broadcast %and3A : i32 to vector<16xi32>
    %and3A_14 = arith.andi %add3A_8, %and3A_13 : vector<16xi32>
    %add3A_15 = arith.constant 1060439283 : i32
    %add3A_16 = vector.broadcast %add3A_15 : i32 to vector<16xi32>
    %add3A_17 = arith.addi %and3A_14, %add3A_16 : vector<16xi32>
    %bitcast3A_18 = vector.bitcast %add3A_17 : vector<16xi32> to vector<16xf32>
    %sub3A_19 = arith.constant 1.000000e+00 : f32
    %sub3A_20 = vector.broadcast %sub3A_19 : f32 to vector<16xf32>
    %sub3A_21 = arith.subf %bitcast3A_18, %sub3A_20 : vector<16xf32>
    %add3A_22 = arith.constant 2.000000e+00 : f32
    %add3A_23 = vector.broadcast %add3A_22 : f32 to vector<16xf32>
    %add3A_24 = arith.addf %add3A_23, %sub3A_21 : vector<16xf32>
    %div3A = arith.divf %sub3A_21, %add3A_24 : vector<16xf32>
    %mul3A_25 = arith.mulf %div3A, %div3A : vector<16xf32>
    %mul3A_26 = arith.mulf %mul3A_25, %mul3A_25 : vector<16xf32>
    %mul3A_27 = arith.constant 0.242790788 : f32
    %mul3A_28 = vector.broadcast %mul3A_27 : f32 to vector<16xf32>
    %mul3A_29 = arith.mulf %mul3A_26, %mul3A_28 : vector<16xf32>
    %add3A_30 = arith.constant 0.400009722 : f32
    %add3A_31 = vector.broadcast %add3A_30 : f32 to vector<16xf32>
    %add3A_32 = arith.addf %add3A_31, %mul3A_29 : vector<16xf32>
    %mul3A_33 = arith.mulf %mul3A_26, %add3A_32 : vector<16xf32>
    %mul3A_34 = arith.constant 0.284987867 : f32
    %mul3A_35 = vector.broadcast %mul3A_34 : f32 to vector<16xf32>
    %mul3A_36 = arith.mulf %mul3A_26, %mul3A_35 : vector<16xf32>
    %add3A_37 = arith.constant 0.666666627 : f32
    %add3A_38 = vector.broadcast %add3A_37 : f32 to vector<16xf32>
    %add3A_39 = arith.addf %add3A_38, %mul3A_36 : vector<16xf32>
    %mul3A_40 = arith.mulf %mul3A_25, %add3A_39 : vector<16xf32>
    %add3A_41 = arith.addf %mul3A_40, %mul3A_33 : vector<16xf32>
    %mul3A_42 = arith.constant 5.000000e-01 : f32
    %mul3A_43 = vector.broadcast %mul3A_42 : f32 to vector<16xf32>
    %mul3A_44 = arith.mulf %mul3A_43, %sub3A_21 : vector<16xf32>
    %mul3A_45 = arith.mulf %mul3A_44, %sub3A_21 : vector<16xf32>
    %convert_element_type3A_46 = arith.sitofp %sub3A_12 : vector<16xi32> to vector<16xf32>
    %mul3A_47 = arith.constant 0.693147182 : f32
    %mul3A_48 = vector.broadcast %mul3A_47 : f32 to vector<16xf32>
    %mul3A_49 = arith.mulf %convert_element_type3A_46, %mul3A_48 : vector<16xf32>
    %add3A_50 = arith.addf %mul3A_45, %add3A_41 : vector<16xf32>
    %mul3A_51 = arith.mulf %div3A, %add3A_50 : vector<16xf32>
    %sub3A_52 = arith.subf %mul3A_45, %mul3A_51 : vector<16xf32>
    %sub3A_53 = arith.subf %sub3A_21, %sub3A_52 : vector<16xf32>
    %add3A_54 = arith.addf %mul3A_49, %sub3A_53 : vector<16xf32>
    %div3A_55 = arith.constant 0.693147182 : f32
    %div3A_56 = vector.broadcast %div3A_55 : f32 to vector<16xf32>
    %div3A_57 = arith.divf %div3A_56, %add3A_54 : vector<16xf32>
    %swap3A = arith.constant 0 : index
    %swap3A_58 = tpu.vector_load %arg7[%swap3A] {strides = array<i32>} : memref<64xf32, #tpu.memory_space<vmem>>, vector<16xf32>,
    tpu.vector_store %arg7[%swap3A], %div3A_57 {strides = array<i32>} : memref<64xf32, #tpu.memory_space<vmem>>, vector<16xf32>,
    %add3A_59 = arith.constant 18 : i32
    %add3A_60 = vector.broadcast %add3A_59 : i32 to vector<16xi32>
    %add3A_61 = arith.addi %iota3A, %add3A_60 : vector<16xi32>
    %convert_element_type3A_62 = arith.sitofp %add3A_61 : vector<16xi32> to vector<16xf32>
    %bitcast3A_63 = vector.bitcast %convert_element_type3A_62 : vector<16xf32> to vector<16xi32>
    %add3A_64 = arith.constant 4913933 : i32
    %add3A_65 = vector.broadcast %add3A_64 : i32 to vector<16xi32>
    %add3A_66 = arith.addi %bitcast3A_63, %add3A_65 : vector<16xi32>
    %shift_right_arithmetic3A_67 = arith.constant 23 : i32
    %shift_right_arithmetic3A_68 = vector.broadcast %shift_right_arithmetic3A_67 : i32 to vector<16xi32>
    %shift_right_arithmetic3A_69 = arith.shrsi %add3A_66, %shift_right_arithmetic3A_68 : vector<16xi32>
    %sub3A_70 = arith.constant 127 : i32
    %sub3A_71 = vector.broadcast %sub3A_70 : i32 to vector<16xi32>
    %sub3A_72 = arith.subi %shift_right_arithmetic3A_69, %sub3A_71 : vector<16xi32>
    %and3A_73 = arith.constant 8388607 : i32
    %and3A_74 = vector.broadcast %and3A_73 : i32 to vector<16xi32>
    %and3A_75 = arith.andi %add3A_66, %and3A_74 : vector<16xi32>
    %add3A_76 = arith.constant 1060439283 : i32
    %add3A_77 = vector.broadcast %add3A_76 : i32 to vector<16xi32>
    %add3A_78 = arith.addi %and3A_75, %add3A_77 : vector<16xi32>
    %bitcast3A_79 = vector.bitcast %add3A_78 : vector<16xi32> to vector<16xf32>
    %sub3A_80 = arith.constant 1.000000e+00 : f32
    %sub3A_81 = vector.broadcast %sub3A_80 : f32 to vector<16xf32>
    %sub3A_82 = arith.subf %bitcast3A_79, %sub3A_81 : vector<16xf32>
    %add3A_83 = arith.constant 2.000000e+00 : f32
    %add3A_84 = vector.broadcast %add3A_83 : f32 to vector<16xf32>
    %add3A_85 = arith.addf %add3A_84, %sub3A_82 : vector<16xf32>
    %div3A_86 = arith.divf %sub3A_82, %add3A_85 : vector<16xf32>
    %mul3A_87 = arith.mulf %div3A_86, %div3A_86 : vector<16xf32>
    %mul3A_88 = arith.mulf %mul3A_87, %mul3A_87 : vector<16xf32>
    %mul3A_89 = arith.constant 0.242790788 : f32
    %mul3A_90 = vector.broadcast %mul3A_89 : f32 to vector<16xf32>
    %mul3A_91 = arith.mulf %mul3A_88, %mul3A_90 : vector<16xf32>
    %add3A_92 = arith.constant 0.400009722 : f32
    %add3A_93 = vector.broadcast %add3A_92 : f32 to vector<16xf32>
    %add3A_94 = arith.addf %add3A_93, %mul3A_91 : vector<16xf32>
    %mul3A_95 = arith.mulf %mul3A_88, %add3A_94 : vector<16xf32>
    %mul3A_96 = arith.constant 0.284987867 : f32
    %mul3A_97 = vector.broadcast %mul3A_96 : f32 to vector<16xf32>
    %mul3A_98 = arith.mulf %mul3A_88, %mul3A_97 : vector<16xf32>
    %add3A_99 = arith.constant 0.666666627 : f32
    %add3A_100 = vector.broadcast %add3A_99 : f32 to vector<16xf32>
    %add3A_101 = arith.addf %add3A_100, %mul3A_98 : vector<16xf32>
    %mul3A_102 = arith.mulf %mul3A_87, %add3A_101 : vector<16xf32>
    %add3A_103 = arith.addf %mul3A_102, %mul3A_95 : vector<16xf32>
    %mul3A_104 = arith.constant 5.000000e-01 : f32
    %mul3A_105 = vector.broadcast %mul3A_104 : f32 to vector<16xf32>
    %mul3A_106 = arith.mulf %mul3A_105, %sub3A_82 : vector<16xf32>
    %mul3A_107 = arith.mulf %mul3A_106, %sub3A_82 : vector<16xf32>
    %convert_element_type3A_108 = arith.sitofp %sub3A_72 : vector<16xi32> to vector<16xf32>
    %mul3A_109 = arith.constant 0.693147182 : f32
    %mul3A_110 = vector.broadcast %mul3A_109 : f32 to vector<16xf32>
    %mul3A_111 = arith.mulf %convert_element_type3A_108, %mul3A_110 : vector<16xf32>
    %add3A_112 = arith.addf %mul3A_107, %add3A_103 : vector<16xf32>
    %mul3A_113 = arith.mulf %div3A_86, %add3A_112 : vector<16xf32>
    %sub3A_114 = arith.subf %mul3A_107, %mul3A_113 : vector<16xf32>
    %sub3A_115 = arith.subf %sub3A_82, %sub3A_114 : vector<16xf32>
    %add3A_116 = arith.addf %mul3A_111, %sub3A_115 : vector<16xf32>
    %div3A_117 = arith.constant 0.693147182 : f32
    %div3A_118 = vector.broadcast %div3A_117 : f32 to vector<16xf32>
    %div3A_119 = arith.divf %div3A_118, %add3A_116 : vector<16xf32>
    %swap3A_120 = arith.constant 16 : index
    %swap3A_121 = tpu.vector_load %arg7[%swap3A_120] {strides = array<i32>} : memref<64xf32, #tpu.memory_space<vmem>>, vector<16xf32>,
    tpu.vector_store %arg7[%swap3A_120], %div3A_119 {strides = array<i32>} : memref<64xf32, #tpu.memory_space<vmem>>, vector<16xf32>,
    %add3A_122 = arith.constant 34 : i32
    %add3A_123 = vector.broadcast %add3A_122 : i32 to vector<16xi32>
    %add3A_124 = arith.addi %iota3A, %add3A_123 : vector<16xi32>
    %convert_element_type3A_125 = arith.sitofp %add3A_124 : vector<16xi32> to vector<16xf32>
    %bitcast3A_126 = vector.bitcast %convert_element_type3A_125 : vector<16xf32> to vector<16xi32>
    %add3A_127 = arith.constant 4913933 : i32
    %add3A_128 = vector.broadcast %add3A_127 : i32 to vector<16xi32>
    %add3A_129 = arith.addi %bitcast3A_126, %add3A_128 : vector<16xi32>
    %shift_right_arithmetic3A_130 = arith.constant 23 : i32
    %shift_right_arithmetic3A_131 = vector.broadcast %shift_right_arithmetic3A_130 : i32 to vector<16xi32>
    %shift_right_arithmetic3A_132 = arith.shrsi %add3A_129, %shift_right_arithmetic3A_131 : vector<16xi32>
    %sub3A_133 = arith.constant 127 : i32
    %sub3A_134 = vector.broadcast %sub3A_133 : i32 to vector<16xi32>
    %sub3A_135 = arith.subi %shift_right_arithmetic3A_132, %sub3A_134 : vector<16xi32>
    %and3A_136 = arith.constant 8388607 : i32
    %and3A_137 = vector.broadcast %and3A_136 : i32 to vector<16xi32>
    %and3A_138 = arith.andi %add3A_129, %and3A_137 : vector<16xi32>
    %add3A_139 = arith.constant 1060439283 : i32
    %add3A_140 = vector.broadcast %add3A_139 : i32 to vector<16xi32>
    %add3A_141 = arith.addi %and3A_138, %add3A_140 : vector<16xi32>
    %bitcast3A_142 = vector.bitcast %add3A_141 : vector<16xi32> to vector<16xf32>
    %sub3A_143 = arith.constant 1.000000e+00 : f32
    %sub3A_144 = vector.broadcast %sub3A_143 : f32 to vector<16xf32>
    %sub3A_145 = arith.subf %bitcast3A_142, %sub3A_144 : vector<16xf32>
    %add3A_146 = arith.constant 2.000000e+00 : f32
    %add3A_147 = vector.broadcast %add3A_146 : f32 to vector<16xf32>
    %add3A_148 = arith.addf %add3A_147, %sub3A_145 : vector<16xf32>
    %div3A_149 = arith.divf %sub3A_145, %add3A_148 : vector<16xf32>
    %mul3A_150 = arith.mulf %div3A_149, %div3A_149 : vector<16xf32>
    %mul3A_151 = arith.mulf %mul3A_150, %mul3A_150 : vector<16xf32>
    %mul3A_152 = arith.constant 0.242790788 : f32
    %mul3A_153 = vector.broadcast %mul3A_152 : f32 to vector<16xf32>
    %mul3A_154 = arith.mulf %mul3A_151, %mul3A_153 : vector<16xf32>
    %add3A_155 = arith.constant 0.400009722 : f32
    %add3A_156 = vector.broadcast %add3A_155 : f32 to vector<16xf32>
    %add3A_157 = arith.addf %add3A_156, %mul3A_154 : vector<16xf32>
    %mul3A_158 = arith.mulf %mul3A_151, %add3A_157 : vector<16xf32>
    %mul3A_159 = arith.constant 0.284987867 : f32
    %mul3A_160 = vector.broadcast %mul3A_159 : f32 to vector<16xf32>
    %mul3A_161 = arith.mulf %mul3A_151, %mul3A_160 : vector<16xf32>
    %add3A_162 = arith.constant 0.666666627 : f32
    %add3A_163 = vector.broadcast %add3A_162 : f32 to vector<16xf32>
    %add3A_164 = arith.addf %add3A_163, %mul3A_161 : vector<16xf32>
    %mul3A_165 = arith.mulf %mul3A_150, %add3A_164 : vector<16xf32>
    %add3A_166 = arith.addf %mul3A_165, %mul3A_158 : vector<16xf32>
    %mul3A_167 = arith.constant 5.000000e-01 : f32
    %mul3A_168 = vector.broadcast %mul3A_167 : f32 to vector<16xf32>
    %mul3A_169 = arith.mulf %mul3A_168, %sub3A_145 : vector<16xf32>
    %mul3A_170 = arith.mulf %mul3A_169, %sub3A_145 : vector<16xf32>
    %convert_element_type3A_171 = arith.sitofp %sub3A_135 : vector<16xi32> to vector<16xf32>
    %mul3A_172 = arith.constant 0.693147182 : f32
    %mul3A_173 = vector.broadcast %mul3A_172 : f32 to vector<16xf32>
    %mul3A_174 = arith.mulf %convert_element_type3A_171, %mul3A_173 : vector<16xf32>
    %add3A_175 = arith.addf %mul3A_170, %add3A_166 : vector<16xf32>
    %mul3A_176 = arith.mulf %div3A_149, %add3A_175 : vector<16xf32>
    %sub3A_177 = arith.subf %mul3A_170, %mul3A_176 : vector<16xf32>
    %sub3A_178 = arith.subf %sub3A_145, %sub3A_177 : vector<16xf32>
    %add3A_179 = arith.addf %mul3A_174, %sub3A_178 : vector<16xf32>
    %div3A_180 = arith.constant 0.693147182 : f32
    %div3A_181 = vector.broadcast %div3A_180 : f32 to vector<16xf32>
    %div3A_182 = arith.divf %div3A_181, %add3A_179 : vector<16xf32>
    %swap3A_183 = arith.constant 32 : index
    %swap3A_184 = tpu.vector_load %arg7[%swap3A_183] {strides = array<i32>} : memref<64xf32, #tpu.memory_space<vmem>>, vector<16xf32>,
    tpu.vector_store %arg7[%swap3A_183], %div3A_182 {strides = array<i32>} : memref<64xf32, #tpu.memory_space<vmem>>, vector<16xf32>,
    %add3A_185 = arith.constant 50 : i32
    %add3A_186 = vector.broadcast %add3A_185 : i32 to vector<16xi32>
    %add3A_187 = arith.addi %iota3A, %add3A_186 : vector<16xi32>
    %convert_element_type3A_188 = arith.sitofp %add3A_187 : vector<16xi32> to vector<16xf32>
    %bitcast3A_189 = vector.bitcast %convert_element_type3A_188 : vector<16xf32> to vector<16xi32>
    %add3A_190 = arith.constant 4913933 : i32
    %add3A_191 = vector.broadcast %add3A_190 : i32 to vector<16xi32>
    %add3A_192 = arith.addi %bitcast3A_189, %add3A_191 : vector<16xi32>
    %shift_right_arithmetic3A_193 = arith.constant 23 : i32
    %shift_right_arithmetic3A_194 = vector.broadcast %shift_right_arithmetic3A_193 : i32 to vector<16xi32>
    %shift_right_arithmetic3A_195 = arith.shrsi %add3A_192, %shift_right_arithmetic3A_194 : vector<16xi32>
    %sub3A_196 = arith.constant 127 : i32
    %sub3A_197 = vector.broadcast %sub3A_196 : i32 to vector<16xi32>
    %sub3A_198 = arith.subi %shift_right_arithmetic3A_195, %sub3A_197 : vector<16xi32>
    %and3A_199 = arith.constant 8388607 : i32
    %and3A_200 = vector.broadcast %and3A_199 : i32 to vector<16xi32>
    %and3A_201 = arith.andi %add3A_192, %and3A_200 : vector<16xi32>
    %add3A_202 = arith.constant 1060439283 : i32
    %add3A_203 = vector.broadcast %add3A_202 : i32 to vector<16xi32>
    %add3A_204 = arith.addi %and3A_201, %add3A_203 : vector<16xi32>
    %bitcast3A_205 = vector.bitcast %add3A_204 : vector<16xi32> to vector<16xf32>
    %sub3A_206 = arith.constant 1.000000e+00 : f32
    %sub3A_207 = vector.broadcast %sub3A_206 : f32 to vector<16xf32>
    %sub3A_208 = arith.subf %bitcast3A_205, %sub3A_207 : vector<16xf32>
    %add3A_209 = arith.constant 2.000000e+00 : f32
    %add3A_210 = vector.broadcast %add3A_209 : f32 to vector<16xf32>
    %add3A_211 = arith.addf %add3A_210, %sub3A_208 : vector<16xf32>
    %div3A_212 = arith.divf %sub3A_208, %add3A_211 : vector<16xf32>
    %mul3A_213 = arith.mulf %div3A_212, %div3A_212 : vector<16xf32>
    %mul3A_214 = arith.mulf %mul3A_213, %mul3A_213 : vector<16xf32>
    %mul3A_215 = arith.constant 0.242790788 : f32
    %mul3A_216 = vector.broadcast %mul3A_215 : f32 to vector<16xf32>
    %mul3A_217 = arith.mulf %mul3A_214, %mul3A_216 : vector<16xf32>
    %add3A_218 = arith.constant 0.400009722 : f32
    %add3A_219 = vector.broadcast %add3A_218 : f32 to vector<16xf32>
    %add3A_220 = arith.addf %add3A_219, %mul3A_217 : vector<16xf32>
    %mul3A_221 = arith.mulf %mul3A_214, %add3A_220 : vector<16xf32>
    %mul3A_222 = arith.constant 0.284987867 : f32
    %mul3A_223 = vector.broadcast %mul3A_222 : f32 to vector<16xf32>
    %mul3A_224 = arith.mulf %mul3A_214, %mul3A_223 : vector<16xf32>
    %add3A_225 = arith.constant 0.666666627 : f32
    %add3A_226 = vector.broadcast %add3A_225 : f32 to vector<16xf32>
    %add3A_227 = arith.addf %add3A_226, %mul3A_224 : vector<16xf32>
    %mul3A_228 = arith.mulf %mul3A_213, %add3A_227 : vector<16xf32>
    %add3A_229 = arith.addf %mul3A_228, %mul3A_221 : vector<16xf32>
    %mul3A_230 = arith.constant 5.000000e-01 : f32
    %mul3A_231 = vector.broadcast %mul3A_230 : f32 to vector<16xf32>
    %mul3A_232 = arith.mulf %mul3A_231, %sub3A_208 : vector<16xf32>
    %mul3A_233 = arith.mulf %mul3A_232, %sub3A_208 : vector<16xf32>
    %convert_element_type3A_234 = arith.sitofp %sub3A_198 : vector<16xi32> to vector<16xf32>
    %mul3A_235 = arith.constant 0.693147182 : f32
    %mul3A_236 = vector.broadcast %mul3A_235 : f32 to vector<16xf32>
    %mul3A_237 = arith.mulf %convert_element_type3A_234, %mul3A_236 : vector<16xf32>
    %add3A_238 = arith.addf %mul3A_233, %add3A_229 : vector<16xf32>
    %mul3A_239 = arith.mulf %div3A_212, %add3A_238 : vector<16xf32>
    %sub3A_240 = arith.subf %mul3A_233, %mul3A_239 : vector<16xf32>
    %sub3A_241 = arith.subf %sub3A_208, %sub3A_240 : vector<16xf32>
    %add3A_242 = arith.addf %mul3A_237, %sub3A_241 : vector<16xf32>
    %div3A_243 = arith.constant 0.693147182 : f32
    %div3A_244 = vector.broadcast %div3A_243 : f32 to vector<16xf32>
    %div3A_245 = arith.divf %div3A_244, %add3A_242 : vector<16xf32>
    %swap3A_246 = arith.constant 48 : index
    %swap3A_247 = tpu.vector_load %arg7[%swap3A_246] {strides = array<i32>} : memref<64xf32, #tpu.memory_space<vmem>>, vector<16xf32>,
    tpu.vector_store %arg7[%swap3A_246], %div3A_245 {strides = array<i32>} : memref<64xf32, #tpu.memory_space<vmem>>, vector<16xf32>,
    %broadcast_in_dim3A = arith.constant 0.000000e+00 : f32
    %broadcast_in_dim3A_248 = vector.broadcast %broadcast_in_dim3A : f32 to vector<16xf32>
    %scan3A = arith.constant 0 : i32
    %scan3A_249 = arith.constant 2 : i32
    %scan3A_250 = arith.addi %scan3A, %scan3A_249 : i32
    %scan3A_251 = arith.constant 1 : i32
    %scan3A_252 = scf.for %scan3A_258 = %scan3A to %scan3A_250 step %scan3A_251 iter_args(%scan3A_259 = %broadcast_in_dim3A_248) -> (vector<16xf32>)  : i32 {
      %mul3A_260 = arith.constant 64 : i32
      %mul3A_261 = arith.muli %scan3A_258, %mul3A_260 : i32
      %add3A_262 = arith.constant 0 : i32
      %add3A_263 = arith.addi %mul3A_261, %add3A_262 : i32
      %get3A = arith.index_cast %add3A_263 : i32 to index
      %get3A_264 = tpu.vector_load %arg5[%get3A] {strides = array<i32>} : memref<128xf32, #tpu.memory_space<vmem>>, vector<16xf32>,
      %add3A_265 = arith.constant 16 : i32
      %add3A_266 = arith.addi %mul3A_261, %add3A_265 : i32
      %get3A_267 = arith.index_cast %add3A_266 : i32 to index
      %get3A_268 = tpu.vector_load %arg5[%get3A_267] {strides = array<i32>} : memref<128xf32, #tpu.memory_space<vmem>>, vector<16xf32>,
      %add3A_269 = arith.constant 32 : i32
      %add3A_270 = arith.addi %mul3A_261, %add3A_269 : i32
      %get3A_271 = arith.index_cast %add3A_270 : i32 to index
      %get3A_272 = tpu.vector_load %arg5[%get3A_271] {strides = array<i32>} : memref<128xf32, #tpu.memory_space<vmem>>, vector<16xf32>,
      %add3A_273 = arith.constant 48 : i32
      %add3A_274 = arith.addi %mul3A_261, %add3A_273 : i32
      %get3A_275 = arith.index_cast %add3A_274 : i32 to index
      %get3A_276 = tpu.vector_load %arg5[%get3A_275] {strides = array<i32>} : memref<128xf32, #tpu.memory_space<vmem>>, vector<16xf32>,
      %add3A_277 = arith.constant 0 : i32
      %add3A_278 = arith.addi %mul3A_261, %add3A_277 : i32
      %get3A_279 = arith.index_cast %add3A_278 : i32 to index
      %get3A_280 = tpu.vector_load %arg6[%get3A_279] {strides = array<i32>} : memref<128xf32, #tpu.memory_space<vmem>>, vector<16xf32>,
      %add3A_281 = arith.constant 16 : i32
      %add3A_282 = arith.addi %mul3A_261, %add3A_281 : i32
      %get3A_283 = arith.index_cast %add3A_282 : i32 to index
      %get3A_284 = tpu.vector_load %arg6[%get3A_283] {strides = array<i32>} : memref<128xf32, #tpu.memory_space<vmem>>, vector<16xf32>,
      %add3A_285 = arith.constant 32 : i32
      %add3A_286 = arith.addi %mul3A_261, %add3A_285 : i32
      %get3A_287 = arith.index_cast %add3A_286 : i32 to index
      %get3A_288 = tpu.vector_load %arg6[%get3A_287] {strides = array<i32>} : memref<128xf32, #tpu.memory_space<vmem>>, vector<16xf32>,
      %add3A_289 = arith.constant 48 : i32
      %add3A_290 = arith.addi %mul3A_261, %add3A_289 : i32
      %get3A_291 = arith.index_cast %add3A_290 : i32 to index
      %get3A_292 = tpu.vector_load %arg6[%get3A_291] {strides = array<i32>} : memref<128xf32, #tpu.memory_space<vmem>>, vector<16xf32>,
      %add3A_293 = arith.constant 0 : i32
      %add3A_294 = vector.broadcast %add3A_293 : i32 to vector<16xi32>
      %add3A_295 = arith.addi %iota3A, %add3A_294 : vector<16xi32>
      %add3A_296 = arith.constant 16 : i32
      %add3A_297 = vector.broadcast %add3A_296 : i32 to vector<16xi32>
      %add3A_298 = arith.addi %iota3A, %add3A_297 : vector<16xi32>
      %add3A_299 = arith.constant 32 : i32
      %add3A_300 = vector.broadcast %add3A_299 : i32 to vector<16xi32>
      %add3A_301 = arith.addi %iota3A, %add3A_300 : vector<16xi32>
      %add3A_302 = arith.constant 48 : i32
      %add3A_303 = vector.broadcast %add3A_302 : i32 to vector<16xi32>
      %add3A_304 = arith.addi %iota3A, %add3A_303 : vector<16xi32>
      %broadcast_in_dim3A_305 = arith.constant 0 : i32
      %broadcast_in_dim3A_306 = vector.broadcast %broadcast_in_dim3A_305 : i32 to vector<16xi32>
      %broadcast_in_dim3A_307 = arith.constant 0 : i32
      %broadcast_in_dim3A_308 = vector.broadcast %broadcast_in_dim3A_307 : i32 to vector<16xi32>
      %broadcast_in_dim3A_309 = arith.constant 0 : i32
      %broadcast_in_dim3A_310 = vector.broadcast %broadcast_in_dim3A_309 : i32 to vector<16xi32>
      %broadcast_in_dim3A_311 = arith.constant 0 : i32
      %broadcast_in_dim3A_312 = vector.broadcast %broadcast_in_dim3A_311 : i32 to vector<16xi32>
      %broadcast_in_dim3A_313 = arith.constant 0 : i32
      %broadcast_in_dim3A_314 = vector.broadcast %broadcast_in_dim3A_313 : i32 to vector<16xi32>
      %broadcast_in_dim3A_315 = arith.constant 0 : i32
      %broadcast_in_dim3A_316 = vector.broadcast %broadcast_in_dim3A_315 : i32 to vector<16xi32>
      %broadcast_in_dim3A_317 = arith.constant 0 : i32
      %broadcast_in_dim3A_318 = vector.broadcast %broadcast_in_dim3A_317 : i32 to vector<16xi32>
      %broadcast_in_dim3A_319 = arith.constant 0 : i32
      %broadcast_in_dim3A_320 = vector.broadcast %broadcast_in_dim3A_319 : i32 to vector<16xi32>
      %scan3A_321 = arith.constant 0 : i32
      %scan3A_322 = arith.constant 64 : i32
      %scan3A_323 = arith.addi %scan3A_321, %scan3A_322 : i32
      %scan3A_324 = arith.constant 1 : i32
      %scan3A_325:8 = scf.for %scan3A_1763 = %scan3A_321 to %scan3A_323 step %scan3A_324 iter_args(%scan3A_1764 = %broadcast_in_dim3A_306, %scan3A_1765 = %broadcast_in_dim3A_308, %scan3A_1766 = %broadcast_in_dim3A_310, %scan3A_1767 = %broadcast_in_dim3A_312, %scan3A_1768 = %broadcast_in_dim3A_314, %scan3A_1769 = %broadcast_in_dim3A_316, %scan3A_1770 = %broadcast_in_dim3A_318, %scan3A_1771 = %broadcast_in_dim3A_320) -> (vector<16xi32>, vector<16xi32>, vector<16xi32>, vector<16xi32>, vector<16xi32>, vector<16xi32>, vector<16xi32>, vector<16xi32>)  : i32 {
        %broadcast_in_dim3A_1772 = arith.constant 0 : i32
        %broadcast_in_dim3A_1773 = vector.broadcast %broadcast_in_dim3A_1772 : i32 to vector<16xi32>
        %add3A_1774 = vector.broadcast %scan3A_1763 : i32 to vector<16xi32>
        %add3A_1775 = arith.addi %broadcast_in_dim3A_1773, %add3A_1774 : vector<16xi32>
        %add3A_1776 = vector.broadcast %mul3A_261 : i32 to vector<16xi32>
        %add3A_1777 = arith.addi %add3A_1775, %add3A_1776 : vector<16xi32>
        %gather3A_1778 = tpu.vector_load_idx %arg6[%add3A_1777] : memref<128xf32, #tpu.memory_space<vmem>>[vector<16xi32>], vector<16xf32>,
        %gather3A_1779 = tpu.vector_load_idx %arg5[%add3A_1777] : memref<128xf32, #tpu.memory_space<vmem>>[vector<16xi32>], vector<16xf32>,
        %sub3A_1780 = vector.broadcast %mul3A_261 : i32 to vector<16xi32>
        %sub3A_1781 = arith.subi %add3A_1777, %sub3A_1780 : vector<16xi32>
        %lt3A_1782 = arith.cmpi slt, %sub3A_1781, %add3A_295 : vector<16xi32>
        %gt3A_1783 = arith.cmpf ogt, %gather3A_1778, %get3A_280 : vector<16xf32>
        %eq3A_1784 = arith.cmpf oeq, %gather3A_1778, %get3A_280 : vector<16xf32>
        %and3A_1785 = arith.andi %eq3A_1784, %lt3A_1782 : vector<16xi1>
        %or3A_1786 = arith.ori %gt3A_1783, %and3A_1785 : vector<16xi1>
        %gt3A_1787 = arith.cmpf ogt, %gather3A_1779, %get3A_264 : vector<16xf32>
        %eq3A_1788 = arith.cmpf oeq, %gather3A_1779, %get3A_264 : vector<16xf32>
        %and3A_1789 = arith.andi %eq3A_1788, %lt3A_1782 : vector<16xi1>
        %or3A_1790 = arith.ori %gt3A_1787, %and3A_1789 : vector<16xi1>
        %convert_element_type3A_1791 = arith.extui %or3A_1786 : vector<16xi1> to vector<16xi32>
        %add3A_1792 = arith.addi %scan3A_1764, %convert_element_type3A_1791 : vector<16xi32>
        %convert_element_type3A_1793 = arith.extui %or3A_1790 : vector<16xi1> to vector<16xi32>
        %add3A_1794 = arith.addi %scan3A_1768, %convert_element_type3A_1793 : vector<16xi32>
        %lt3A_1795 = arith.cmpi slt, %sub3A_1781, %add3A_298 : vector<16xi32>
        %gt3A_1796 = arith.cmpf ogt, %gather3A_1778, %get3A_284 : vector<16xf32>
        %eq3A_1797 = arith.cmpf oeq, %gather3A_1778, %get3A_284 : vector<16xf32>
        %and3A_1798 = arith.andi %eq3A_1797, %lt3A_1795 : vector<16xi1>
        %or3A_1799 = arith.ori %gt3A_1796, %and3A_1798 : vector<16xi1>
        %gt3A_1800 = arith.cmpf ogt, %gather3A_1779, %get3A_268 : vector<16xf32>
        %eq3A_1801 = arith.cmpf oeq, %gather3A_1779, %get3A_268 : vector<16xf32>
        %and3A_1802 = arith.andi %eq3A_1801, %lt3A_1795 : vector<16xi1>
        %or3A_1803 = arith.ori %gt3A_1800, %and3A_1802 : vector<16xi1>
        %convert_element_type3A_1804 = arith.extui %or3A_1799 : vector<16xi1> to vector<16xi32>
        %add3A_1805 = arith.addi %scan3A_1765, %convert_element_type3A_1804 : vector<16xi32>
        %convert_element_type3A_1806 = arith.extui %or3A_1803 : vector<16xi1> to vector<16xi32>
        %add3A_1807 = arith.addi %scan3A_1769, %convert_element_type3A_1806 : vector<16xi32>
        %lt3A_1808 = arith.cmpi slt, %sub3A_1781, %add3A_301 : vector<16xi32>
        %gt3A_1809 = arith.cmpf ogt, %gather3A_1778, %get3A_288 : vector<16xf32>
        %eq3A_1810 = arith.cmpf oeq, %gather3A_1778, %get3A_288 : vector<16xf32>
        %and3A_1811 = arith.andi %eq3A_1810, %lt3A_1808 : vector<16xi1>
        %or3A_1812 = arith.ori %gt3A_1809, %and3A_1811 : vector<16xi1>
        %gt3A_1813 = arith.cmpf ogt, %gather3A_1779, %get3A_272 : vector<16xf32>
        %eq3A_1814 = arith.cmpf oeq, %gather3A_1779, %get3A_272 : vector<16xf32>
        %and3A_1815 = arith.andi %eq3A_1814, %lt3A_1808 : vector<16xi1>
        %or3A_1816 = arith.ori %gt3A_1813, %and3A_1815 : vector<16xi1>
        %convert_element_type3A_1817 = arith.extui %or3A_1812 : vector<16xi1> to vector<16xi32>
        %add3A_1818 = arith.addi %scan3A_1766, %convert_element_type3A_1817 : vector<16xi32>
        %convert_element_type3A_1819 = arith.extui %or3A_1816 : vector<16xi1> to vector<16xi32>
        %add3A_1820 = arith.addi %scan3A_1770, %convert_element_type3A_1819 : vector<16xi32>
        %lt3A_1821 = arith.cmpi slt, %sub3A_1781, %add3A_304 : vector<16xi32>
        %gt3A_1822 = arith.cmpf ogt, %gather3A_1778, %get3A_292 : vector<16xf32>
        %eq3A_1823 = arith.cmpf oeq, %gather3A_1778, %get3A_292 : vector<16xf32>
        %and3A_1824 = arith.andi %eq3A_1823, %lt3A_1821 : vector<16xi1>
        %or3A_1825 = arith.ori %gt3A_1822, %and3A_1824 : vector<16xi1>
        %gt3A_1826 = arith.cmpf ogt, %gather3A_1779, %get3A_276 : vector<16xf32>
        %eq3A_1827 = arith.cmpf oeq, %gather3A_1779, %get3A_276 : vector<16xf32>
        %and3A_1828 = arith.andi %eq3A_1827, %lt3A_1821 : vector<16xi1>
        %or3A_1829 = arith.ori %gt3A_1826, %and3A_1828 : vector<16xi1>
        %convert_element_type3A_1830 = arith.extui %or3A_1825 : vector<16xi1> to vector<16xi32>
        %add3A_1831 = arith.addi %scan3A_1767, %convert_element_type3A_1830 : vector<16xi32>
        %convert_element_type3A_1832 = arith.extui %or3A_1829 : vector<16xi1> to vector<16xi32>
        %add3A_1833 = arith.addi %scan3A_1771, %convert_element_type3A_1832 : vector<16xi32>
        scf.yield %add3A_1792, %add3A_1805, %add3A_1818, %add3A_1831, %add3A_1794, %add3A_1807, %add3A_1820, %add3A_1833 : vector<16xi32>, vector<16xi32>, vector<16xi32>, vector<16xi32>, vector<16xi32>, vector<16xi32>, vector<16xi32>, vector<16xi32>
      }
      %scan3A_326 = arith.constant 64 : i32
      %mul3A_327 = arith.constant 0.693147182 : f32
      %mul3A_328 = vector.broadcast %mul3A_327 : f32 to vector<16xf32>
      %mul3A_329 = arith.mulf %get3A_280, %mul3A_328 : vector<16xf32>
      %exp3A = math.exp %mul3A_329 : vector<16xf32>
      %sub3A_330 = arith.constant 1.000000e+00 : f32
      %sub3A_331 = vector.broadcast %sub3A_330 : f32 to vector<16xf32>
      %sub3A_332 = arith.subf %exp3A, %sub3A_331 : vector<16xf32>
      %mul3A_333 = arith.constant 0.693147182 : f32
      %mul3A_334 = vector.broadcast %mul3A_333 : f32 to vector<16xf32>
      %mul3A_335 = arith.mulf %get3A_284, %mul3A_334 : vector<16xf32>
      %exp3A_336 = math.exp %mul3A_335 : vector<16xf32>
      %sub3A_337 = arith.constant 1.000000e+00 : f32
      %sub3A_338 = vector.broadcast %sub3A_337 : f32 to vector<16xf32>
      %sub3A_339 = arith.subf %exp3A_336, %sub3A_338 : vector<16xf32>
      %mul3A_340 = arith.constant 0.693147182 : f32
      %mul3A_341 = vector.broadcast %mul3A_340 : f32 to vector<16xf32>
      %mul3A_342 = arith.mulf %get3A_288, %mul3A_341 : vector<16xf32>
      %exp3A_343 = math.exp %mul3A_342 : vector<16xf32>
      %sub3A_344 = arith.constant 1.000000e+00 : f32
      %sub3A_345 = vector.broadcast %sub3A_344 : f32 to vector<16xf32>
      %sub3A_346 = arith.subf %exp3A_343, %sub3A_345 : vector<16xf32>
      %mul3A_347 = arith.constant 0.693147182 : f32
      %mul3A_348 = vector.broadcast %mul3A_347 : f32 to vector<16xf32>
      %mul3A_349 = arith.mulf %get3A_292, %mul3A_348 : vector<16xf32>
      %exp3A_350 = math.exp %mul3A_349 : vector<16xf32>
      %sub3A_351 = arith.constant 1.000000e+00 : f32
      %sub3A_352 = vector.broadcast %sub3A_351 : f32 to vector<16xf32>
      %sub3A_353 = arith.subf %exp3A_350, %sub3A_352 : vector<16xf32>
      %gather3A = tpu.vector_load_idx %arg7[%scan3A_325#4] : memref<64xf32, #tpu.memory_space<vmem>>[vector<16xi32>], vector<16xf32>,
      %gather3A_354 = tpu.vector_load_idx %arg7[%scan3A_325#5] : memref<64xf32, #tpu.memory_space<vmem>>[vector<16xi32>], vector<16xf32>,
      %gather3A_355 = tpu.vector_load_idx %arg7[%scan3A_325#6] : memref<64xf32, #tpu.memory_space<vmem>>[vector<16xi32>], vector<16xf32>,
      %gather3A_356 = tpu.vector_load_idx %arg7[%scan3A_325#7] : memref<64xf32, #tpu.memory_space<vmem>>[vector<16xi32>], vector<16xf32>,
      %gather3A_357 = tpu.vector_load_idx %arg7[%scan3A_325#0] : memref<64xf32, #tpu.memory_space<vmem>>[vector<16xi32>], vector<16xf32>,
      %gather3A_358 = tpu.vector_load_idx %arg7[%scan3A_325#1] : memref<64xf32, #tpu.memory_space<vmem>>[vector<16xi32>], vector<16xf32>,
      %gather3A_359 = tpu.vector_load_idx %arg7[%scan3A_325#2] : memref<64xf32, #tpu.memory_space<vmem>>[vector<16xi32>], vector<16xf32>,
      %gather3A_360 = tpu.vector_load_idx %arg7[%scan3A_325#3] : memref<64xf32, #tpu.memory_space<vmem>>[vector<16xi32>], vector<16xf32>,
      %lt3A = arith.constant 10 : i32
      %lt3A_361 = vector.broadcast %lt3A : i32 to vector<16xi32>
      %lt3A_362 = arith.cmpi slt, %scan3A_325#0, %lt3A_361 : vector<16xi32>
      %mul3A_363 = arith.mulf %sub3A_332, %gather3A_357 : vector<16xf32>
      %jit3A = arith.constant 0.000000e+00 : f32
      %broadcast_in_dim3A_364 = vector.broadcast %jit3A : f32 to vector<16xf32>
      %select_n3A = arith.select %lt3A_362, %mul3A_363, %broadcast_in_dim3A_364 : vector<16xi1>, vector<16xf32>
      %reduce_sum3A = arith.constant true
      %reduce_sum3A_365 = vector.broadcast %reduce_sum3A : i1 to vector<16xi1>
      %reduce_sum3A_366 = tpu.scan <sum>, %select_n3A masked %reduce_sum3A_365 : vector<16xf32>, vector<16xi1> -> vector<16xf32>
      %reduce_sum3A_367 = vector.extract %reduce_sum3A_366[15] : f32 from vector<16xf32>
      %add3A_368 = arith.constant 0.000000e+00 : f32
      %add3A_369 = arith.addf %add3A_368, %reduce_sum3A_367 : f32
      %lt3A_370 = arith.constant 10 : i32
      %lt3A_371 = vector.broadcast %lt3A_370 : i32 to vector<16xi32>
      %lt3A_372 = arith.cmpi slt, %scan3A_325#4, %lt3A_371 : vector<16xi32>
      %mul3A_373 = arith.mulf %sub3A_332, %gather3A : vector<16xf32>
      %jit3A_374 = arith.constant 0.000000e+00 : f32
      %broadcast_in_dim3A_375 = vector.broadcast %jit3A_374 : f32 to vector<16xf32>
      %select_n3A_376 = arith.select %lt3A_372, %mul3A_373, %broadcast_in_dim3A_375 : vector<16xi1>, vector<16xf32>
      %reduce_sum3A_377 = arith.constant true
      %reduce_sum3A_378 = vector.broadcast %reduce_sum3A_377 : i1 to vector<16xi1>
      %reduce_sum3A_379 = tpu.scan <sum>, %select_n3A_376 masked %reduce_sum3A_378 : vector<16xf32>, vector<16xi1> -> vector<16xf32>
      %reduce_sum3A_380 = vector.extract %reduce_sum3A_379[15] : f32 from vector<16xf32>
      %add3A_381 = arith.constant 0.000000e+00 : f32
      %add3A_382 = arith.addf %add3A_381, %reduce_sum3A_380 : f32
      %gt3A = arith.constant 5.000000e-01 : f32
      %gt3A_383 = vector.broadcast %gt3A : f32 to vector<16xf32>
      %gt3A_384 = arith.cmpf ogt, %get3A_280, %gt3A_383 : vector<16xf32>
      %jit3A_385 = arith.constant 1.000000e+00 : f32
      %jit3A_386 = arith.constant 0.000000e+00 : f32
      %broadcast_in_dim3A_387 = vector.broadcast %jit3A_385 : f32 to vector<16xf32>
      %broadcast_in_dim3A_388 = vector.broadcast %jit3A_386 : f32 to vector<16xf32>
      %select_n3A_389 = arith.select %gt3A_384, %broadcast_in_dim3A_387, %broadcast_in_dim3A_388 : vector<16xi1>, vector<16xf32>
      %reduce_sum3A_390 = arith.constant true
      %reduce_sum3A_391 = vector.broadcast %reduce_sum3A_390 : i1 to vector<16xi1>
      %reduce_sum3A_392 = tpu.scan <sum>, %select_n3A_389 masked %reduce_sum3A_391 : vector<16xf32>, vector<16xi1> -> vector<16xf32>
      %reduce_sum3A_393 = vector.extract %reduce_sum3A_392[15] : f32 from vector<16xf32>
      %add3A_394 = arith.constant 0.000000e+00 : f32
      %add3A_395 = arith.addf %add3A_394, %reduce_sum3A_393 : f32
      %reduce_max3A = arith.constant true
      %reduce_max3A_396 = vector.broadcast %reduce_max3A : i1 to vector<16xi1>
      %reduce_max3A_397 = tpu.scan <max>, %get3A_264 masked %reduce_max3A_396 : vector<16xf32>, vector<16xi1> -> vector<16xf32>
      %reduce_max3A_398 = vector.extract %reduce_max3A_397[15] : f32 from vector<16xf32>
      %max3A = arith.constant 0xFF800000 : f32
      %max3A_399 = arith.maximumf %max3A, %reduce_max3A_398 : f32
      %reduce_sum3A_400 = arith.constant true
      %reduce_sum3A_401 = vector.broadcast %reduce_sum3A_400 : i1 to vector<16xi1>
      %reduce_sum3A_402 = tpu.scan <sum>, %get3A_264 masked %reduce_sum3A_401 : vector<16xf32>, vector<16xi1> -> vector<16xf32>
      %reduce_sum3A_403 = vector.extract %reduce_sum3A_402[15] : f32 from vector<16xf32>
      %add3A_404 = arith.constant 0.000000e+00 : f32
      %add3A_405 = arith.addf %add3A_404, %reduce_sum3A_403 : f32
      %swap3A_406 = arith.constant 0 : index
      %swap3A_407 = tpu.vector_load %arg8[%swap3A_406] {strides = array<i32>} : memref<64xf32, #tpu.memory_space<vmem>>, vector<16xf32>,
      tpu.vector_store %arg8[%swap3A_406], %sub3A_332 {strides = array<i32>} : memref<64xf32, #tpu.memory_space<vmem>>, vector<16xf32>,
      %swap3A_408 = arith.constant 0 : index
      %swap3A_409 = tpu.vector_load %arg9[%swap3A_408] {strides = array<i32>} : memref<64xf32, #tpu.memory_space<vmem>>, vector<16xf32>,
      tpu.vector_store %arg9[%swap3A_408], %gather3A {strides = array<i32>} : memref<64xf32, #tpu.memory_space<vmem>>, vector<16xf32>,
      %lt3A_410 = arith.constant 10 : i32
      %lt3A_411 = vector.broadcast %lt3A_410 : i32 to vector<16xi32>
      %lt3A_412 = arith.cmpi slt, %scan3A_325#1, %lt3A_411 : vector<16xi32>
      %mul3A_413 = arith.mulf %sub3A_339, %gather3A_358 : vector<16xf32>
      %jit3A_414 = arith.constant 0.000000e+00 : f32
      %broadcast_in_dim3A_415 = vector.broadcast %jit3A_414 : f32 to vector<16xf32>
      %select_n3A_416 = arith.select %lt3A_412, %mul3A_413, %broadcast_in_dim3A_415 : vector<16xi1>, vector<16xf32>
      %reduce_sum3A_417 = arith.constant true
      %reduce_sum3A_418 = vector.broadcast %reduce_sum3A_417 : i1 to vector<16xi1>
      %reduce_sum3A_419 = tpu.scan <sum>, %select_n3A_416 masked %reduce_sum3A_418 : vector<16xf32>, vector<16xi1> -> vector<16xf32>
      %reduce_sum3A_420 = vector.extract %reduce_sum3A_419[15] : f32 from vector<16xf32>
      %add3A_421 = arith.addf %add3A_369, %reduce_sum3A_420 : f32
      %lt3A_422 = arith.constant 10 : i32
      %lt3A_423 = vector.broadcast %lt3A_422 : i32 to vector<16xi32>
      %lt3A_424 = arith.cmpi slt, %scan3A_325#5, %lt3A_423 : vector<16xi32>
      %mul3A_425 = arith.mulf %sub3A_339, %gather3A_354 : vector<16xf32>
      %jit3A_426 = arith.constant 0.000000e+00 : f32
      %broadcast_in_dim3A_427 = vector.broadcast %jit3A_426 : f32 to vector<16xf32>
      %select_n3A_428 = arith.select %lt3A_424, %mul3A_425, %broadcast_in_dim3A_427 : vector<16xi1>, vector<16xf32>
      %reduce_sum3A_429 = arith.constant true
      %reduce_sum3A_430 = vector.broadcast %reduce_sum3A_429 : i1 to vector<16xi1>
      %reduce_sum3A_431 = tpu.scan <sum>, %select_n3A_428 masked %reduce_sum3A_430 : vector<16xf32>, vector<16xi1> -> vector<16xf32>
      %reduce_sum3A_432 = vector.extract %reduce_sum3A_431[15] : f32 from vector<16xf32>
      %add3A_433 = arith.addf %add3A_382, %reduce_sum3A_432 : f32
      %gt3A_434 = arith.constant 5.000000e-01 : f32
      %gt3A_435 = vector.broadcast %gt3A_434 : f32 to vector<16xf32>
      %gt3A_436 = arith.cmpf ogt, %get3A_284, %gt3A_435 : vector<16xf32>
      %jit3A_437 = arith.constant 1.000000e+00 : f32
      %jit3A_438 = arith.constant 0.000000e+00 : f32
      %broadcast_in_dim3A_439 = vector.broadcast %jit3A_437 : f32 to vector<16xf32>
      %broadcast_in_dim3A_440 = vector.broadcast %jit3A_438 : f32 to vector<16xf32>
      %select_n3A_441 = arith.select %gt3A_436, %broadcast_in_dim3A_439, %broadcast_in_dim3A_440 : vector<16xi1>, vector<16xf32>
      %reduce_sum3A_442 = arith.constant true
      %reduce_sum3A_443 = vector.broadcast %reduce_sum3A_442 : i1 to vector<16xi1>
      %reduce_sum3A_444 = tpu.scan <sum>, %select_n3A_441 masked %reduce_sum3A_443 : vector<16xf32>, vector<16xi1> -> vector<16xf32>
      %reduce_sum3A_445 = vector.extract %reduce_sum3A_444[15] : f32 from vector<16xf32>
      %add3A_446 = arith.addf %add3A_395, %reduce_sum3A_445 : f32
      %reduce_max3A_447 = arith.constant true
      %reduce_max3A_448 = vector.broadcast %reduce_max3A_447 : i1 to vector<16xi1>
      %reduce_max3A_449 = tpu.scan <max>, %get3A_268 masked %reduce_max3A_448 : vector<16xf32>, vector<16xi1> -> vector<16xf32>
      %reduce_max3A_450 = vector.extract %reduce_max3A_449[15] : f32 from vector<16xf32>
      %max3A_451 = arith.maximumf %max3A_399, %reduce_max3A_450 : f32
      %reduce_sum3A_452 = arith.constant true
      %reduce_sum3A_453 = vector.broadcast %reduce_sum3A_452 : i1 to vector<16xi1>
      %reduce_sum3A_454 = tpu.scan <sum>, %get3A_268 masked %reduce_sum3A_453 : vector<16xf32>, vector<16xi1> -> vector<16xf32>
      %reduce_sum3A_455 = vector.extract %reduce_sum3A_454[15] : f32 from vector<16xf32>
      %add3A_456 = arith.addf %add3A_405, %reduce_sum3A_455 : f32
      %swap3A_457 = arith.constant 16 : index
      %swap3A_458 = tpu.vector_load %arg8[%swap3A_457] {strides = array<i32>} : memref<64xf32, #tpu.memory_space<vmem>>, vector<16xf32>,
      tpu.vector_store %arg8[%swap3A_457], %sub3A_339 {strides = array<i32>} : memref<64xf32, #tpu.memory_space<vmem>>, vector<16xf32>,
      %swap3A_459 = arith.constant 16 : index
      %swap3A_460 = tpu.vector_load %arg9[%swap3A_459] {strides = array<i32>} : memref<64xf32, #tpu.memory_space<vmem>>, vector<16xf32>,
      tpu.vector_store %arg9[%swap3A_459], %gather3A_354 {strides = array<i32>} : memref<64xf32, #tpu.memory_space<vmem>>, vector<16xf32>,
      %lt3A_461 = arith.constant 10 : i32
      %lt3A_462 = vector.broadcast %lt3A_461 : i32 to vector<16xi32>
      %lt3A_463 = arith.cmpi slt, %scan3A_325#2, %lt3A_462 : vector<16xi32>
      %mul3A_464 = arith.mulf %sub3A_346, %gather3A_359 : vector<16xf32>
      %jit3A_465 = arith.constant 0.000000e+00 : f32
      %broadcast_in_dim3A_466 = vector.broadcast %jit3A_465 : f32 to vector<16xf32>
      %select_n3A_467 = arith.select %lt3A_463, %mul3A_464, %broadcast_in_dim3A_466 : vector<16xi1>, vector<16xf32>
      %reduce_sum3A_468 = arith.constant true
      %reduce_sum3A_469 = vector.broadcast %reduce_sum3A_468 : i1 to vector<16xi1>
      %reduce_sum3A_470 = tpu.scan <sum>, %select_n3A_467 masked %reduce_sum3A_469 : vector<16xf32>, vector<16xi1> -> vector<16xf32>
      %reduce_sum3A_471 = vector.extract %reduce_sum3A_470[15] : f32 from vector<16xf32>
      %add3A_472 = arith.addf %add3A_421, %reduce_sum3A_471 : f32
      %lt3A_473 = arith.constant 10 : i32
      %lt3A_474 = vector.broadcast %lt3A_473 : i32 to vector<16xi32>
      %lt3A_475 = arith.cmpi slt, %scan3A_325#6, %lt3A_474 : vector<16xi32>
      %mul3A_476 = arith.mulf %sub3A_346, %gather3A_355 : vector<16xf32>
      %jit3A_477 = arith.constant 0.000000e+00 : f32
      %broadcast_in_dim3A_478 = vector.broadcast %jit3A_477 : f32 to vector<16xf32>
      %select_n3A_479 = arith.select %lt3A_475, %mul3A_476, %broadcast_in_dim3A_478 : vector<16xi1>, vector<16xf32>
      %reduce_sum3A_480 = arith.constant true
      %reduce_sum3A_481 = vector.broadcast %reduce_sum3A_480 : i1 to vector<16xi1>
      %reduce_sum3A_482 = tpu.scan <sum>, %select_n3A_479 masked %reduce_sum3A_481 : vector<16xf32>, vector<16xi1> -> vector<16xf32>
      %reduce_sum3A_483 = vector.extract %reduce_sum3A_482[15] : f32 from vector<16xf32>
      %add3A_484 = arith.addf %add3A_433, %reduce_sum3A_483 : f32
      %gt3A_485 = arith.constant 5.000000e-01 : f32
      %gt3A_486 = vector.broadcast %gt3A_485 : f32 to vector<16xf32>
      %gt3A_487 = arith.cmpf ogt, %get3A_288, %gt3A_486 : vector<16xf32>
      %jit3A_488 = arith.constant 1.000000e+00 : f32
      %jit3A_489 = arith.constant 0.000000e+00 : f32
      %broadcast_in_dim3A_490 = vector.broadcast %jit3A_488 : f32 to vector<16xf32>
      %broadcast_in_dim3A_491 = vector.broadcast %jit3A_489 : f32 to vector<16xf32>
      %select_n3A_492 = arith.select %gt3A_487, %broadcast_in_dim3A_490, %broadcast_in_dim3A_491 : vector<16xi1>, vector<16xf32>
      %reduce_sum3A_493 = arith.constant true
      %reduce_sum3A_494 = vector.broadcast %reduce_sum3A_493 : i1 to vector<16xi1>
      %reduce_sum3A_495 = tpu.scan <sum>, %select_n3A_492 masked %reduce_sum3A_494 : vector<16xf32>, vector<16xi1> -> vector<16xf32>
      %reduce_sum3A_496 = vector.extract %reduce_sum3A_495[15] : f32 from vector<16xf32>
      %add3A_497 = arith.addf %add3A_446, %reduce_sum3A_496 : f32
      %reduce_max3A_498 = arith.constant true
      %reduce_max3A_499 = vector.broadcast %reduce_max3A_498 : i1 to vector<16xi1>
      %reduce_max3A_500 = tpu.scan <max>, %get3A_272 masked %reduce_max3A_499 : vector<16xf32>, vector<16xi1> -> vector<16xf32>
      %reduce_max3A_501 = vector.extract %reduce_max3A_500[15] : f32 from vector<16xf32>
      %max3A_502 = arith.maximumf %max3A_451, %reduce_max3A_501 : f32
      %reduce_sum3A_503 = arith.constant true
      %reduce_sum3A_504 = vector.broadcast %reduce_sum3A_503 : i1 to vector<16xi1>
      %reduce_sum3A_505 = tpu.scan <sum>, %get3A_272 masked %reduce_sum3A_504 : vector<16xf32>, vector<16xi1> -> vector<16xf32>
      %reduce_sum3A_506 = vector.extract %reduce_sum3A_505[15] : f32 from vector<16xf32>
      %add3A_507 = arith.addf %add3A_456, %reduce_sum3A_506 : f32
      %swap3A_508 = arith.constant 32 : index
      %swap3A_509 = tpu.vector_load %arg8[%swap3A_508] {strides = array<i32>} : memref<64xf32, #tpu.memory_space<vmem>>, vector<16xf32>,
      tpu.vector_store %arg8[%swap3A_508], %sub3A_346 {strides = array<i32>} : memref<64xf32, #tpu.memory_space<vmem>>, vector<16xf32>,
      %swap3A_510 = arith.constant 32 : index
      %swap3A_511 = tpu.vector_load %arg9[%swap3A_510] {strides = array<i32>} : memref<64xf32, #tpu.memory_space<vmem>>, vector<16xf32>,
      tpu.vector_store %arg9[%swap3A_510], %gather3A_355 {strides = array<i32>} : memref<64xf32, #tpu.memory_space<vmem>>, vector<16xf32>,
      %lt3A_512 = arith.constant 10 : i32
      %lt3A_513 = vector.broadcast %lt3A_512 : i32 to vector<16xi32>
      %lt3A_514 = arith.cmpi slt, %scan3A_325#3, %lt3A_513 : vector<16xi32>
      %mul3A_515 = arith.mulf %sub3A_353, %gather3A_360 : vector<16xf32>
      %jit3A_516 = arith.constant 0.000000e+00 : f32
      %broadcast_in_dim3A_517 = vector.broadcast %jit3A_516 : f32 to vector<16xf32>
      %select_n3A_518 = arith.select %lt3A_514, %mul3A_515, %broadcast_in_dim3A_517 : vector<16xi1>, vector<16xf32>
      %reduce_sum3A_519 = arith.constant true
      %reduce_sum3A_520 = vector.broadcast %reduce_sum3A_519 : i1 to vector<16xi1>
      %reduce_sum3A_521 = tpu.scan <sum>, %select_n3A_518 masked %reduce_sum3A_520 : vector<16xf32>, vector<16xi1> -> vector<16xf32>
      %reduce_sum3A_522 = vector.extract %reduce_sum3A_521[15] : f32 from vector<16xf32>
      %add3A_523 = arith.addf %add3A_472, %reduce_sum3A_522 : f32
      %lt3A_524 = arith.constant 10 : i32
      %lt3A_525 = vector.broadcast %lt3A_524 : i32 to vector<16xi32>
      %lt3A_526 = arith.cmpi slt, %scan3A_325#7, %lt3A_525 : vector<16xi32>
      %mul3A_527 = arith.mulf %sub3A_353, %gather3A_356 : vector<16xf32>
      %jit3A_528 = arith.constant 0.000000e+00 : f32
      %broadcast_in_dim3A_529 = vector.broadcast %jit3A_528 : f32 to vector<16xf32>
      %select_n3A_530 = arith.select %lt3A_526, %mul3A_527, %broadcast_in_dim3A_529 : vector<16xi1>, vector<16xf32>
      %reduce_sum3A_531 = arith.constant true
      %reduce_sum3A_532 = vector.broadcast %reduce_sum3A_531 : i1 to vector<16xi1>
      %reduce_sum3A_533 = tpu.scan <sum>, %select_n3A_530 masked %reduce_sum3A_532 : vector<16xf32>, vector<16xi1> -> vector<16xf32>
      %reduce_sum3A_534 = vector.extract %reduce_sum3A_533[15] : f32 from vector<16xf32>
      %add3A_535 = arith.addf %add3A_484, %reduce_sum3A_534 : f32
      %gt3A_536 = arith.constant 5.000000e-01 : f32
      %gt3A_537 = vector.broadcast %gt3A_536 : f32 to vector<16xf32>
      %gt3A_538 = arith.cmpf ogt, %get3A_292, %gt3A_537 : vector<16xf32>
      %jit3A_539 = arith.constant 1.000000e+00 : f32
      %jit3A_540 = arith.constant 0.000000e+00 : f32
      %broadcast_in_dim3A_541 = vector.broadcast %jit3A_539 : f32 to vector<16xf32>
      %broadcast_in_dim3A_542 = vector.broadcast %jit3A_540 : f32 to vector<16xf32>
      %select_n3A_543 = arith.select %gt3A_538, %broadcast_in_dim3A_541, %broadcast_in_dim3A_542 : vector<16xi1>, vector<16xf32>
      %reduce_sum3A_544 = arith.constant true
      %reduce_sum3A_545 = vector.broadcast %reduce_sum3A_544 : i1 to vector<16xi1>
      %reduce_sum3A_546 = tpu.scan <sum>, %select_n3A_543 masked %reduce_sum3A_545 : vector<16xf32>, vector<16xi1> -> vector<16xf32>
      %reduce_sum3A_547 = vector.extract %reduce_sum3A_546[15] : f32 from vector<16xf32>
      %add3A_548 = arith.addf %add3A_497, %reduce_sum3A_547 : f32
      %reduce_max3A_549 = arith.constant true
      %reduce_max3A_550 = vector.broadcast %reduce_max3A_549 : i1 to vector<16xi1>
      %reduce_max3A_551 = tpu.scan <max>, %get3A_276 masked %reduce_max3A_550 : vector<16xf32>, vector<16xi1> -> vector<16xf32>
      %reduce_max3A_552 = vector.extract %reduce_max3A_551[15] : f32 from vector<16xf32>
      %max3A_553 = arith.maximumf %max3A_502, %reduce_max3A_552 : f32
      %reduce_sum3A_554 = arith.constant true
      %reduce_sum3A_555 = vector.broadcast %reduce_sum3A_554 : i1 to vector<16xi1>
      %reduce_sum3A_556 = tpu.scan <sum>, %get3A_276 masked %reduce_sum3A_555 : vector<16xf32>, vector<16xi1> -> vector<16xf32>
      %reduce_sum3A_557 = vector.extract %reduce_sum3A_556[15] : f32 from vector<16xf32>
      %add3A_558 = arith.addf %add3A_507, %reduce_sum3A_557 : f32
      %swap3A_559 = arith.constant 48 : index
      %swap3A_560 = tpu.vector_load %arg8[%swap3A_559] {strides = array<i32>} : memref<64xf32, #tpu.memory_space<vmem>>, vector<16xf32>,
      tpu.vector_store %arg8[%swap3A_559], %sub3A_353 {strides = array<i32>} : memref<64xf32, #tpu.memory_space<vmem>>, vector<16xf32>,
      %swap3A_561 = arith.constant 48 : index
      %swap3A_562 = tpu.vector_load %arg9[%swap3A_561] {strides = array<i32>} : memref<64xf32, #tpu.memory_space<vmem>>, vector<16xf32>,
      tpu.vector_store %arg9[%swap3A_561], %gather3A_356 {strides = array<i32>} : memref<64xf32, #tpu.memory_space<vmem>>, vector<16xf32>,
      %sub3A_563 = arith.constant 6.400000e+01 : f32
      %sub3A_564 = arith.subf %sub3A_563, %add3A_548 : f32
      %mul3A_565 = arith.mulf %add3A_548, %sub3A_564 : f32
      %gt3A_566 = arith.constant 0.000000e+00 : f32
      %gt3A_567 = arith.cmpf ogt, %add3A_523, %gt3A_566 : f32
      %jit3A_568 = arith.constant 1.000000e+00 : f32
      %select_n3A_569 = arith.select %gt3A_567, %add3A_523, %jit3A_568 : f32
      %gt3A_570 = arith.constant 5.000000e-01 : f32
      %gt3A_571 = vector.broadcast %gt3A_570 : f32 to vector<16xf32>
      %gt3A_572 = arith.cmpf ogt, %get3A_280, %gt3A_571 : vector<16xf32>
      %jit3A_573 = arith.constant 1.000000e+00 : f32
      %jit3A_574 = arith.constant 0.000000e+00 : f32
      %broadcast_in_dim3A_575 = vector.broadcast %jit3A_573 : f32 to vector<16xf32>
      %broadcast_in_dim3A_576 = vector.broadcast %jit3A_574 : f32 to vector<16xf32>
      %select_n3A_577 = arith.select %gt3A_572, %broadcast_in_dim3A_575, %broadcast_in_dim3A_576 : vector<16xi1>, vector<16xf32>
      %gt3A_578 = arith.constant 5.000000e-01 : f32
      %gt3A_579 = vector.broadcast %gt3A_578 : f32 to vector<16xf32>
      %gt3A_580 = arith.cmpf ogt, %get3A_284, %gt3A_579 : vector<16xf32>
      %jit3A_581 = arith.constant 1.000000e+00 : f32
      %jit3A_582 = arith.constant 0.000000e+00 : f32
      %broadcast_in_dim3A_583 = vector.broadcast %jit3A_581 : f32 to vector<16xf32>
      %broadcast_in_dim3A_584 = vector.broadcast %jit3A_582 : f32 to vector<16xf32>
      %select_n3A_585 = arith.select %gt3A_580, %broadcast_in_dim3A_583, %broadcast_in_dim3A_584 : vector<16xi1>, vector<16xf32>
      %gt3A_586 = arith.constant 5.000000e-01 : f32
      %gt3A_587 = vector.broadcast %gt3A_586 : f32 to vector<16xf32>
      %gt3A_588 = arith.cmpf ogt, %get3A_288, %gt3A_587 : vector<16xf32>
      %jit3A_589 = arith.constant 1.000000e+00 : f32
      %jit3A_590 = arith.constant 0.000000e+00 : f32
      %broadcast_in_dim3A_591 = vector.broadcast %jit3A_589 : f32 to vector<16xf32>
      %broadcast_in_dim3A_592 = vector.broadcast %jit3A_590 : f32 to vector<16xf32>
      %select_n3A_593 = arith.select %gt3A_588, %broadcast_in_dim3A_591, %broadcast_in_dim3A_592 : vector<16xi1>, vector<16xf32>
      %gt3A_594 = arith.constant 5.000000e-01 : f32
      %gt3A_595 = vector.broadcast %gt3A_594 : f32 to vector<16xf32>
      %gt3A_596 = arith.cmpf ogt, %get3A_292, %gt3A_595 : vector<16xf32>
      %jit3A_597 = arith.constant 1.000000e+00 : f32
      %jit3A_598 = arith.constant 0.000000e+00 : f32
      %broadcast_in_dim3A_599 = vector.broadcast %jit3A_597 : f32 to vector<16xf32>
      %broadcast_in_dim3A_600 = vector.broadcast %jit3A_598 : f32 to vector<16xf32>
      %select_n3A_601 = arith.select %gt3A_596, %broadcast_in_dim3A_599, %broadcast_in_dim3A_600 : vector<16xi1>, vector<16xf32>
      %le3A = arith.constant 5.000000e-01 : f32
      %le3A_602 = vector.broadcast %le3A : f32 to vector<16xf32>
      %le3A_603 = arith.cmpf ole, %get3A_280, %le3A_602 : vector<16xf32>
      %convert_element_type3A_604 = arith.extui %le3A_603 : vector<16xi1> to vector<16xi32>
      %broadcast_in_dim3A_605 = arith.constant true
      %broadcast_in_dim3A_606 = vector.broadcast %broadcast_in_dim3A_605 : i1 to vector<16xi1>
      %masked_cumsum3A = tpu.scan <sum>, %convert_element_type3A_604 masked %broadcast_in_dim3A_606 : vector<16xi32>, vector<16xi1> -> vector<16xi32>
      %sub3A_607 = arith.constant 1 : i32
      %sub3A_608 = vector.broadcast %sub3A_607 : i32 to vector<16xi32>
      %sub3A_609 = arith.subi %masked_cumsum3A, %sub3A_608 : vector<16xi32>
      %add3A_610 = arith.constant 0 : i32
      %add3A_611 = vector.broadcast %add3A_610 : i32 to vector<16xi32>
      %add3A_612 = arith.addi %sub3A_609, %add3A_611 : vector<16xi32>
      tpu.vector_store_idx %arg11[%add3A_612], %add3A_295 masked %le3A_603 : memref<64xi32, #tpu.memory_space<vmem>>[vector<16xi32>], vector<16xi32>, vector<16xi1>
      %reduce_sum3A_613 = arith.constant true
      %reduce_sum3A_614 = vector.broadcast %reduce_sum3A_613 : i1 to vector<16xi1>
      %reduce_sum3A_615 = tpu.scan <sum>, %convert_element_type3A_604 masked %reduce_sum3A_614 : vector<16xi32>, vector<16xi1> -> vector<16xi32>
      %reduce_sum3A_616 = vector.extract %reduce_sum3A_615[15] : i32 from vector<16xi32>
      %add3A_617 = arith.constant 0 : i32
      %add3A_618 = arith.addi %add3A_617, %reduce_sum3A_616 : i32
      %le3A_619 = arith.constant 5.000000e-01 : f32
      %le3A_620 = vector.broadcast %le3A_619 : f32 to vector<16xf32>
      %le3A_621 = arith.cmpf ole, %get3A_284, %le3A_620 : vector<16xf32>
      %convert_element_type3A_622 = arith.extui %le3A_621 : vector<16xi1> to vector<16xi32>
      %broadcast_in_dim3A_623 = arith.constant true
      %broadcast_in_dim3A_624 = vector.broadcast %broadcast_in_dim3A_623 : i1 to vector<16xi1>
      %masked_cumsum3A_625 = tpu.scan <sum>, %convert_element_type3A_622 masked %broadcast_in_dim3A_624 : vector<16xi32>, vector<16xi1> -> vector<16xi32>
      %sub3A_626 = arith.constant 1 : i32
      %sub3A_627 = vector.broadcast %sub3A_626 : i32 to vector<16xi32>
      %sub3A_628 = arith.subi %masked_cumsum3A_625, %sub3A_627 : vector<16xi32>
      %add3A_629 = vector.broadcast %add3A_618 : i32 to vector<16xi32>
      %add3A_630 = arith.addi %sub3A_628, %add3A_629 : vector<16xi32>
      tpu.vector_store_idx %arg11[%add3A_630], %add3A_298 masked %le3A_621 : memref<64xi32, #tpu.memory_space<vmem>>[vector<16xi32>], vector<16xi32>, vector<16xi1>
      %reduce_sum3A_631 = arith.constant true
      %reduce_sum3A_632 = vector.broadcast %reduce_sum3A_631 : i1 to vector<16xi1>
      %reduce_sum3A_633 = tpu.scan <sum>, %convert_element_type3A_622 masked %reduce_sum3A_632 : vector<16xi32>, vector<16xi1> -> vector<16xi32>
      %reduce_sum3A_634 = vector.extract %reduce_sum3A_633[15] : i32 from vector<16xi32>
      %add3A_635 = arith.addi %add3A_618, %reduce_sum3A_634 : i32
      %le3A_636 = arith.constant 5.000000e-01 : f32
      %le3A_637 = vector.broadcast %le3A_636 : f32 to vector<16xf32>
      %le3A_638 = arith.cmpf ole, %get3A_288, %le3A_637 : vector<16xf32>
      %convert_element_type3A_639 = arith.extui %le3A_638 : vector<16xi1> to vector<16xi32>
      %broadcast_in_dim3A_640 = arith.constant true
      %broadcast_in_dim3A_641 = vector.broadcast %broadcast_in_dim3A_640 : i1 to vector<16xi1>
      %masked_cumsum3A_642 = tpu.scan <sum>, %convert_element_type3A_639 masked %broadcast_in_dim3A_641 : vector<16xi32>, vector<16xi1> -> vector<16xi32>
      %sub3A_643 = arith.constant 1 : i32
      %sub3A_644 = vector.broadcast %sub3A_643 : i32 to vector<16xi32>
      %sub3A_645 = arith.subi %masked_cumsum3A_642, %sub3A_644 : vector<16xi32>
      %add3A_646 = vector.broadcast %add3A_635 : i32 to vector<16xi32>
      %add3A_647 = arith.addi %sub3A_645, %add3A_646 : vector<16xi32>
      tpu.vector_store_idx %arg11[%add3A_647], %add3A_301 masked %le3A_638 : memref<64xi32, #tpu.memory_space<vmem>>[vector<16xi32>], vector<16xi32>, vector<16xi1>
      %reduce_sum3A_648 = arith.constant true
      %reduce_sum3A_649 = vector.broadcast %reduce_sum3A_648 : i1 to vector<16xi1>
      %reduce_sum3A_650 = tpu.scan <sum>, %convert_element_type3A_639 masked %reduce_sum3A_649 : vector<16xi32>, vector<16xi1> -> vector<16xi32>
      %reduce_sum3A_651 = vector.extract %reduce_sum3A_650[15] : i32 from vector<16xi32>
      %add3A_652 = arith.addi %add3A_635, %reduce_sum3A_651 : i32
      %le3A_653 = arith.constant 5.000000e-01 : f32
      %le3A_654 = vector.broadcast %le3A_653 : f32 to vector<16xf32>
      %le3A_655 = arith.cmpf ole, %get3A_292, %le3A_654 : vector<16xf32>
      %convert_element_type3A_656 = arith.extui %le3A_655 : vector<16xi1> to vector<16xi32>
      %broadcast_in_dim3A_657 = arith.constant true
      %broadcast_in_dim3A_658 = vector.broadcast %broadcast_in_dim3A_657 : i1 to vector<16xi1>
      %masked_cumsum3A_659 = tpu.scan <sum>, %convert_element_type3A_656 masked %broadcast_in_dim3A_658 : vector<16xi32>, vector<16xi1> -> vector<16xi32>
      %sub3A_660 = arith.constant 1 : i32
      %sub3A_661 = vector.broadcast %sub3A_660 : i32 to vector<16xi32>
      %sub3A_662 = arith.subi %masked_cumsum3A_659, %sub3A_661 : vector<16xi32>
      %add3A_663 = vector.broadcast %add3A_652 : i32 to vector<16xi32>
      %add3A_664 = arith.addi %sub3A_662, %add3A_663 : vector<16xi32>
      tpu.vector_store_idx %arg11[%add3A_664], %add3A_304 masked %le3A_655 : memref<64xi32, #tpu.memory_space<vmem>>[vector<16xi32>], vector<16xi32>, vector<16xi1>
      %reduce_sum3A_665 = arith.constant true
      %reduce_sum3A_666 = vector.broadcast %reduce_sum3A_665 : i1 to vector<16xi1>
      %reduce_sum3A_667 = tpu.scan <sum>, %convert_element_type3A_656 masked %reduce_sum3A_666 : vector<16xi32>, vector<16xi1> -> vector<16xi32>
      %reduce_sum3A_668 = vector.extract %reduce_sum3A_667[15] : i32 from vector<16xi32>
      %add3A_669 = arith.addi %add3A_652, %reduce_sum3A_668 : i32
      %broadcast_in_dim3A_670 = arith.constant 0.000000e+00 : f32
      %broadcast_in_dim3A_671 = vector.broadcast %broadcast_in_dim3A_670 : f32 to vector<16xf32>
      %broadcast_in_dim3A_672 = arith.constant 0.000000e+00 : f32
      %broadcast_in_dim3A_673 = vector.broadcast %broadcast_in_dim3A_672 : f32 to vector<16xf32>
      %broadcast_in_dim3A_674 = arith.constant 0.000000e+00 : f32
      %broadcast_in_dim3A_675 = vector.broadcast %broadcast_in_dim3A_674 : f32 to vector<16xf32>
      %broadcast_in_dim3A_676 = arith.constant 0.000000e+00 : f32
      %broadcast_in_dim3A_677 = vector.broadcast %broadcast_in_dim3A_676 : f32 to vector<16xf32>
      %while3A = arith.constant 0 : i32
      %while3A_678 = arith.subi %add3A_669, %while3A : i32
      %while3A_679 = arith.addi %while3A, %while3A_678 : i32
      %while3A_680 = arith.constant 1 : i32
      %while3A_681 = arith.divsi %while3A_678, %while3A_680 : i32
      %while3A_682 = arith.muli %while3A_681, %while3A_680 : i32
      %while3A_683 = arith.addi %while3A, %while3A_682 : i32
      %while3A_684 = arith.constant 1 : i32
      %while3A_685:4 = scf.for %while3A_1763 = %while3A to %while3A_683 step %while3A_684 iter_args(%while3A_1764 = %broadcast_in_dim3A_671, %while3A_1765 = %broadcast_in_dim3A_673, %while3A_1766 = %broadcast_in_dim3A_675, %while3A_1767 = %broadcast_in_dim3A_677) -> (vector<16xf32>, vector<16xf32>, vector<16xf32>, vector<16xf32>)  : i32 {
        %broadcast_in_dim3A_1768 = arith.constant 0 : i32
        %broadcast_in_dim3A_1769 = vector.broadcast %broadcast_in_dim3A_1768 : i32 to vector<16xi32>
        %add3A_1770 = vector.broadcast %while3A_1763 : i32 to vector<16xi32>
        %add3A_1771 = arith.addi %broadcast_in_dim3A_1769, %add3A_1770 : vector<16xi32>
        %gather3A_1772 = tpu.vector_load_idx %arg11[%add3A_1771] : memref<64xi32, #tpu.memory_space<vmem>>[vector<16xi32>], vector<16xi32>,
        %add3A_1773 = vector.broadcast %mul3A_261 : i32 to vector<16xi32>
        %add3A_1774 = arith.addi %gather3A_1772, %add3A_1773 : vector<16xi32>
        %gather3A_1775 = tpu.vector_load_idx %arg5[%add3A_1774] : memref<128xf32, #tpu.memory_space<vmem>>[vector<16xi32>], vector<16xf32>,
        %gather3A_1776 = tpu.vector_load_idx %arg8[%gather3A_1772] : memref<64xf32, #tpu.memory_space<vmem>>[vector<16xi32>], vector<16xf32>,
        %gather3A_1777 = tpu.vector_load_idx %arg9[%gather3A_1772] : memref<64xf32, #tpu.memory_space<vmem>>[vector<16xi32>], vector<16xf32>,
        %sub3A_1778 = arith.subf %gather3A_1775, %get3A_264 : vector<16xf32>
        %abs3A_1779 = math.absf %sub3A_1778 : vector<16xf32>
        %neg3A_1780 = arith.constant 0.000000e+00 : f32
        %neg3A_1781 = vector.broadcast %neg3A_1780 : f32 to vector<16xf32>
        %neg3A_1782 = arith.subf %neg3A_1781, %abs3A_1779 : vector<16xf32>
        %exp3A_1783 = math.exp %neg3A_1782 : vector<16xf32>
        %broadcast_in_dim3A_1784 = arith.constant 0.000000e+00 : f32
        %broadcast_in_dim3A_1785 = vector.broadcast %broadcast_in_dim3A_1784 : f32 to vector<16xf32>
        %add3A_1786 = arith.constant -0.0170296114 : f32
        %add3A_1787 = vector.broadcast %add3A_1786 : f32 to vector<16xf32>
        %add3A_1788 = arith.addf %broadcast_in_dim3A_1785, %add3A_1787 : vector<16xf32>
        %mul3A_1789 = arith.mulf %add3A_1788, %exp3A_1783 : vector<16xf32>
        %add3A_1790 = arith.constant 0.08152318 : f32
        %add3A_1791 = vector.broadcast %add3A_1790 : f32 to vector<16xf32>
        %add3A_1792 = arith.addf %mul3A_1789, %add3A_1791 : vector<16xf32>
        %mul3A_1793 = arith.mulf %add3A_1792, %exp3A_1783 : vector<16xf32>
        %add3A_1794 = arith.constant -0.189019546 : f32
        %add3A_1795 = vector.broadcast %add3A_1794 : f32 to vector<16xf32>
        %add3A_1796 = arith.addf %mul3A_1793, %add3A_1795 : vector<16xf32>
        %mul3A_1797 = arith.mulf %add3A_1796, %exp3A_1783 : vector<16xf32>
        %add3A_1798 = arith.constant 0.315041274 : f32
        %add3A_1799 = vector.broadcast %add3A_1798 : f32 to vector<16xf32>
        %add3A_1800 = arith.addf %mul3A_1797, %add3A_1799 : vector<16xf32>
        %mul3A_1801 = arith.mulf %add3A_1800, %exp3A_1783 : vector<16xf32>
        %add3A_1802 = arith.constant -0.49720332 : f32
        %add3A_1803 = vector.broadcast %add3A_1802 : f32 to vector<16xf32>
        %add3A_1804 = arith.addf %mul3A_1801, %add3A_1803 : vector<16xf32>
        %mul3A_1805 = arith.mulf %add3A_1804, %exp3A_1783 : vector<16xf32>
        %add3A_1806 = arith.constant 0.99983257 : f32
        %add3A_1807 = vector.broadcast %add3A_1806 : f32 to vector<16xf32>
        %add3A_1808 = arith.addf %mul3A_1805, %add3A_1807 : vector<16xf32>
        %mul3A_1809 = arith.mulf %add3A_1808, %exp3A_1783 : vector<16xf32>
        %add3A_1810 = arith.constant 1.69366263E-6 : f32
        %add3A_1811 = vector.broadcast %add3A_1810 : f32 to vector<16xf32>
        %add3A_1812 = arith.addf %mul3A_1809, %add3A_1811 : vector<16xf32>
        %max3A_1813 = arith.constant 0.000000e+00 : f32
        %max3A_1814 = vector.broadcast %max3A_1813 : f32 to vector<16xf32>
        %max3A_1815 = arith.maximumf %sub3A_1778, %max3A_1814 : vector<16xf32>
        %add3A_1816 = arith.addf %max3A_1815, %add3A_1812 : vector<16xf32>
        %sub3A_1817 = arith.subf %sub3A_332, %gather3A_1776 : vector<16xf32>
        %abs3A_1818 = math.absf %sub3A_1817 : vector<16xf32>
        %sub3A_1819 = arith.subf %gather3A_1777, %gather3A : vector<16xf32>
        %abs3A_1820 = math.absf %sub3A_1819 : vector<16xf32>
        %mul3A_1821 = arith.mulf %abs3A_1818, %abs3A_1820 : vector<16xf32>
        %mul3A_1822 = arith.mulf %mul3A_1821, %add3A_1816 : vector<16xf32>
        %add3A_1823 = arith.addf %while3A_1764, %mul3A_1822 : vector<16xf32>
        %sub3A_1824 = arith.subf %gather3A_1775, %get3A_268 : vector<16xf32>
        %abs3A_1825 = math.absf %sub3A_1824 : vector<16xf32>
        %neg3A_1826 = arith.constant 0.000000e+00 : f32
        %neg3A_1827 = vector.broadcast %neg3A_1826 : f32 to vector<16xf32>
        %neg3A_1828 = arith.subf %neg3A_1827, %abs3A_1825 : vector<16xf32>
        %exp3A_1829 = math.exp %neg3A_1828 : vector<16xf32>
        %broadcast_in_dim3A_1830 = arith.constant 0.000000e+00 : f32
        %broadcast_in_dim3A_1831 = vector.broadcast %broadcast_in_dim3A_1830 : f32 to vector<16xf32>
        %add3A_1832 = arith.constant -0.0170296114 : f32
        %add3A_1833 = vector.broadcast %add3A_1832 : f32 to vector<16xf32>
        %add3A_1834 = arith.addf %broadcast_in_dim3A_1831, %add3A_1833 : vector<16xf32>
        %mul3A_1835 = arith.mulf %add3A_1834, %exp3A_1829 : vector<16xf32>
        %add3A_1836 = arith.constant 0.08152318 : f32
        %add3A_1837 = vector.broadcast %add3A_1836 : f32 to vector<16xf32>
        %add3A_1838 = arith.addf %mul3A_1835, %add3A_1837 : vector<16xf32>
        %mul3A_1839 = arith.mulf %add3A_1838, %exp3A_1829 : vector<16xf32>
        %add3A_1840 = arith.constant -0.189019546 : f32
        %add3A_1841 = vector.broadcast %add3A_1840 : f32 to vector<16xf32>
        %add3A_1842 = arith.addf %mul3A_1839, %add3A_1841 : vector<16xf32>
        %mul3A_1843 = arith.mulf %add3A_1842, %exp3A_1829 : vector<16xf32>
        %add3A_1844 = arith.constant 0.315041274 : f32
        %add3A_1845 = vector.broadcast %add3A_1844 : f32 to vector<16xf32>
        %add3A_1846 = arith.addf %mul3A_1843, %add3A_1845 : vector<16xf32>
        %mul3A_1847 = arith.mulf %add3A_1846, %exp3A_1829 : vector<16xf32>
        %add3A_1848 = arith.constant -0.49720332 : f32
        %add3A_1849 = vector.broadcast %add3A_1848 : f32 to vector<16xf32>
        %add3A_1850 = arith.addf %mul3A_1847, %add3A_1849 : vector<16xf32>
        %mul3A_1851 = arith.mulf %add3A_1850, %exp3A_1829 : vector<16xf32>
        %add3A_1852 = arith.constant 0.99983257 : f32
        %add3A_1853 = vector.broadcast %add3A_1852 : f32 to vector<16xf32>
        %add3A_1854 = arith.addf %mul3A_1851, %add3A_1853 : vector<16xf32>
        %mul3A_1855 = arith.mulf %add3A_1854, %exp3A_1829 : vector<16xf32>
        %add3A_1856 = arith.constant 1.69366263E-6 : f32
        %add3A_1857 = vector.broadcast %add3A_1856 : f32 to vector<16xf32>
        %add3A_1858 = arith.addf %mul3A_1855, %add3A_1857 : vector<16xf32>
        %max3A_1859 = arith.constant 0.000000e+00 : f32
        %max3A_1860 = vector.broadcast %max3A_1859 : f32 to vector<16xf32>
        %max3A_1861 = arith.maximumf %sub3A_1824, %max3A_1860 : vector<16xf32>
        %add3A_1862 = arith.addf %max3A_1861, %add3A_1858 : vector<16xf32>
        %sub3A_1863 = arith.subf %sub3A_339, %gather3A_1776 : vector<16xf32>
        %abs3A_1864 = math.absf %sub3A_1863 : vector<16xf32>
        %sub3A_1865 = arith.subf %gather3A_1777, %gather3A_354 : vector<16xf32>
        %abs3A_1866 = math.absf %sub3A_1865 : vector<16xf32>
        %mul3A_1867 = arith.mulf %abs3A_1864, %abs3A_1866 : vector<16xf32>
        %mul3A_1868 = arith.mulf %mul3A_1867, %add3A_1862 : vector<16xf32>
        %add3A_1869 = arith.addf %while3A_1765, %mul3A_1868 : vector<16xf32>
        %sub3A_1870 = arith.subf %gather3A_1775, %get3A_272 : vector<16xf32>
        %abs3A_1871 = math.absf %sub3A_1870 : vector<16xf32>
        %neg3A_1872 = arith.constant 0.000000e+00 : f32
        %neg3A_1873 = vector.broadcast %neg3A_1872 : f32 to vector<16xf32>
        %neg3A_1874 = arith.subf %neg3A_1873, %abs3A_1871 : vector<16xf32>
        %exp3A_1875 = math.exp %neg3A_1874 : vector<16xf32>
        %broadcast_in_dim3A_1876 = arith.constant 0.000000e+00 : f32
        %broadcast_in_dim3A_1877 = vector.broadcast %broadcast_in_dim3A_1876 : f32 to vector<16xf32>
        %add3A_1878 = arith.constant -0.0170296114 : f32
        %add3A_1879 = vector.broadcast %add3A_1878 : f32 to vector<16xf32>
        %add3A_1880 = arith.addf %broadcast_in_dim3A_1877, %add3A_1879 : vector<16xf32>
        %mul3A_1881 = arith.mulf %add3A_1880, %exp3A_1875 : vector<16xf32>
        %add3A_1882 = arith.constant 0.08152318 : f32
        %add3A_1883 = vector.broadcast %add3A_1882 : f32 to vector<16xf32>
        %add3A_1884 = arith.addf %mul3A_1881, %add3A_1883 : vector<16xf32>
        %mul3A_1885 = arith.mulf %add3A_1884, %exp3A_1875 : vector<16xf32>
        %add3A_1886 = arith.constant -0.189019546 : f32
        %add3A_1887 = vector.broadcast %add3A_1886 : f32 to vector<16xf32>
        %add3A_1888 = arith.addf %mul3A_1885, %add3A_1887 : vector<16xf32>
        %mul3A_1889 = arith.mulf %add3A_1888, %exp3A_1875 : vector<16xf32>
        %add3A_1890 = arith.constant 0.315041274 : f32
        %add3A_1891 = vector.broadcast %add3A_1890 : f32 to vector<16xf32>
        %add3A_1892 = arith.addf %mul3A_1889, %add3A_1891 : vector<16xf32>
        %mul3A_1893 = arith.mulf %add3A_1892, %exp3A_1875 : vector<16xf32>
        %add3A_1894 = arith.constant -0.49720332 : f32
        %add3A_1895 = vector.broadcast %add3A_1894 : f32 to vector<16xf32>
        %add3A_1896 = arith.addf %mul3A_1893, %add3A_1895 : vector<16xf32>
        %mul3A_1897 = arith.mulf %add3A_1896, %exp3A_1875 : vector<16xf32>
        %add3A_1898 = arith.constant 0.99983257 : f32
        %add3A_1899 = vector.broadcast %add3A_1898 : f32 to vector<16xf32>
        %add3A_1900 = arith.addf %mul3A_1897, %add3A_1899 : vector<16xf32>
        %mul3A_1901 = arith.mulf %add3A_1900, %exp3A_1875 : vector<16xf32>
        %add3A_1902 = arith.constant 1.69366263E-6 : f32
        %add3A_1903 = vector.broadcast %add3A_1902 : f32 to vector<16xf32>
        %add3A_1904 = arith.addf %mul3A_1901, %add3A_1903 : vector<16xf32>
        %max3A_1905 = arith.constant 0.000000e+00 : f32
        %max3A_1906 = vector.broadcast %max3A_1905 : f32 to vector<16xf32>
        %max3A_1907 = arith.maximumf %sub3A_1870, %max3A_1906 : vector<16xf32>
        %add3A_1908 = arith.addf %max3A_1907, %add3A_1904 : vector<16xf32>
        %sub3A_1909 = arith.subf %sub3A_346, %gather3A_1776 : vector<16xf32>
        %abs3A_1910 = math.absf %sub3A_1909 : vector<16xf32>
        %sub3A_1911 = arith.subf %gather3A_1777, %gather3A_355 : vector<16xf32>
        %abs3A_1912 = math.absf %sub3A_1911 : vector<16xf32>
        %mul3A_1913 = arith.mulf %abs3A_1910, %abs3A_1912 : vector<16xf32>
        %mul3A_1914 = arith.mulf %mul3A_1913, %add3A_1908 : vector<16xf32>
        %add3A_1915 = arith.addf %while3A_1766, %mul3A_1914 : vector<16xf32>
        %sub3A_1916 = arith.subf %gather3A_1775, %get3A_276 : vector<16xf32>
        %abs3A_1917 = math.absf %sub3A_1916 : vector<16xf32>
        %neg3A_1918 = arith.constant 0.000000e+00 : f32
        %neg3A_1919 = vector.broadcast %neg3A_1918 : f32 to vector<16xf32>
        %neg3A_1920 = arith.subf %neg3A_1919, %abs3A_1917 : vector<16xf32>
        %exp3A_1921 = math.exp %neg3A_1920 : vector<16xf32>
        %broadcast_in_dim3A_1922 = arith.constant 0.000000e+00 : f32
        %broadcast_in_dim3A_1923 = vector.broadcast %broadcast_in_dim3A_1922 : f32 to vector<16xf32>
        %add3A_1924 = arith.constant -0.0170296114 : f32
        %add3A_1925 = vector.broadcast %add3A_1924 : f32 to vector<16xf32>
        %add3A_1926 = arith.addf %broadcast_in_dim3A_1923, %add3A_1925 : vector<16xf32>
        %mul3A_1927 = arith.mulf %add3A_1926, %exp3A_1921 : vector<16xf32>
        %add3A_1928 = arith.constant 0.08152318 : f32
        %add3A_1929 = vector.broadcast %add3A_1928 : f32 to vector<16xf32>
        %add3A_1930 = arith.addf %mul3A_1927, %add3A_1929 : vector<16xf32>
        %mul3A_1931 = arith.mulf %add3A_1930, %exp3A_1921 : vector<16xf32>
        %add3A_1932 = arith.constant -0.189019546 : f32
        %add3A_1933 = vector.broadcast %add3A_1932 : f32 to vector<16xf32>
        %add3A_1934 = arith.addf %mul3A_1931, %add3A_1933 : vector<16xf32>
        %mul3A_1935 = arith.mulf %add3A_1934, %exp3A_1921 : vector<16xf32>
        %add3A_1936 = arith.constant 0.315041274 : f32
        %add3A_1937 = vector.broadcast %add3A_1936 : f32 to vector<16xf32>
        %add3A_1938 = arith.addf %mul3A_1935, %add3A_1937 : vector<16xf32>
        %mul3A_1939 = arith.mulf %add3A_1938, %exp3A_1921 : vector<16xf32>
        %add3A_1940 = arith.constant -0.49720332 : f32
        %add3A_1941 = vector.broadcast %add3A_1940 : f32 to vector<16xf32>
        %add3A_1942 = arith.addf %mul3A_1939, %add3A_1941 : vector<16xf32>
        %mul3A_1943 = arith.mulf %add3A_1942, %exp3A_1921 : vector<16xf32>
        %add3A_1944 = arith.constant 0.99983257 : f32
        %add3A_1945 = vector.broadcast %add3A_1944 : f32 to vector<16xf32>
        %add3A_1946 = arith.addf %mul3A_1943, %add3A_1945 : vector<16xf32>
        %mul3A_1947 = arith.mulf %add3A_1946, %exp3A_1921 : vector<16xf32>
        %add3A_1948 = arith.constant 1.69366263E-6 : f32
        %add3A_1949 = vector.broadcast %add3A_1948 : f32 to vector<16xf32>
        %add3A_1950 = arith.addf %mul3A_1947, %add3A_1949 : vector<16xf32>
        %max3A_1951 = arith.constant 0.000000e+00 : f32
        %max3A_1952 = vector.broadcast %max3A_1951 : f32 to vector<16xf32>
        %max3A_1953 = arith.maximumf %sub3A_1916, %max3A_1952 : vector<16xf32>
        %add3A_1954 = arith.addf %max3A_1953, %add3A_1950 : vector<16xf32>
        %sub3A_1955 = arith.subf %sub3A_353, %gather3A_1776 : vector<16xf32>
        %abs3A_1956 = math.absf %sub3A_1955 : vector<16xf32>
        %sub3A_1957 = arith.subf %gather3A_1777, %gather3A_356 : vector<16xf32>
        %abs3A_1958 = math.absf %sub3A_1957 : vector<16xf32>
        %mul3A_1959 = arith.mulf %abs3A_1956, %abs3A_1958 : vector<16xf32>
        %mul3A_1960 = arith.mulf %mul3A_1959, %add3A_1954 : vector<16xf32>
        %add3A_1961 = arith.addf %while3A_1767, %mul3A_1960 : vector<16xf32>
        scf.yield %add3A_1823, %add3A_1869, %add3A_1915, %add3A_1961 : vector<16xf32>, vector<16xf32>, vector<16xf32>, vector<16xf32>
      }
      %while3A_686 = arith.constant 1 : i32
      %while3A_687:4 = scf.for %while3A_1763 = %while3A_683 to %while3A_679 step %while3A_686 iter_args(%while3A_1764 = %while3A_685#0, %while3A_1765 = %while3A_685#1, %while3A_1766 = %while3A_685#2, %while3A_1767 = %while3A_685#3) -> (vector<16xf32>, vector<16xf32>, vector<16xf32>, vector<16xf32>)  : i32 {
        %broadcast_in_dim3A_1768 = arith.constant 0 : i32
        %broadcast_in_dim3A_1769 = vector.broadcast %broadcast_in_dim3A_1768 : i32 to vector<16xi32>
        %add3A_1770 = vector.broadcast %while3A_1763 : i32 to vector<16xi32>
        %add3A_1771 = arith.addi %broadcast_in_dim3A_1769, %add3A_1770 : vector<16xi32>
        %gather3A_1772 = tpu.vector_load_idx %arg11[%add3A_1771] : memref<64xi32, #tpu.memory_space<vmem>>[vector<16xi32>], vector<16xi32>,
        %add3A_1773 = vector.broadcast %mul3A_261 : i32 to vector<16xi32>
        %add3A_1774 = arith.addi %gather3A_1772, %add3A_1773 : vector<16xi32>
        %gather3A_1775 = tpu.vector_load_idx %arg5[%add3A_1774] : memref<128xf32, #tpu.memory_space<vmem>>[vector<16xi32>], vector<16xf32>,
        %gather3A_1776 = tpu.vector_load_idx %arg8[%gather3A_1772] : memref<64xf32, #tpu.memory_space<vmem>>[vector<16xi32>], vector<16xf32>,
        %gather3A_1777 = tpu.vector_load_idx %arg9[%gather3A_1772] : memref<64xf32, #tpu.memory_space<vmem>>[vector<16xi32>], vector<16xf32>,
        %sub3A_1778 = arith.subf %gather3A_1775, %get3A_264 : vector<16xf32>
        %abs3A_1779 = math.absf %sub3A_1778 : vector<16xf32>
        %neg3A_1780 = arith.constant 0.000000e+00 : f32
        %neg3A_1781 = vector.broadcast %neg3A_1780 : f32 to vector<16xf32>
        %neg3A_1782 = arith.subf %neg3A_1781, %abs3A_1779 : vector<16xf32>
        %exp3A_1783 = math.exp %neg3A_1782 : vector<16xf32>
        %broadcast_in_dim3A_1784 = arith.constant 0.000000e+00 : f32
        %broadcast_in_dim3A_1785 = vector.broadcast %broadcast_in_dim3A_1784 : f32 to vector<16xf32>
        %add3A_1786 = arith.constant -0.0170296114 : f32
        %add3A_1787 = vector.broadcast %add3A_1786 : f32 to vector<16xf32>
        %add3A_1788 = arith.addf %broadcast_in_dim3A_1785, %add3A_1787 : vector<16xf32>
        %mul3A_1789 = arith.mulf %add3A_1788, %exp3A_1783 : vector<16xf32>
        %add3A_1790 = arith.constant 0.08152318 : f32
        %add3A_1791 = vector.broadcast %add3A_1790 : f32 to vector<16xf32>
        %add3A_1792 = arith.addf %mul3A_1789, %add3A_1791 : vector<16xf32>
        %mul3A_1793 = arith.mulf %add3A_1792, %exp3A_1783 : vector<16xf32>
        %add3A_1794 = arith.constant -0.189019546 : f32
        %add3A_1795 = vector.broadcast %add3A_1794 : f32 to vector<16xf32>
        %add3A_1796 = arith.addf %mul3A_1793, %add3A_1795 : vector<16xf32>
        %mul3A_1797 = arith.mulf %add3A_1796, %exp3A_1783 : vector<16xf32>
        %add3A_1798 = arith.constant 0.315041274 : f32
        %add3A_1799 = vector.broadcast %add3A_1798 : f32 to vector<16xf32>
        %add3A_1800 = arith.addf %mul3A_1797, %add3A_1799 : vector<16xf32>
        %mul3A_1801 = arith.mulf %add3A_1800, %exp3A_1783 : vector<16xf32>
        %add3A_1802 = arith.constant -0.49720332 : f32
        %add3A_1803 = vector.broadcast %add3A_1802 : f32 to vector<16xf32>
        %add3A_1804 = arith.addf %mul3A_1801, %add3A_1803 : vector<16xf32>
        %mul3A_1805 = arith.mulf %add3A_1804, %exp3A_1783 : vector<16xf32>
        %add3A_1806 = arith.constant 0.99983257 : f32
        %add3A_1807 = vector.broadcast %add3A_1806 : f32 to vector<16xf32>
        %add3A_1808 = arith.addf %mul3A_1805, %add3A_1807 : vector<16xf32>
        %mul3A_1809 = arith.mulf %add3A_1808, %exp3A_1783 : vector<16xf32>
        %add3A_1810 = arith.constant 1.69366263E-6 : f32
        %add3A_1811 = vector.broadcast %add3A_1810 : f32 to vector<16xf32>
        %add3A_1812 = arith.addf %mul3A_1809, %add3A_1811 : vector<16xf32>
        %max3A_1813 = arith.constant 0.000000e+00 : f32
        %max3A_1814 = vector.broadcast %max3A_1813 : f32 to vector<16xf32>
        %max3A_1815 = arith.maximumf %sub3A_1778, %max3A_1814 : vector<16xf32>
        %add3A_1816 = arith.addf %max3A_1815, %add3A_1812 : vector<16xf32>
        %sub3A_1817 = arith.subf %sub3A_332, %gather3A_1776 : vector<16xf32>
        %abs3A_1818 = math.absf %sub3A_1817 : vector<16xf32>
        %sub3A_1819 = arith.subf %gather3A_1777, %gather3A : vector<16xf32>
        %abs3A_1820 = math.absf %sub3A_1819 : vector<16xf32>
        %mul3A_1821 = arith.mulf %abs3A_1818, %abs3A_1820 : vector<16xf32>
        %mul3A_1822 = arith.mulf %mul3A_1821, %add3A_1816 : vector<16xf32>
        %add3A_1823 = arith.addf %while3A_1764, %mul3A_1822 : vector<16xf32>
        %sub3A_1824 = arith.subf %gather3A_1775, %get3A_268 : vector<16xf32>
        %abs3A_1825 = math.absf %sub3A_1824 : vector<16xf32>
        %neg3A_1826 = arith.constant 0.000000e+00 : f32
        %neg3A_1827 = vector.broadcast %neg3A_1826 : f32 to vector<16xf32>
        %neg3A_1828 = arith.subf %neg3A_1827, %abs3A_1825 : vector<16xf32>
        %exp3A_1829 = math.exp %neg3A_1828 : vector<16xf32>
        %broadcast_in_dim3A_1830 = arith.constant 0.000000e+00 : f32
        %broadcast_in_dim3A_1831 = vector.broadcast %broadcast_in_dim3A_1830 : f32 to vector<16xf32>
        %add3A_1832 = arith.constant -0.0170296114 : f32
        %add3A_1833 = vector.broadcast %add3A_1832 : f32 to vector<16xf32>
        %add3A_1834 = arith.addf %broadcast_in_dim3A_1831, %add3A_1833 : vector<16xf32>
        %mul3A_1835 = arith.mulf %add3A_1834, %exp3A_1829 : vector<16xf32>
        %add3A_1836 = arith.constant 0.08152318 : f32
        %add3A_1837 = vector.broadcast %add3A_1836 : f32 to vector<16xf32>
        %add3A_1838 = arith.addf %mul3A_1835, %add3A_1837 : vector<16xf32>
        %mul3A_1839 = arith.mulf %add3A_1838, %exp3A_1829 : vector<16xf32>
        %add3A_1840 = arith.constant -0.189019546 : f32
        %add3A_1841 = vector.broadcast %add3A_1840 : f32 to vector<16xf32>
        %add3A_1842 = arith.addf %mul3A_1839, %add3A_1841 : vector<16xf32>
        %mul3A_1843 = arith.mulf %add3A_1842, %exp3A_1829 : vector<16xf32>
        %add3A_1844 = arith.constant 0.315041274 : f32
        %add3A_1845 = vector.broadcast %add3A_1844 : f32 to vector<16xf32>
        %add3A_1846 = arith.addf %mul3A_1843, %add3A_1845 : vector<16xf32>
        %mul3A_1847 = arith.mulf %add3A_1846, %exp3A_1829 : vector<16xf32>
        %add3A_1848 = arith.constant -0.49720332 : f32
        %add3A_1849 = vector.broadcast %add3A_1848 : f32 to vector<16xf32>
        %add3A_1850 = arith.addf %mul3A_1847, %add3A_1849 : vector<16xf32>
        %mul3A_1851 = arith.mulf %add3A_1850, %exp3A_1829 : vector<16xf32>
        %add3A_1852 = arith.constant 0.99983257 : f32
        %add3A_1853 = vector.broadcast %add3A_1852 : f32 to vector<16xf32>
        %add3A_1854 = arith.addf %mul3A_1851, %add3A_1853 : vector<16xf32>
        %mul3A_1855 = arith.mulf %add3A_1854, %exp3A_1829 : vector<16xf32>
        %add3A_1856 = arith.constant 1.69366263E-6 : f32
        %add3A_1857 = vector.broadcast %add3A_1856 : f32 to vector<16xf32>
        %add3A_1858 = arith.addf %mul3A_1855, %add3A_1857 : vector<16xf32>
        %max3A_1859 = arith.constant 0.000000e+00 : f32
        %max3A_1860 = vector.broadcast %max3A_1859 : f32 to vector<16xf32>
        %max3A_1861 = arith.maximumf %sub3A_1824, %max3A_1860 : vector<16xf32>
        %add3A_1862 = arith.addf %max3A_1861, %add3A_1858 : vector<16xf32>
        %sub3A_1863 = arith.subf %sub3A_339, %gather3A_1776 : vector<16xf32>
        %abs3A_1864 = math.absf %sub3A_1863 : vector<16xf32>
        %sub3A_1865 = arith.subf %gather3A_1777, %gather3A_354 : vector<16xf32>
        %abs3A_1866 = math.absf %sub3A_1865 : vector<16xf32>
        %mul3A_1867 = arith.mulf %abs3A_1864, %abs3A_1866 : vector<16xf32>
        %mul3A_1868 = arith.mulf %mul3A_1867, %add3A_1862 : vector<16xf32>
        %add3A_1869 = arith.addf %while3A_1765, %mul3A_1868 : vector<16xf32>
        %sub3A_1870 = arith.subf %gather3A_1775, %get3A_272 : vector<16xf32>
        %abs3A_1871 = math.absf %sub3A_1870 : vector<16xf32>
        %neg3A_1872 = arith.constant 0.000000e+00 : f32
        %neg3A_1873 = vector.broadcast %neg3A_1872 : f32 to vector<16xf32>
        %neg3A_1874 = arith.subf %neg3A_1873, %abs3A_1871 : vector<16xf32>
        %exp3A_1875 = math.exp %neg3A_1874 : vector<16xf32>
        %broadcast_in_dim3A_1876 = arith.constant 0.000000e+00 : f32
        %broadcast_in_dim3A_1877 = vector.broadcast %broadcast_in_dim3A_1876 : f32 to vector<16xf32>
        %add3A_1878 = arith.constant -0.0170296114 : f32
        %add3A_1879 = vector.broadcast %add3A_1878 : f32 to vector<16xf32>
        %add3A_1880 = arith.addf %broadcast_in_dim3A_1877, %add3A_1879 : vector<16xf32>
        %mul3A_1881 = arith.mulf %add3A_1880, %exp3A_1875 : vector<16xf32>
        %add3A_1882 = arith.constant 0.08152318 : f32
        %add3A_1883 = vector.broadcast %add3A_1882 : f32 to vector<16xf32>
        %add3A_1884 = arith.addf %mul3A_1881, %add3A_1883 : vector<16xf32>
        %mul3A_1885 = arith.mulf %add3A_1884, %exp3A_1875 : vector<16xf32>
        %add3A_1886 = arith.constant -0.189019546 : f32
        %add3A_1887 = vector.broadcast %add3A_1886 : f32 to vector<16xf32>
        %add3A_1888 = arith.addf %mul3A_1885, %add3A_1887 : vector<16xf32>
        %mul3A_1889 = arith.mulf %add3A_1888, %exp3A_1875 : vector<16xf32>
        %add3A_1890 = arith.constant 0.315041274 : f32
        %add3A_1891 = vector.broadcast %add3A_1890 : f32 to vector<16xf32>
        %add3A_1892 = arith.addf %mul3A_1889, %add3A_1891 : vector<16xf32>
        %mul3A_1893 = arith.mulf %add3A_1892, %exp3A_1875 : vector<16xf32>
        %add3A_1894 = arith.constant -0.49720332 : f32
        %add3A_1895 = vector.broadcast %add3A_1894 : f32 to vector<16xf32>
        %add3A_1896 = arith.addf %mul3A_1893, %add3A_1895 : vector<16xf32>
        %mul3A_1897 = arith.mulf %add3A_1896, %exp3A_1875 : vector<16xf32>
        %add3A_1898 = arith.constant 0.99983257 : f32
        %add3A_1899 = vector.broadcast %add3A_1898 : f32 to vector<16xf32>
        %add3A_1900 = arith.addf %mul3A_1897, %add3A_1899 : vector<16xf32>
        %mul3A_1901 = arith.mulf %add3A_1900, %exp3A_1875 : vector<16xf32>
        %add3A_1902 = arith.constant 1.69366263E-6 : f32
        %add3A_1903 = vector.broadcast %add3A_1902 : f32 to vector<16xf32>
        %add3A_1904 = arith.addf %mul3A_1901, %add3A_1903 : vector<16xf32>
        %max3A_1905 = arith.constant 0.000000e+00 : f32
        %max3A_1906 = vector.broadcast %max3A_1905 : f32 to vector<16xf32>
        %max3A_1907 = arith.maximumf %sub3A_1870, %max3A_1906 : vector<16xf32>
        %add3A_1908 = arith.addf %max3A_1907, %add3A_1904 : vector<16xf32>
        %sub3A_1909 = arith.subf %sub3A_346, %gather3A_1776 : vector<16xf32>
        %abs3A_1910 = math.absf %sub3A_1909 : vector<16xf32>
        %sub3A_1911 = arith.subf %gather3A_1777, %gather3A_355 : vector<16xf32>
        %abs3A_1912 = math.absf %sub3A_1911 : vector<16xf32>
        %mul3A_1913 = arith.mulf %abs3A_1910, %abs3A_1912 : vector<16xf32>
        %mul3A_1914 = arith.mulf %mul3A_1913, %add3A_1908 : vector<16xf32>
        %add3A_1915 = arith.addf %while3A_1766, %mul3A_1914 : vector<16xf32>
        %sub3A_1916 = arith.subf %gather3A_1775, %get3A_276 : vector<16xf32>
        %abs3A_1917 = math.absf %sub3A_1916 : vector<16xf32>
        %neg3A_1918 = arith.constant 0.000000e+00 : f32
        %neg3A_1919 = vector.broadcast %neg3A_1918 : f32 to vector<16xf32>
        %neg3A_1920 = arith.subf %neg3A_1919, %abs3A_1917 : vector<16xf32>
        %exp3A_1921 = math.exp %neg3A_1920 : vector<16xf32>
        %broadcast_in_dim3A_1922 = arith.constant 0.000000e+00 : f32
        %broadcast_in_dim3A_1923 = vector.broadcast %broadcast_in_dim3A_1922 : f32 to vector<16xf32>
        %add3A_1924 = arith.constant -0.0170296114 : f32
        %add3A_1925 = vector.broadcast %add3A_1924 : f32 to vector<16xf32>
        %add3A_1926 = arith.addf %broadcast_in_dim3A_1923, %add3A_1925 : vector<16xf32>
        %mul3A_1927 = arith.mulf %add3A_1926, %exp3A_1921 : vector<16xf32>
        %add3A_1928 = arith.constant 0.08152318 : f32
        %add3A_1929 = vector.broadcast %add3A_1928 : f32 to vector<16xf32>
        %add3A_1930 = arith.addf %mul3A_1927, %add3A_1929 : vector<16xf32>
        %mul3A_1931 = arith.mulf %add3A_1930, %exp3A_1921 : vector<16xf32>
        %add3A_1932 = arith.constant -0.189019546 : f32
        %add3A_1933 = vector.broadcast %add3A_1932 : f32 to vector<16xf32>
        %add3A_1934 = arith.addf %mul3A_1931, %add3A_1933 : vector<16xf32>
        %mul3A_1935 = arith.mulf %add3A_1934, %exp3A_1921 : vector<16xf32>
        %add3A_1936 = arith.constant 0.315041274 : f32
        %add3A_1937 = vector.broadcast %add3A_1936 : f32 to vector<16xf32>
        %add3A_1938 = arith.addf %mul3A_1935, %add3A_1937 : vector<16xf32>
        %mul3A_1939 = arith.mulf %add3A_1938, %exp3A_1921 : vector<16xf32>
        %add3A_1940 = arith.constant -0.49720332 : f32
        %add3A_1941 = vector.broadcast %add3A_1940 : f32 to vector<16xf32>
        %add3A_1942 = arith.addf %mul3A_1939, %add3A_1941 : vector<16xf32>
        %mul3A_1943 = arith.mulf %add3A_1942, %exp3A_1921 : vector<16xf32>
        %add3A_1944 = arith.constant 0.99983257 : f32
        %add3A_1945 = vector.broadcast %add3A_1944 : f32 to vector<16xf32>
        %add3A_1946 = arith.addf %mul3A_1943, %add3A_1945 : vector<16xf32>
        %mul3A_1947 = arith.mulf %add3A_1946, %exp3A_1921 : vector<16xf32>
        %add3A_1948 = arith.constant 1.69366263E-6 : f32
        %add3A_1949 = vector.broadcast %add3A_1948 : f32 to vector<16xf32>
        %add3A_1950 = arith.addf %mul3A_1947, %add3A_1949 : vector<16xf32>
        %max3A_1951 = arith.constant 0.000000e+00 : f32
        %max3A_1952 = vector.broadcast %max3A_1951 : f32 to vector<16xf32>
        %max3A_1953 = arith.maximumf %sub3A_1916, %max3A_1952 : vector<16xf32>
        %add3A_1954 = arith.addf %max3A_1953, %add3A_1950 : vector<16xf32>
        %sub3A_1955 = arith.subf %sub3A_353, %gather3A_1776 : vector<16xf32>
        %abs3A_1956 = math.absf %sub3A_1955 : vector<16xf32>
        %sub3A_1957 = arith.subf %gather3A_1777, %gather3A_356 : vector<16xf32>
        %abs3A_1958 = math.absf %sub3A_1957 : vector<16xf32>
        %mul3A_1959 = arith.mulf %abs3A_1956, %abs3A_1958 : vector<16xf32>
        %mul3A_1960 = arith.mulf %mul3A_1959, %add3A_1954 : vector<16xf32>
        %add3A_1961 = arith.addf %while3A_1767, %mul3A_1960 : vector<16xf32>
        scf.yield %add3A_1823, %add3A_1869, %add3A_1915, %add3A_1961 : vector<16xf32>, vector<16xf32>, vector<16xf32>, vector<16xf32>
      }
      %mul3A_688 = arith.mulf %select_n3A_577, %while3A_687#0 : vector<16xf32>
      %mul3A_689 = arith.mulf %select_n3A_585, %while3A_687#1 : vector<16xf32>
      %mul3A_690 = arith.mulf %select_n3A_593, %while3A_687#2 : vector<16xf32>
      %mul3A_691 = arith.mulf %select_n3A_601, %while3A_687#3 : vector<16xf32>
      %reduce_sum3A_692 = arith.constant true
      %reduce_sum3A_693 = vector.broadcast %reduce_sum3A_692 : i1 to vector<16xi1>
      %reduce_sum3A_694 = tpu.scan <sum>, %mul3A_688 masked %reduce_sum3A_693 : vector<16xf32>, vector<16xi1> -> vector<16xf32>
      %reduce_sum3A_695 = vector.extract %reduce_sum3A_694[15] : f32 from vector<16xf32>
      %add3A_696 = arith.constant 0.000000e+00 : f32
      %add3A_697 = arith.addf %add3A_696, %reduce_sum3A_695 : f32
      %reduce_sum3A_698 = arith.constant true
      %reduce_sum3A_699 = vector.broadcast %reduce_sum3A_698 : i1 to vector<16xi1>
      %reduce_sum3A_700 = tpu.scan <sum>, %mul3A_689 masked %reduce_sum3A_699 : vector<16xf32>, vector<16xi1> -> vector<16xf32>
      %reduce_sum3A_701 = vector.extract %reduce_sum3A_700[15] : f32 from vector<16xf32>
      %add3A_702 = arith.addf %add3A_697, %reduce_sum3A_701 : f32
      %reduce_sum3A_703 = arith.constant true
      %reduce_sum3A_704 = vector.broadcast %reduce_sum3A_703 : i1 to vector<16xi1>
      %reduce_sum3A_705 = tpu.scan <sum>, %mul3A_690 masked %reduce_sum3A_704 : vector<16xf32>, vector<16xi1> -> vector<16xf32>
      %reduce_sum3A_706 = vector.extract %reduce_sum3A_705[15] : f32 from vector<16xf32>
      %add3A_707 = arith.addf %add3A_702, %reduce_sum3A_706 : f32
      %reduce_sum3A_708 = arith.constant true
      %reduce_sum3A_709 = vector.broadcast %reduce_sum3A_708 : i1 to vector<16xi1>
      %reduce_sum3A_710 = tpu.scan <sum>, %mul3A_691 masked %reduce_sum3A_709 : vector<16xf32>, vector<16xi1> -> vector<16xf32>
      %reduce_sum3A_711 = vector.extract %reduce_sum3A_710[15] : f32 from vector<16xf32>
      %add3A_712 = arith.addf %add3A_707, %reduce_sum3A_711 : f32
      %broadcast_in_dim3A_713 = arith.constant 0.000000e+00 : f32
      %broadcast_in_dim3A_714 = vector.broadcast %broadcast_in_dim3A_713 : f32 to vector<16xf32>
      %gt3A_715 = arith.constant 0.000000e+00 : f32
      %gt3A_716 = arith.cmpf ogt, %mul3A_565, %gt3A_715 : f32
      %add3A_717 = vector.broadcast %add3A_712 : f32 to vector<16xf32>
      %add3A_718 = arith.addf %broadcast_in_dim3A_714, %add3A_717 : vector<16xf32>
      %max3A_719 = arith.constant 1.000000e+00 : f32
      %max3A_720 = arith.maximumf %mul3A_565, %max3A_719 : f32
      %mul3A_721 = arith.mulf %select_n3A_569, %max3A_720 : f32
      %add3A_722 = vector.broadcast %mul3A_721 : f32 to vector<16xf32>
      %add3A_723 = arith.addf %broadcast_in_dim3A_714, %add3A_722 : vector<16xf32>
      %div3A_724 = arith.divf %add3A_718, %add3A_723 : vector<16xf32>
      %jit3A_725 = arith.constant 0.000000e+00 : f32
      %broadcast_in_dim3A_726 = vector.broadcast %jit3A_725 : f32 to vector<16xf32>
      %select_n3A_727 = arith.select %gt3A_716, %div3A_724, %broadcast_in_dim3A_726 : vector<16xf32>
      %gt3A_728 = arith.constant 0.000000e+00 : f32
      %gt3A_729 = arith.cmpf ogt, %mul3A_565, %gt3A_728 : f32
      %and3A_730 = arith.andi %gt3A_567, %gt3A_729 : i1
      %sub3A_731 = vector.broadcast %max3A_553 : f32 to vector<16xf32>
      %sub3A_732 = arith.subf %get3A_264, %sub3A_731 : vector<16xf32>
      %exp3A_733 = math.exp %sub3A_732 : vector<16xf32>
      %sub3A_734 = vector.broadcast %max3A_553 : f32 to vector<16xf32>
      %sub3A_735 = arith.subf %get3A_268, %sub3A_734 : vector<16xf32>
      %exp3A_736 = math.exp %sub3A_735 : vector<16xf32>
      %sub3A_737 = vector.broadcast %max3A_553 : f32 to vector<16xf32>
      %sub3A_738 = arith.subf %get3A_272, %sub3A_737 : vector<16xf32>
      %exp3A_739 = math.exp %sub3A_738 : vector<16xf32>
      %sub3A_740 = vector.broadcast %max3A_553 : f32 to vector<16xf32>
      %sub3A_741 = arith.subf %get3A_276, %sub3A_740 : vector<16xf32>
      %exp3A_742 = math.exp %sub3A_741 : vector<16xf32>
      tpu.vector_store_idx %arg10[%scan3A_325#0], %exp3A_733 : memref<64xf32, #tpu.memory_space<vmem>>[vector<16xi32>], vector<16xf32>,
      %reduce_sum3A_743 = arith.constant true
      %reduce_sum3A_744 = vector.broadcast %reduce_sum3A_743 : i1 to vector<16xi1>
      %reduce_sum3A_745 = tpu.scan <sum>, %exp3A_733 masked %reduce_sum3A_744 : vector<16xf32>, vector<16xi1> -> vector<16xf32>
      %reduce_sum3A_746 = vector.extract %reduce_sum3A_745[15] : f32 from vector<16xf32>
      %add3A_747 = arith.constant 0.000000e+00 : f32
      %add3A_748 = arith.addf %add3A_747, %reduce_sum3A_746 : f32
      tpu.vector_store_idx %arg10[%scan3A_325#1], %exp3A_736 : memref<64xf32, #tpu.memory_space<vmem>>[vector<16xi32>], vector<16xf32>,
      %reduce_sum3A_749 = arith.constant true
      %reduce_sum3A_750 = vector.broadcast %reduce_sum3A_749 : i1 to vector<16xi1>
      %reduce_sum3A_751 = tpu.scan <sum>, %exp3A_736 masked %reduce_sum3A_750 : vector<16xf32>, vector<16xi1> -> vector<16xf32>
      %reduce_sum3A_752 = vector.extract %reduce_sum3A_751[15] : f32 from vector<16xf32>
      %add3A_753 = arith.addf %add3A_748, %reduce_sum3A_752 : f32
      tpu.vector_store_idx %arg10[%scan3A_325#2], %exp3A_739 : memref<64xf32, #tpu.memory_space<vmem>>[vector<16xi32>], vector<16xf32>,
      %reduce_sum3A_754 = arith.constant true
      %reduce_sum3A_755 = vector.broadcast %reduce_sum3A_754 : i1 to vector<16xi1>
      %reduce_sum3A_756 = tpu.scan <sum>, %exp3A_739 masked %reduce_sum3A_755 : vector<16xf32>, vector<16xi1> -> vector<16xf32>
      %reduce_sum3A_757 = vector.extract %reduce_sum3A_756[15] : f32 from vector<16xf32>
      %add3A_758 = arith.addf %add3A_753, %reduce_sum3A_757 : f32
      tpu.vector_store_idx %arg10[%scan3A_325#3], %exp3A_742 : memref<64xf32, #tpu.memory_space<vmem>>[vector<16xi32>], vector<16xf32>,
      %reduce_sum3A_759 = arith.constant true
      %reduce_sum3A_760 = vector.broadcast %reduce_sum3A_759 : i1 to vector<16xi1>
      %reduce_sum3A_761 = tpu.scan <sum>, %exp3A_742 masked %reduce_sum3A_760 : vector<16xf32>, vector<16xi1> -> vector<16xf32>
      %reduce_sum3A_762 = vector.extract %reduce_sum3A_761[15] : f32 from vector<16xf32>
      %add3A_763 = arith.addf %add3A_758, %reduce_sum3A_762 : f32
      %get3A_764 = arith.constant 0 : index
      %get3A_765 = tpu.vector_load %arg10[%get3A_764] {strides = array<i32>} : memref<64xf32, #tpu.memory_space<vmem>>, vector<16xf32>,
      %broadcast_in_dim3A_766 = arith.constant true
      %broadcast_in_dim3A_767 = vector.broadcast %broadcast_in_dim3A_766 : i1 to vector<16xi1>
      %masked_cumsum3A_768 = tpu.scan <sum>, %get3A_765 masked %broadcast_in_dim3A_767 : vector<16xf32>, vector<16xi1> -> vector<16xf32>
      %sub3A_769 = arith.constant 0.000000e+00 : f32
      %sub3A_770 = arith.subf %add3A_763, %sub3A_769 : f32
      %sub3A_771 = vector.broadcast %sub3A_770 : f32 to vector<16xf32>
      %sub3A_772 = arith.subf %sub3A_771, %masked_cumsum3A_768 : vector<16xf32>
      %add3A_773 = arith.addf %sub3A_772, %get3A_765 : vector<16xf32>
      %add3A_774 = arith.constant 1.000000e-10 : f32
      %add3A_775 = vector.broadcast %add3A_774 : f32 to vector<16xf32>
      %add3A_776 = arith.addf %add3A_773, %add3A_775 : vector<16xf32>
      %bitcast3A_777 = vector.bitcast %add3A_776 : vector<16xf32> to vector<16xi32>
      %add3A_778 = arith.constant 4913933 : i32
      %add3A_779 = vector.broadcast %add3A_778 : i32 to vector<16xi32>
      %add3A_780 = arith.addi %bitcast3A_777, %add3A_779 : vector<16xi32>
      %shift_right_arithmetic3A_781 = arith.constant 23 : i32
      %shift_right_arithmetic3A_782 = vector.broadcast %shift_right_arithmetic3A_781 : i32 to vector<16xi32>
      %shift_right_arithmetic3A_783 = arith.shrsi %add3A_780, %shift_right_arithmetic3A_782 : vector<16xi32>
      %sub3A_784 = arith.constant 127 : i32
      %sub3A_785 = vector.broadcast %sub3A_784 : i32 to vector<16xi32>
      %sub3A_786 = arith.subi %shift_right_arithmetic3A_783, %sub3A_785 : vector<16xi32>
      %and3A_787 = arith.constant 8388607 : i32
      %and3A_788 = vector.broadcast %and3A_787 : i32 to vector<16xi32>
      %and3A_789 = arith.andi %add3A_780, %and3A_788 : vector<16xi32>
      %add3A_790 = arith.constant 1060439283 : i32
      %add3A_791 = vector.broadcast %add3A_790 : i32 to vector<16xi32>
      %add3A_792 = arith.addi %and3A_789, %add3A_791 : vector<16xi32>
      %bitcast3A_793 = vector.bitcast %add3A_792 : vector<16xi32> to vector<16xf32>
      %sub3A_794 = arith.constant 1.000000e+00 : f32
      %sub3A_795 = vector.broadcast %sub3A_794 : f32 to vector<16xf32>
      %sub3A_796 = arith.subf %bitcast3A_793, %sub3A_795 : vector<16xf32>
      %add3A_797 = arith.constant 2.000000e+00 : f32
      %add3A_798 = vector.broadcast %add3A_797 : f32 to vector<16xf32>
      %add3A_799 = arith.addf %add3A_798, %sub3A_796 : vector<16xf32>
      %div3A_800 = arith.divf %sub3A_796, %add3A_799 : vector<16xf32>
      %mul3A_801 = arith.mulf %div3A_800, %div3A_800 : vector<16xf32>
      %mul3A_802 = arith.mulf %mul3A_801, %mul3A_801 : vector<16xf32>
      %mul3A_803 = arith.constant 0.242790788 : f32
      %mul3A_804 = vector.broadcast %mul3A_803 : f32 to vector<16xf32>
      %mul3A_805 = arith.mulf %mul3A_802, %mul3A_804 : vector<16xf32>
      %add3A_806 = arith.constant 0.400009722 : f32
      %add3A_807 = vector.broadcast %add3A_806 : f32 to vector<16xf32>
      %add3A_808 = arith.addf %add3A_807, %mul3A_805 : vector<16xf32>
      %mul3A_809 = arith.mulf %mul3A_802, %add3A_808 : vector<16xf32>
      %mul3A_810 = arith.constant 0.284987867 : f32
      %mul3A_811 = vector.broadcast %mul3A_810 : f32 to vector<16xf32>
      %mul3A_812 = arith.mulf %mul3A_802, %mul3A_811 : vector<16xf32>
      %add3A_813 = arith.constant 0.666666627 : f32
      %add3A_814 = vector.broadcast %add3A_813 : f32 to vector<16xf32>
      %add3A_815 = arith.addf %add3A_814, %mul3A_812 : vector<16xf32>
      %mul3A_816 = arith.mulf %mul3A_801, %add3A_815 : vector<16xf32>
      %add3A_817 = arith.addf %mul3A_816, %mul3A_809 : vector<16xf32>
      %mul3A_818 = arith.constant 5.000000e-01 : f32
      %mul3A_819 = vector.broadcast %mul3A_818 : f32 to vector<16xf32>
      %mul3A_820 = arith.mulf %mul3A_819, %sub3A_796 : vector<16xf32>
      %mul3A_821 = arith.mulf %mul3A_820, %sub3A_796 : vector<16xf32>
      %convert_element_type3A_822 = arith.sitofp %sub3A_786 : vector<16xi32> to vector<16xf32>
      %mul3A_823 = arith.constant 0.693147182 : f32
      %mul3A_824 = vector.broadcast %mul3A_823 : f32 to vector<16xf32>
      %mul3A_825 = arith.mulf %convert_element_type3A_822, %mul3A_824 : vector<16xf32>
      %add3A_826 = arith.addf %mul3A_821, %add3A_817 : vector<16xf32>
      %mul3A_827 = arith.mulf %div3A_800, %add3A_826 : vector<16xf32>
      %sub3A_828 = arith.subf %mul3A_821, %mul3A_827 : vector<16xf32>
      %sub3A_829 = arith.subf %sub3A_796, %sub3A_828 : vector<16xf32>
      %add3A_830 = arith.addf %mul3A_825, %sub3A_829 : vector<16xf32>
      %reduce_sum3A_831 = arith.constant true
      %reduce_sum3A_832 = vector.broadcast %reduce_sum3A_831 : i1 to vector<16xi1>
      %reduce_sum3A_833 = tpu.scan <sum>, %add3A_830 masked %reduce_sum3A_832 : vector<16xf32>, vector<16xi1> -> vector<16xf32>
      %reduce_sum3A_834 = vector.extract %reduce_sum3A_833[15] : f32 from vector<16xf32>
      %add3A_835 = arith.constant 0.000000e+00 : f32
      %add3A_836 = arith.addf %add3A_835, %reduce_sum3A_834 : f32
      %reduce_sum3A_837 = arith.constant true
      %reduce_sum3A_838 = vector.broadcast %reduce_sum3A_837 : i1 to vector<16xi1>
      %reduce_sum3A_839 = tpu.scan <sum>, %get3A_765 masked %reduce_sum3A_838 : vector<16xf32>, vector<16xi1> -> vector<16xf32>
      %reduce_sum3A_840 = vector.extract %reduce_sum3A_839[15] : f32 from vector<16xf32>
      %add3A_841 = arith.constant 0.000000e+00 : f32
      %add3A_842 = arith.addf %add3A_841, %reduce_sum3A_840 : f32
      %get3A_843 = arith.constant 16 : index
      %get3A_844 = tpu.vector_load %arg10[%get3A_843] {strides = array<i32>} : memref<64xf32, #tpu.memory_space<vmem>>, vector<16xf32>,
      %broadcast_in_dim3A_845 = arith.constant true
      %broadcast_in_dim3A_846 = vector.broadcast %broadcast_in_dim3A_845 : i1 to vector<16xi1>
      %masked_cumsum3A_847 = tpu.scan <sum>, %get3A_844 masked %broadcast_in_dim3A_846 : vector<16xf32>, vector<16xi1> -> vector<16xf32>
      %sub3A_848 = arith.subf %add3A_763, %add3A_842 : f32
      %sub3A_849 = vector.broadcast %sub3A_848 : f32 to vector<16xf32>
      %sub3A_850 = arith.subf %sub3A_849, %masked_cumsum3A_847 : vector<16xf32>
      %add3A_851 = arith.addf %sub3A_850, %get3A_844 : vector<16xf32>
      %add3A_852 = arith.constant 1.000000e-10 : f32
      %add3A_853 = vector.broadcast %add3A_852 : f32 to vector<16xf32>
      %add3A_854 = arith.addf %add3A_851, %add3A_853 : vector<16xf32>
      %bitcast3A_855 = vector.bitcast %add3A_854 : vector<16xf32> to vector<16xi32>
      %add3A_856 = arith.constant 4913933 : i32
      %add3A_857 = vector.broadcast %add3A_856 : i32 to vector<16xi32>
      %add3A_858 = arith.addi %bitcast3A_855, %add3A_857 : vector<16xi32>
      %shift_right_arithmetic3A_859 = arith.constant 23 : i32
      %shift_right_arithmetic3A_860 = vector.broadcast %shift_right_arithmetic3A_859 : i32 to vector<16xi32>
      %shift_right_arithmetic3A_861 = arith.shrsi %add3A_858, %shift_right_arithmetic3A_860 : vector<16xi32>
      %sub3A_862 = arith.constant 127 : i32
      %sub3A_863 = vector.broadcast %sub3A_862 : i32 to vector<16xi32>
      %sub3A_864 = arith.subi %shift_right_arithmetic3A_861, %sub3A_863 : vector<16xi32>
      %and3A_865 = arith.constant 8388607 : i32
      %and3A_866 = vector.broadcast %and3A_865 : i32 to vector<16xi32>
      %and3A_867 = arith.andi %add3A_858, %and3A_866 : vector<16xi32>
      %add3A_868 = arith.constant 1060439283 : i32
      %add3A_869 = vector.broadcast %add3A_868 : i32 to vector<16xi32>
      %add3A_870 = arith.addi %and3A_867, %add3A_869 : vector<16xi32>
      %bitcast3A_871 = vector.bitcast %add3A_870 : vector<16xi32> to vector<16xf32>
      %sub3A_872 = arith.constant 1.000000e+00 : f32
      %sub3A_873 = vector.broadcast %sub3A_872 : f32 to vector<16xf32>
      %sub3A_874 = arith.subf %bitcast3A_871, %sub3A_873 : vector<16xf32>
      %add3A_875 = arith.constant 2.000000e+00 : f32
      %add3A_876 = vector.broadcast %add3A_875 : f32 to vector<16xf32>
      %add3A_877 = arith.addf %add3A_876, %sub3A_874 : vector<16xf32>
      %div3A_878 = arith.divf %sub3A_874, %add3A_877 : vector<16xf32>
      %mul3A_879 = arith.mulf %div3A_878, %div3A_878 : vector<16xf32>
      %mul3A_880 = arith.mulf %mul3A_879, %mul3A_879 : vector<16xf32>
      %mul3A_881 = arith.constant 0.242790788 : f32
      %mul3A_882 = vector.broadcast %mul3A_881 : f32 to vector<16xf32>
      %mul3A_883 = arith.mulf %mul3A_880, %mul3A_882 : vector<16xf32>
      %add3A_884 = arith.constant 0.400009722 : f32
      %add3A_885 = vector.broadcast %add3A_884 : f32 to vector<16xf32>
      %add3A_886 = arith.addf %add3A_885, %mul3A_883 : vector<16xf32>
      %mul3A_887 = arith.mulf %mul3A_880, %add3A_886 : vector<16xf32>
      %mul3A_888 = arith.constant 0.284987867 : f32
      %mul3A_889 = vector.broadcast %mul3A_888 : f32 to vector<16xf32>
      %mul3A_890 = arith.mulf %mul3A_880, %mul3A_889 : vector<16xf32>
      %add3A_891 = arith.constant 0.666666627 : f32
      %add3A_892 = vector.broadcast %add3A_891 : f32 to vector<16xf32>
      %add3A_893 = arith.addf %add3A_892, %mul3A_890 : vector<16xf32>
      %mul3A_894 = arith.mulf %mul3A_879, %add3A_893 : vector<16xf32>
      %add3A_895 = arith.addf %mul3A_894, %mul3A_887 : vector<16xf32>
      %mul3A_896 = arith.constant 5.000000e-01 : f32
      %mul3A_897 = vector.broadcast %mul3A_896 : f32 to vector<16xf32>
      %mul3A_898 = arith.mulf %mul3A_897, %sub3A_874 : vector<16xf32>
      %mul3A_899 = arith.mulf %mul3A_898, %sub3A_874 : vector<16xf32>
      %convert_element_type3A_900 = arith.sitofp %sub3A_864 : vector<16xi32> to vector<16xf32>
      %mul3A_901 = arith.constant 0.693147182 : f32
      %mul3A_902 = vector.broadcast %mul3A_901 : f32 to vector<16xf32>
      %mul3A_903 = arith.mulf %convert_element_type3A_900, %mul3A_902 : vector<16xf32>
      %add3A_904 = arith.addf %mul3A_899, %add3A_895 : vector<16xf32>
      %mul3A_905 = arith.mulf %div3A_878, %add3A_904 : vector<16xf32>
      %sub3A_906 = arith.subf %mul3A_899, %mul3A_905 : vector<16xf32>
      %sub3A_907 = arith.subf %sub3A_874, %sub3A_906 : vector<16xf32>
      %add3A_908 = arith.addf %mul3A_903, %sub3A_907 : vector<16xf32>
      %reduce_sum3A_909 = arith.constant true
      %reduce_sum3A_910 = vector.broadcast %reduce_sum3A_909 : i1 to vector<16xi1>
      %reduce_sum3A_911 = tpu.scan <sum>, %add3A_908 masked %reduce_sum3A_910 : vector<16xf32>, vector<16xi1> -> vector<16xf32>
      %reduce_sum3A_912 = vector.extract %reduce_sum3A_911[15] : f32 from vector<16xf32>
      %add3A_913 = arith.addf %add3A_836, %reduce_sum3A_912 : f32
      %reduce_sum3A_914 = arith.constant true
      %reduce_sum3A_915 = vector.broadcast %reduce_sum3A_914 : i1 to vector<16xi1>
      %reduce_sum3A_916 = tpu.scan <sum>, %get3A_844 masked %reduce_sum3A_915 : vector<16xf32>, vector<16xi1> -> vector<16xf32>
      %reduce_sum3A_917 = vector.extract %reduce_sum3A_916[15] : f32 from vector<16xf32>
      %add3A_918 = arith.addf %add3A_842, %reduce_sum3A_917 : f32
      %get3A_919 = arith.constant 32 : index
      %get3A_920 = tpu.vector_load %arg10[%get3A_919] {strides = array<i32>} : memref<64xf32, #tpu.memory_space<vmem>>, vector<16xf32>,
      %broadcast_in_dim3A_921 = arith.constant true
      %broadcast_in_dim3A_922 = vector.broadcast %broadcast_in_dim3A_921 : i1 to vector<16xi1>
      %masked_cumsum3A_923 = tpu.scan <sum>, %get3A_920 masked %broadcast_in_dim3A_922 : vector<16xf32>, vector<16xi1> -> vector<16xf32>
      %sub3A_924 = arith.subf %add3A_763, %add3A_918 : f32
      %sub3A_925 = vector.broadcast %sub3A_924 : f32 to vector<16xf32>
      %sub3A_926 = arith.subf %sub3A_925, %masked_cumsum3A_923 : vector<16xf32>
      %add3A_927 = arith.addf %sub3A_926, %get3A_920 : vector<16xf32>
      %add3A_928 = arith.constant 1.000000e-10 : f32
      %add3A_929 = vector.broadcast %add3A_928 : f32 to vector<16xf32>
      %add3A_930 = arith.addf %add3A_927, %add3A_929 : vector<16xf32>
      %bitcast3A_931 = vector.bitcast %add3A_930 : vector<16xf32> to vector<16xi32>
      %add3A_932 = arith.constant 4913933 : i32
      %add3A_933 = vector.broadcast %add3A_932 : i32 to vector<16xi32>
      %add3A_934 = arith.addi %bitcast3A_931, %add3A_933 : vector<16xi32>
      %shift_right_arithmetic3A_935 = arith.constant 23 : i32
      %shift_right_arithmetic3A_936 = vector.broadcast %shift_right_arithmetic3A_935 : i32 to vector<16xi32>
      %shift_right_arithmetic3A_937 = arith.shrsi %add3A_934, %shift_right_arithmetic3A_936 : vector<16xi32>
      %sub3A_938 = arith.constant 127 : i32
      %sub3A_939 = vector.broadcast %sub3A_938 : i32 to vector<16xi32>
      %sub3A_940 = arith.subi %shift_right_arithmetic3A_937, %sub3A_939 : vector<16xi32>
      %and3A_941 = arith.constant 8388607 : i32
      %and3A_942 = vector.broadcast %and3A_941 : i32 to vector<16xi32>
      %and3A_943 = arith.andi %add3A_934, %and3A_942 : vector<16xi32>
      %add3A_944 = arith.constant 1060439283 : i32
      %add3A_945 = vector.broadcast %add3A_944 : i32 to vector<16xi32>
      %add3A_946 = arith.addi %and3A_943, %add3A_945 : vector<16xi32>
      %bitcast3A_947 = vector.bitcast %add3A_946 : vector<16xi32> to vector<16xf32>
      %sub3A_948 = arith.constant 1.000000e+00 : f32
      %sub3A_949 = vector.broadcast %sub3A_948 : f32 to vector<16xf32>
      %sub3A_950 = arith.subf %bitcast3A_947, %sub3A_949 : vector<16xf32>
      %add3A_951 = arith.constant 2.000000e+00 : f32
      %add3A_952 = vector.broadcast %add3A_951 : f32 to vector<16xf32>
      %add3A_953 = arith.addf %add3A_952, %sub3A_950 : vector<16xf32>
      %div3A_954 = arith.divf %sub3A_950, %add3A_953 : vector<16xf32>
      %mul3A_955 = arith.mulf %div3A_954, %div3A_954 : vector<16xf32>
      %mul3A_956 = arith.mulf %mul3A_955, %mul3A_955 : vector<16xf32>
      %mul3A_957 = arith.constant 0.242790788 : f32
      %mul3A_958 = vector.broadcast %mul3A_957 : f32 to vector<16xf32>
      %mul3A_959 = arith.mulf %mul3A_956, %mul3A_958 : vector<16xf32>
      %add3A_960 = arith.constant 0.400009722 : f32
      %add3A_961 = vector.broadcast %add3A_960 : f32 to vector<16xf32>
      %add3A_962 = arith.addf %add3A_961, %mul3A_959 : vector<16xf32>
      %mul3A_963 = arith.mulf %mul3A_956, %add3A_962 : vector<16xf32>
      %mul3A_964 = arith.constant 0.284987867 : f32
      %mul3A_965 = vector.broadcast %mul3A_964 : f32 to vector<16xf32>
      %mul3A_966 = arith.mulf %mul3A_956, %mul3A_965 : vector<16xf32>
      %add3A_967 = arith.constant 0.666666627 : f32
      %add3A_968 = vector.broadcast %add3A_967 : f32 to vector<16xf32>
      %add3A_969 = arith.addf %add3A_968, %mul3A_966 : vector<16xf32>
      %mul3A_970 = arith.mulf %mul3A_955, %add3A_969 : vector<16xf32>
      %add3A_971 = arith.addf %mul3A_970, %mul3A_963 : vector<16xf32>
      %mul3A_972 = arith.constant 5.000000e-01 : f32
      %mul3A_973 = vector.broadcast %mul3A_972 : f32 to vector<16xf32>
      %mul3A_974 = arith.mulf %mul3A_973, %sub3A_950 : vector<16xf32>
      %mul3A_975 = arith.mulf %mul3A_974, %sub3A_950 : vector<16xf32>
      %convert_element_type3A_976 = arith.sitofp %sub3A_940 : vector<16xi32> to vector<16xf32>
      %mul3A_977 = arith.constant 0.693147182 : f32
      %mul3A_978 = vector.broadcast %mul3A_977 : f32 to vector<16xf32>
      %mul3A_979 = arith.mulf %convert_element_type3A_976, %mul3A_978 : vector<16xf32>
      %add3A_980 = arith.addf %mul3A_975, %add3A_971 : vector<16xf32>
      %mul3A_981 = arith.mulf %div3A_954, %add3A_980 : vector<16xf32>
      %sub3A_982 = arith.subf %mul3A_975, %mul3A_981 : vector<16xf32>
      %sub3A_983 = arith.subf %sub3A_950, %sub3A_982 : vector<16xf32>
      %add3A_984 = arith.addf %mul3A_979, %sub3A_983 : vector<16xf32>
      %reduce_sum3A_985 = arith.constant true
      %reduce_sum3A_986 = vector.broadcast %reduce_sum3A_985 : i1 to vector<16xi1>
      %reduce_sum3A_987 = tpu.scan <sum>, %add3A_984 masked %reduce_sum3A_986 : vector<16xf32>, vector<16xi1> -> vector<16xf32>
      %reduce_sum3A_988 = vector.extract %reduce_sum3A_987[15] : f32 from vector<16xf32>
      %add3A_989 = arith.addf %add3A_913, %reduce_sum3A_988 : f32
      %reduce_sum3A_990 = arith.constant true
      %reduce_sum3A_991 = vector.broadcast %reduce_sum3A_990 : i1 to vector<16xi1>
      %reduce_sum3A_992 = tpu.scan <sum>, %get3A_920 masked %reduce_sum3A_991 : vector<16xf32>, vector<16xi1> -> vector<16xf32>
      %reduce_sum3A_993 = vector.extract %reduce_sum3A_992[15] : f32 from vector<16xf32>
      %add3A_994 = arith.addf %add3A_918, %reduce_sum3A_993 : f32
      %get3A_995 = arith.constant 48 : index
      %get3A_996 = tpu.vector_load %arg10[%get3A_995] {strides = array<i32>} : memref<64xf32, #tpu.memory_space<vmem>>, vector<16xf32>,
      %broadcast_in_dim3A_997 = arith.constant true
      %broadcast_in_dim3A_998 = vector.broadcast %broadcast_in_dim3A_997 : i1 to vector<16xi1>
      %masked_cumsum3A_999 = tpu.scan <sum>, %get3A_996 masked %broadcast_in_dim3A_998 : vector<16xf32>, vector<16xi1> -> vector<16xf32>
      %sub3A_1000 = arith.subf %add3A_763, %add3A_994 : f32
      %sub3A_1001 = vector.broadcast %sub3A_1000 : f32 to vector<16xf32>
      %sub3A_1002 = arith.subf %sub3A_1001, %masked_cumsum3A_999 : vector<16xf32>
      %add3A_1003 = arith.addf %sub3A_1002, %get3A_996 : vector<16xf32>
      %add3A_1004 = arith.constant 1.000000e-10 : f32
      %add3A_1005 = vector.broadcast %add3A_1004 : f32 to vector<16xf32>
      %add3A_1006 = arith.addf %add3A_1003, %add3A_1005 : vector<16xf32>
      %bitcast3A_1007 = vector.bitcast %add3A_1006 : vector<16xf32> to vector<16xi32>
      %add3A_1008 = arith.constant 4913933 : i32
      %add3A_1009 = vector.broadcast %add3A_1008 : i32 to vector<16xi32>
      %add3A_1010 = arith.addi %bitcast3A_1007, %add3A_1009 : vector<16xi32>
      %shift_right_arithmetic3A_1011 = arith.constant 23 : i32
      %shift_right_arithmetic3A_1012 = vector.broadcast %shift_right_arithmetic3A_1011 : i32 to vector<16xi32>
      %shift_right_arithmetic3A_1013 = arith.shrsi %add3A_1010, %shift_right_arithmetic3A_1012 : vector<16xi32>
      %sub3A_1014 = arith.constant 127 : i32
      %sub3A_1015 = vector.broadcast %sub3A_1014 : i32 to vector<16xi32>
      %sub3A_1016 = arith.subi %shift_right_arithmetic3A_1013, %sub3A_1015 : vector<16xi32>
      %and3A_1017 = arith.constant 8388607 : i32
      %and3A_1018 = vector.broadcast %and3A_1017 : i32 to vector<16xi32>
      %and3A_1019 = arith.andi %add3A_1010, %and3A_1018 : vector<16xi32>
      %add3A_1020 = arith.constant 1060439283 : i32
      %add3A_1021 = vector.broadcast %add3A_1020 : i32 to vector<16xi32>
      %add3A_1022 = arith.addi %and3A_1019, %add3A_1021 : vector<16xi32>
      %bitcast3A_1023 = vector.bitcast %add3A_1022 : vector<16xi32> to vector<16xf32>
      %sub3A_1024 = arith.constant 1.000000e+00 : f32
      %sub3A_1025 = vector.broadcast %sub3A_1024 : f32 to vector<16xf32>
      %sub3A_1026 = arith.subf %bitcast3A_1023, %sub3A_1025 : vector<16xf32>
      %add3A_1027 = arith.constant 2.000000e+00 : f32
      %add3A_1028 = vector.broadcast %add3A_1027 : f32 to vector<16xf32>
      %add3A_1029 = arith.addf %add3A_1028, %sub3A_1026 : vector<16xf32>
      %div3A_1030 = arith.divf %sub3A_1026, %add3A_1029 : vector<16xf32>
      %mul3A_1031 = arith.mulf %div3A_1030, %div3A_1030 : vector<16xf32>
      %mul3A_1032 = arith.mulf %mul3A_1031, %mul3A_1031 : vector<16xf32>
      %mul3A_1033 = arith.constant 0.242790788 : f32
      %mul3A_1034 = vector.broadcast %mul3A_1033 : f32 to vector<16xf32>
      %mul3A_1035 = arith.mulf %mul3A_1032, %mul3A_1034 : vector<16xf32>
      %add3A_1036 = arith.constant 0.400009722 : f32
      %add3A_1037 = vector.broadcast %add3A_1036 : f32 to vector<16xf32>
      %add3A_1038 = arith.addf %add3A_1037, %mul3A_1035 : vector<16xf32>
      %mul3A_1039 = arith.mulf %mul3A_1032, %add3A_1038 : vector<16xf32>
      %mul3A_1040 = arith.constant 0.284987867 : f32
      %mul3A_1041 = vector.broadcast %mul3A_1040 : f32 to vector<16xf32>
      %mul3A_1042 = arith.mulf %mul3A_1032, %mul3A_1041 : vector<16xf32>
      %add3A_1043 = arith.constant 0.666666627 : f32
      %add3A_1044 = vector.broadcast %add3A_1043 : f32 to vector<16xf32>
      %add3A_1045 = arith.addf %add3A_1044, %mul3A_1042 : vector<16xf32>
      %mul3A_1046 = arith.mulf %mul3A_1031, %add3A_1045 : vector<16xf32>
      %add3A_1047 = arith.addf %mul3A_1046, %mul3A_1039 : vector<16xf32>
      %mul3A_1048 = arith.constant 5.000000e-01 : f32
      %mul3A_1049 = vector.broadcast %mul3A_1048 : f32 to vector<16xf32>
      %mul3A_1050 = arith.mulf %mul3A_1049, %sub3A_1026 : vector<16xf32>
      %mul3A_1051 = arith.mulf %mul3A_1050, %sub3A_1026 : vector<16xf32>
      %convert_element_type3A_1052 = arith.sitofp %sub3A_1016 : vector<16xi32> to vector<16xf32>
      %mul3A_1053 = arith.constant 0.693147182 : f32
      %mul3A_1054 = vector.broadcast %mul3A_1053 : f32 to vector<16xf32>
      %mul3A_1055 = arith.mulf %convert_element_type3A_1052, %mul3A_1054 : vector<16xf32>
      %add3A_1056 = arith.addf %mul3A_1051, %add3A_1047 : vector<16xf32>
      %mul3A_1057 = arith.mulf %div3A_1030, %add3A_1056 : vector<16xf32>
      %sub3A_1058 = arith.subf %mul3A_1051, %mul3A_1057 : vector<16xf32>
      %sub3A_1059 = arith.subf %sub3A_1026, %sub3A_1058 : vector<16xf32>
      %add3A_1060 = arith.addf %mul3A_1055, %sub3A_1059 : vector<16xf32>
      %reduce_sum3A_1061 = arith.constant true
      %reduce_sum3A_1062 = vector.broadcast %reduce_sum3A_1061 : i1 to vector<16xi1>
      %reduce_sum3A_1063 = tpu.scan <sum>, %add3A_1060 masked %reduce_sum3A_1062 : vector<16xf32>, vector<16xi1> -> vector<16xf32>
      %reduce_sum3A_1064 = vector.extract %reduce_sum3A_1063[15] : f32 from vector<16xf32>
      %add3A_1065 = arith.addf %add3A_989, %reduce_sum3A_1064 : f32
      %reduce_sum3A_1066 = arith.constant true
      %reduce_sum3A_1067 = vector.broadcast %reduce_sum3A_1066 : i1 to vector<16xi1>
      %reduce_sum3A_1068 = tpu.scan <sum>, %get3A_996 masked %reduce_sum3A_1067 : vector<16xf32>, vector<16xi1> -> vector<16xf32>
      %reduce_sum3A_1069 = vector.extract %reduce_sum3A_1068[15] : f32 from vector<16xf32>
      %add3A_1070 = arith.addf %add3A_994, %reduce_sum3A_1069 : f32
      %mul3A_1071 = arith.constant 6.400000e+01 : f32
      %mul3A_1072 = arith.mulf %mul3A_1071, %max3A_553 : f32
      %add3A_1073 = arith.addf %add3A_1065, %mul3A_1072 : f32
      %sub3A_1074 = arith.subf %add3A_558, %add3A_1073 : f32
      %neg3A = arith.constant 0.000000e+00 : f32
      %neg3A_1075 = arith.subf %neg3A, %sub3A_1074 : f32
      %mul3A_1076 = arith.constant 1.562500e-02 : f32
      %mul3A_1077 = arith.mulf %neg3A_1075, %mul3A_1076 : f32
      %reduce_max3A_1078 = arith.constant true
      %reduce_max3A_1079 = vector.broadcast %reduce_max3A_1078 : i1 to vector<16xi1>
      %reduce_max3A_1080 = tpu.scan <max>, %get3A_280 masked %reduce_max3A_1079 : vector<16xf32>, vector<16xi1> -> vector<16xf32>
      %reduce_max3A_1081 = vector.extract %reduce_max3A_1080[15] : f32 from vector<16xf32>
      %max3A_1082 = arith.constant 0xFF800000 : f32
      %max3A_1083 = arith.maximumf %max3A_1082, %reduce_max3A_1081 : f32
      %gt3A_1084 = arith.constant 0.000000e+00 : f32
      %gt3A_1085 = vector.broadcast %gt3A_1084 : f32 to vector<16xf32>
      %gt3A_1086 = arith.cmpf ogt, %get3A_280, %gt3A_1085 : vector<16xf32>
      %reduce_or3A = arith.constant 1.000000e+00 : f32
      %reduce_or3A_1087 = arith.constant 0.000000e+00 : f32
      %reduce_or3A_1088 = vector.broadcast %reduce_or3A : f32 to vector<16xf32>
      %reduce_or3A_1089 = vector.broadcast %reduce_or3A_1087 : f32 to vector<16xf32>
      %reduce_or3A_1090 = arith.select %gt3A_1086, %reduce_or3A_1088, %reduce_or3A_1089 : vector<16xi1>, vector<16xf32>
      %reduce_or3A_1091 = arith.constant true
      %reduce_or3A_1092 = vector.broadcast %reduce_or3A_1091 : i1 to vector<16xi1>
      %reduce_or3A_1093 = tpu.scan <max>, %reduce_or3A_1090 masked %reduce_or3A_1092 : vector<16xf32>, vector<16xi1> -> vector<16xf32>
      %reduce_or3A_1094 = vector.extract %reduce_or3A_1093[15] : f32 from vector<16xf32>
      %reduce_or3A_1095 = arith.constant 0.000000e+00 : f32
      %reduce_or3A_1096 = arith.cmpf ogt, %reduce_or3A_1094, %reduce_or3A_1095 : f32
      %or3A = arith.constant false
      %or3A_1097 = arith.ori %or3A, %reduce_or3A_1096 : i1
      %reduce_max3A_1098 = arith.constant true
      %reduce_max3A_1099 = vector.broadcast %reduce_max3A_1098 : i1 to vector<16xi1>
      %reduce_max3A_1100 = tpu.scan <max>, %get3A_284 masked %reduce_max3A_1099 : vector<16xf32>, vector<16xi1> -> vector<16xf32>
      %reduce_max3A_1101 = vector.extract %reduce_max3A_1100[15] : f32 from vector<16xf32>
      %max3A_1102 = arith.maximumf %max3A_1083, %reduce_max3A_1101 : f32
      %gt3A_1103 = arith.constant 0.000000e+00 : f32
      %gt3A_1104 = vector.broadcast %gt3A_1103 : f32 to vector<16xf32>
      %gt3A_1105 = arith.cmpf ogt, %get3A_284, %gt3A_1104 : vector<16xf32>
      %reduce_or3A_1106 = arith.constant 1.000000e+00 : f32
      %reduce_or3A_1107 = arith.constant 0.000000e+00 : f32
      %reduce_or3A_1108 = vector.broadcast %reduce_or3A_1106 : f32 to vector<16xf32>
      %reduce_or3A_1109 = vector.broadcast %reduce_or3A_1107 : f32 to vector<16xf32>
      %reduce_or3A_1110 = arith.select %gt3A_1105, %reduce_or3A_1108, %reduce_or3A_1109 : vector<16xi1>, vector<16xf32>
      %reduce_or3A_1111 = arith.constant true
      %reduce_or3A_1112 = vector.broadcast %reduce_or3A_1111 : i1 to vector<16xi1>
      %reduce_or3A_1113 = tpu.scan <max>, %reduce_or3A_1110 masked %reduce_or3A_1112 : vector<16xf32>, vector<16xi1> -> vector<16xf32>
      %reduce_or3A_1114 = vector.extract %reduce_or3A_1113[15] : f32 from vector<16xf32>
      %reduce_or3A_1115 = arith.constant 0.000000e+00 : f32
      %reduce_or3A_1116 = arith.cmpf ogt, %reduce_or3A_1114, %reduce_or3A_1115 : f32
      %or3A_1117 = arith.ori %or3A_1097, %reduce_or3A_1116 : i1
      %reduce_max3A_1118 = arith.constant true
      %reduce_max3A_1119 = vector.broadcast %reduce_max3A_1118 : i1 to vector<16xi1>
      %reduce_max3A_1120 = tpu.scan <max>, %get3A_288 masked %reduce_max3A_1119 : vector<16xf32>, vector<16xi1> -> vector<16xf32>
      %reduce_max3A_1121 = vector.extract %reduce_max3A_1120[15] : f32 from vector<16xf32>
      %max3A_1122 = arith.maximumf %max3A_1102, %reduce_max3A_1121 : f32
      %gt3A_1123 = arith.constant 0.000000e+00 : f32
      %gt3A_1124 = vector.broadcast %gt3A_1123 : f32 to vector<16xf32>
      %gt3A_1125 = arith.cmpf ogt, %get3A_288, %gt3A_1124 : vector<16xf32>
      %reduce_or3A_1126 = arith.constant 1.000000e+00 : f32
      %reduce_or3A_1127 = arith.constant 0.000000e+00 : f32
      %reduce_or3A_1128 = vector.broadcast %reduce_or3A_1126 : f32 to vector<16xf32>
      %reduce_or3A_1129 = vector.broadcast %reduce_or3A_1127 : f32 to vector<16xf32>
      %reduce_or3A_1130 = arith.select %gt3A_1125, %reduce_or3A_1128, %reduce_or3A_1129 : vector<16xi1>, vector<16xf32>
      %reduce_or3A_1131 = arith.constant true
      %reduce_or3A_1132 = vector.broadcast %reduce_or3A_1131 : i1 to vector<16xi1>
      %reduce_or3A_1133 = tpu.scan <max>, %reduce_or3A_1130 masked %reduce_or3A_1132 : vector<16xf32>, vector<16xi1> -> vector<16xf32>
      %reduce_or3A_1134 = vector.extract %reduce_or3A_1133[15] : f32 from vector<16xf32>
      %reduce_or3A_1135 = arith.constant 0.000000e+00 : f32
      %reduce_or3A_1136 = arith.cmpf ogt, %reduce_or3A_1134, %reduce_or3A_1135 : f32
      %or3A_1137 = arith.ori %or3A_1117, %reduce_or3A_1136 : i1
      %reduce_max3A_1138 = arith.constant true
      %reduce_max3A_1139 = vector.broadcast %reduce_max3A_1138 : i1 to vector<16xi1>
      %reduce_max3A_1140 = tpu.scan <max>, %get3A_292 masked %reduce_max3A_1139 : vector<16xf32>, vector<16xi1> -> vector<16xf32>
      %reduce_max3A_1141 = vector.extract %reduce_max3A_1140[15] : f32 from vector<16xf32>
      %max3A_1142 = arith.maximumf %max3A_1122, %reduce_max3A_1141 : f32
      %gt3A_1143 = arith.constant 0.000000e+00 : f32
      %gt3A_1144 = vector.broadcast %gt3A_1143 : f32 to vector<16xf32>
      %gt3A_1145 = arith.cmpf ogt, %get3A_292, %gt3A_1144 : vector<16xf32>
      %reduce_or3A_1146 = arith.constant 1.000000e+00 : f32
      %reduce_or3A_1147 = arith.constant 0.000000e+00 : f32
      %reduce_or3A_1148 = vector.broadcast %reduce_or3A_1146 : f32 to vector<16xf32>
      %reduce_or3A_1149 = vector.broadcast %reduce_or3A_1147 : f32 to vector<16xf32>
      %reduce_or3A_1150 = arith.select %gt3A_1145, %reduce_or3A_1148, %reduce_or3A_1149 : vector<16xi1>, vector<16xf32>
      %reduce_or3A_1151 = arith.constant true
      %reduce_or3A_1152 = vector.broadcast %reduce_or3A_1151 : i1 to vector<16xi1>
      %reduce_or3A_1153 = tpu.scan <max>, %reduce_or3A_1150 masked %reduce_or3A_1152 : vector<16xf32>, vector<16xi1> -> vector<16xf32>
      %reduce_or3A_1154 = vector.extract %reduce_or3A_1153[15] : f32 from vector<16xf32>
      %reduce_or3A_1155 = arith.constant 0.000000e+00 : f32
      %reduce_or3A_1156 = arith.cmpf ogt, %reduce_or3A_1154, %reduce_or3A_1155 : f32
      %or3A_1157 = arith.ori %or3A_1137, %reduce_or3A_1156 : i1
      %sub3A_1158 = vector.broadcast %max3A_1142 : f32 to vector<16xf32>
      %sub3A_1159 = arith.subf %get3A_280, %sub3A_1158 : vector<16xf32>
      %exp3A_1160 = math.exp %sub3A_1159 : vector<16xf32>
      %sub3A_1161 = vector.broadcast %max3A_1142 : f32 to vector<16xf32>
      %sub3A_1162 = arith.subf %get3A_284, %sub3A_1161 : vector<16xf32>
      %exp3A_1163 = math.exp %sub3A_1162 : vector<16xf32>
      %sub3A_1164 = vector.broadcast %max3A_1142 : f32 to vector<16xf32>
      %sub3A_1165 = arith.subf %get3A_288, %sub3A_1164 : vector<16xf32>
      %exp3A_1166 = math.exp %sub3A_1165 : vector<16xf32>
      %sub3A_1167 = vector.broadcast %max3A_1142 : f32 to vector<16xf32>
      %sub3A_1168 = arith.subf %get3A_292, %sub3A_1167 : vector<16xf32>
      %exp3A_1169 = math.exp %sub3A_1168 : vector<16xf32>
      %reduce_sum3A_1170 = arith.constant true
      %reduce_sum3A_1171 = vector.broadcast %reduce_sum3A_1170 : i1 to vector<16xi1>
      %reduce_sum3A_1172 = tpu.scan <sum>, %exp3A_1160 masked %reduce_sum3A_1171 : vector<16xf32>, vector<16xi1> -> vector<16xf32>
      %reduce_sum3A_1173 = vector.extract %reduce_sum3A_1172[15] : f32 from vector<16xf32>
      %add3A_1174 = arith.constant 0.000000e+00 : f32
      %add3A_1175 = arith.addf %add3A_1174, %reduce_sum3A_1173 : f32
      %reduce_sum3A_1176 = arith.constant true
      %reduce_sum3A_1177 = vector.broadcast %reduce_sum3A_1176 : i1 to vector<16xi1>
      %reduce_sum3A_1178 = tpu.scan <sum>, %exp3A_1163 masked %reduce_sum3A_1177 : vector<16xf32>, vector<16xi1> -> vector<16xf32>
      %reduce_sum3A_1179 = vector.extract %reduce_sum3A_1178[15] : f32 from vector<16xf32>
      %add3A_1180 = arith.addf %add3A_1175, %reduce_sum3A_1179 : f32
      %reduce_sum3A_1181 = arith.constant true
      %reduce_sum3A_1182 = vector.broadcast %reduce_sum3A_1181 : i1 to vector<16xi1>
      %reduce_sum3A_1183 = tpu.scan <sum>, %exp3A_1166 masked %reduce_sum3A_1182 : vector<16xf32>, vector<16xi1> -> vector<16xf32>
      %reduce_sum3A_1184 = vector.extract %reduce_sum3A_1183[15] : f32 from vector<16xf32>
      %add3A_1185 = arith.addf %add3A_1180, %reduce_sum3A_1184 : f32
      %reduce_sum3A_1186 = arith.constant true
      %reduce_sum3A_1187 = vector.broadcast %reduce_sum3A_1186 : i1 to vector<16xi1>
      %reduce_sum3A_1188 = tpu.scan <sum>, %exp3A_1169 masked %reduce_sum3A_1187 : vector<16xf32>, vector<16xi1> -> vector<16xf32>
      %reduce_sum3A_1189 = vector.extract %reduce_sum3A_1188[15] : f32 from vector<16xf32>
      %add3A_1190 = arith.addf %add3A_1185, %reduce_sum3A_1189 : f32
      %broadcast_in_dim3A_1191 = arith.constant 0.000000e+00 : f32
      %broadcast_in_dim3A_1192 = vector.broadcast %broadcast_in_dim3A_1191 : f32 to vector<16xf32>
      %add3A_1193 = vector.broadcast %add3A_763 : f32 to vector<16xf32>
      %add3A_1194 = arith.addf %broadcast_in_dim3A_1192, %add3A_1193 : vector<16xf32>
      %bitcast3A_1195 = vector.bitcast %add3A_1194 : vector<16xf32> to vector<16xi32>
      %add3A_1196 = arith.constant 4913933 : i32
      %add3A_1197 = vector.broadcast %add3A_1196 : i32 to vector<16xi32>
      %add3A_1198 = arith.addi %bitcast3A_1195, %add3A_1197 : vector<16xi32>
      %shift_right_arithmetic3A_1199 = arith.constant 23 : i32
      %shift_right_arithmetic3A_1200 = vector.broadcast %shift_right_arithmetic3A_1199 : i32 to vector<16xi32>
      %shift_right_arithmetic3A_1201 = arith.shrsi %add3A_1198, %shift_right_arithmetic3A_1200 : vector<16xi32>
      %sub3A_1202 = arith.constant 127 : i32
      %sub3A_1203 = vector.broadcast %sub3A_1202 : i32 to vector<16xi32>
      %sub3A_1204 = arith.subi %shift_right_arithmetic3A_1201, %sub3A_1203 : vector<16xi32>
      %and3A_1205 = arith.constant 8388607 : i32
      %and3A_1206 = vector.broadcast %and3A_1205 : i32 to vector<16xi32>
      %and3A_1207 = arith.andi %add3A_1198, %and3A_1206 : vector<16xi32>
      %add3A_1208 = arith.constant 1060439283 : i32
      %add3A_1209 = vector.broadcast %add3A_1208 : i32 to vector<16xi32>
      %add3A_1210 = arith.addi %and3A_1207, %add3A_1209 : vector<16xi32>
      %bitcast3A_1211 = vector.bitcast %add3A_1210 : vector<16xi32> to vector<16xf32>
      %sub3A_1212 = arith.constant 1.000000e+00 : f32
      %sub3A_1213 = vector.broadcast %sub3A_1212 : f32 to vector<16xf32>
      %sub3A_1214 = arith.subf %bitcast3A_1211, %sub3A_1213 : vector<16xf32>
      %add3A_1215 = arith.constant 2.000000e+00 : f32
      %add3A_1216 = vector.broadcast %add3A_1215 : f32 to vector<16xf32>
      %add3A_1217 = arith.addf %add3A_1216, %sub3A_1214 : vector<16xf32>
      %div3A_1218 = arith.divf %sub3A_1214, %add3A_1217 : vector<16xf32>
      %mul3A_1219 = arith.mulf %div3A_1218, %div3A_1218 : vector<16xf32>
      %mul3A_1220 = arith.mulf %mul3A_1219, %mul3A_1219 : vector<16xf32>
      %mul3A_1221 = arith.constant 0.242790788 : f32
      %mul3A_1222 = vector.broadcast %mul3A_1221 : f32 to vector<16xf32>
      %mul3A_1223 = arith.mulf %mul3A_1220, %mul3A_1222 : vector<16xf32>
      %add3A_1224 = arith.constant 0.400009722 : f32
      %add3A_1225 = vector.broadcast %add3A_1224 : f32 to vector<16xf32>
      %add3A_1226 = arith.addf %add3A_1225, %mul3A_1223 : vector<16xf32>
      %mul3A_1227 = arith.mulf %mul3A_1220, %add3A_1226 : vector<16xf32>
      %mul3A_1228 = arith.constant 0.284987867 : f32
      %mul3A_1229 = vector.broadcast %mul3A_1228 : f32 to vector<16xf32>
      %mul3A_1230 = arith.mulf %mul3A_1220, %mul3A_1229 : vector<16xf32>
      %add3A_1231 = arith.constant 0.666666627 : f32
      %add3A_1232 = vector.broadcast %add3A_1231 : f32 to vector<16xf32>
      %add3A_1233 = arith.addf %add3A_1232, %mul3A_1230 : vector<16xf32>
      %mul3A_1234 = arith.mulf %mul3A_1219, %add3A_1233 : vector<16xf32>
      %add3A_1235 = arith.addf %mul3A_1234, %mul3A_1227 : vector<16xf32>
      %mul3A_1236 = arith.constant 5.000000e-01 : f32
      %mul3A_1237 = vector.broadcast %mul3A_1236 : f32 to vector<16xf32>
      %mul3A_1238 = arith.mulf %mul3A_1237, %sub3A_1214 : vector<16xf32>
      %mul3A_1239 = arith.mulf %mul3A_1238, %sub3A_1214 : vector<16xf32>
      %convert_element_type3A_1240 = arith.sitofp %sub3A_1204 : vector<16xi32> to vector<16xf32>
      %mul3A_1241 = arith.constant 0.693147182 : f32
      %mul3A_1242 = vector.broadcast %mul3A_1241 : f32 to vector<16xf32>
      %mul3A_1243 = arith.mulf %convert_element_type3A_1240, %mul3A_1242 : vector<16xf32>
      %add3A_1244 = arith.addf %mul3A_1239, %add3A_1235 : vector<16xf32>
      %mul3A_1245 = arith.mulf %div3A_1218, %add3A_1244 : vector<16xf32>
      %sub3A_1246 = arith.subf %mul3A_1239, %mul3A_1245 : vector<16xf32>
      %sub3A_1247 = arith.subf %sub3A_1214, %sub3A_1246 : vector<16xf32>
      %add3A_1248 = arith.addf %mul3A_1243, %sub3A_1247 : vector<16xf32>
      %broadcast_in_dim3A_1249 = arith.constant 0.000000e+00 : f32
      %broadcast_in_dim3A_1250 = vector.broadcast %broadcast_in_dim3A_1249 : f32 to vector<16xf32>
      %add3A_1251 = vector.broadcast %add3A_1190 : f32 to vector<16xf32>
      %add3A_1252 = arith.addf %broadcast_in_dim3A_1250, %add3A_1251 : vector<16xf32>
      %bitcast3A_1253 = vector.bitcast %add3A_1252 : vector<16xf32> to vector<16xi32>
      %add3A_1254 = arith.constant 4913933 : i32
      %add3A_1255 = vector.broadcast %add3A_1254 : i32 to vector<16xi32>
      %add3A_1256 = arith.addi %bitcast3A_1253, %add3A_1255 : vector<16xi32>
      %shift_right_arithmetic3A_1257 = arith.constant 23 : i32
      %shift_right_arithmetic3A_1258 = vector.broadcast %shift_right_arithmetic3A_1257 : i32 to vector<16xi32>
      %shift_right_arithmetic3A_1259 = arith.shrsi %add3A_1256, %shift_right_arithmetic3A_1258 : vector<16xi32>
      %sub3A_1260 = arith.constant 127 : i32
      %sub3A_1261 = vector.broadcast %sub3A_1260 : i32 to vector<16xi32>
      %sub3A_1262 = arith.subi %shift_right_arithmetic3A_1259, %sub3A_1261 : vector<16xi32>
      %and3A_1263 = arith.constant 8388607 : i32
      %and3A_1264 = vector.broadcast %and3A_1263 : i32 to vector<16xi32>
      %and3A_1265 = arith.andi %add3A_1256, %and3A_1264 : vector<16xi32>
      %add3A_1266 = arith.constant 1060439283 : i32
      %add3A_1267 = vector.broadcast %add3A_1266 : i32 to vector<16xi32>
      %add3A_1268 = arith.addi %and3A_1265, %add3A_1267 : vector<16xi32>
      %bitcast3A_1269 = vector.bitcast %add3A_1268 : vector<16xi32> to vector<16xf32>
      %sub3A_1270 = arith.constant 1.000000e+00 : f32
      %sub3A_1271 = vector.broadcast %sub3A_1270 : f32 to vector<16xf32>
      %sub3A_1272 = arith.subf %bitcast3A_1269, %sub3A_1271 : vector<16xf32>
      %add3A_1273 = arith.constant 2.000000e+00 : f32
      %add3A_1274 = vector.broadcast %add3A_1273 : f32 to vector<16xf32>
      %add3A_1275 = arith.addf %add3A_1274, %sub3A_1272 : vector<16xf32>
      %div3A_1276 = arith.divf %sub3A_1272, %add3A_1275 : vector<16xf32>
      %mul3A_1277 = arith.mulf %div3A_1276, %div3A_1276 : vector<16xf32>
      %mul3A_1278 = arith.mulf %mul3A_1277, %mul3A_1277 : vector<16xf32>
      %mul3A_1279 = arith.constant 0.242790788 : f32
      %mul3A_1280 = vector.broadcast %mul3A_1279 : f32 to vector<16xf32>
      %mul3A_1281 = arith.mulf %mul3A_1278, %mul3A_1280 : vector<16xf32>
      %add3A_1282 = arith.constant 0.400009722 : f32
      %add3A_1283 = vector.broadcast %add3A_1282 : f32 to vector<16xf32>
      %add3A_1284 = arith.addf %add3A_1283, %mul3A_1281 : vector<16xf32>
      %mul3A_1285 = arith.mulf %mul3A_1278, %add3A_1284 : vector<16xf32>
      %mul3A_1286 = arith.constant 0.284987867 : f32
      %mul3A_1287 = vector.broadcast %mul3A_1286 : f32 to vector<16xf32>
      %mul3A_1288 = arith.mulf %mul3A_1278, %mul3A_1287 : vector<16xf32>
      %add3A_1289 = arith.constant 0.666666627 : f32
      %add3A_1290 = vector.broadcast %add3A_1289 : f32 to vector<16xf32>
      %add3A_1291 = arith.addf %add3A_1290, %mul3A_1288 : vector<16xf32>
      %mul3A_1292 = arith.mulf %mul3A_1277, %add3A_1291 : vector<16xf32>
      %add3A_1293 = arith.addf %mul3A_1292, %mul3A_1285 : vector<16xf32>
      %mul3A_1294 = arith.constant 5.000000e-01 : f32
      %mul3A_1295 = vector.broadcast %mul3A_1294 : f32 to vector<16xf32>
      %mul3A_1296 = arith.mulf %mul3A_1295, %sub3A_1272 : vector<16xf32>
      %mul3A_1297 = arith.mulf %mul3A_1296, %sub3A_1272 : vector<16xf32>
      %convert_element_type3A_1298 = arith.sitofp %sub3A_1262 : vector<16xi32> to vector<16xf32>
      %mul3A_1299 = arith.constant 0.693147182 : f32
      %mul3A_1300 = vector.broadcast %mul3A_1299 : f32 to vector<16xf32>
      %mul3A_1301 = arith.mulf %convert_element_type3A_1298, %mul3A_1300 : vector<16xf32>
      %add3A_1302 = arith.addf %mul3A_1297, %add3A_1293 : vector<16xf32>
      %mul3A_1303 = arith.mulf %div3A_1276, %add3A_1302 : vector<16xf32>
      %sub3A_1304 = arith.subf %mul3A_1297, %mul3A_1303 : vector<16xf32>
      %sub3A_1305 = arith.subf %sub3A_1272, %sub3A_1304 : vector<16xf32>
      %add3A_1306 = arith.addf %mul3A_1301, %sub3A_1305 : vector<16xf32>
      %add3A_1307 = vector.broadcast %max3A_553 : f32 to vector<16xf32>
      %add3A_1308 = arith.addf %add3A_1248, %add3A_1307 : vector<16xf32>
      %add3A_1309 = vector.broadcast %max3A_1142 : f32 to vector<16xf32>
      %add3A_1310 = arith.addf %add3A_1306, %add3A_1309 : vector<16xf32>
      %div3A_1311 = vector.broadcast %add3A_1190 : f32 to vector<16xf32>
      %div3A_1312 = arith.divf %exp3A_1160, %div3A_1311 : vector<16xf32>
      %sub3A_1313 = arith.subf %get3A_280, %add3A_1310 : vector<16xf32>
      %sub3A_1314 = arith.subf %get3A_264, %add3A_1308 : vector<16xf32>
      %sub3A_1315 = arith.subf %sub3A_1313, %sub3A_1314 : vector<16xf32>
      %mul3A_1316 = arith.mulf %div3A_1312, %sub3A_1315 : vector<16xf32>
      %reduce_sum3A_1317 = arith.constant true
      %reduce_sum3A_1318 = vector.broadcast %reduce_sum3A_1317 : i1 to vector<16xi1>
      %reduce_sum3A_1319 = tpu.scan <sum>, %mul3A_1316 masked %reduce_sum3A_1318 : vector<16xf32>, vector<16xi1> -> vector<16xf32>
      %reduce_sum3A_1320 = vector.extract %reduce_sum3A_1319[15] : f32 from vector<16xf32>
      %add3A_1321 = arith.constant 0.000000e+00 : f32
      %add3A_1322 = arith.addf %add3A_1321, %reduce_sum3A_1320 : f32
      %div3A_1323 = vector.broadcast %add3A_1190 : f32 to vector<16xf32>
      %div3A_1324 = arith.divf %exp3A_1163, %div3A_1323 : vector<16xf32>
      %sub3A_1325 = arith.subf %get3A_284, %add3A_1310 : vector<16xf32>
      %sub3A_1326 = arith.subf %get3A_268, %add3A_1308 : vector<16xf32>
      %sub3A_1327 = arith.subf %sub3A_1325, %sub3A_1326 : vector<16xf32>
      %mul3A_1328 = arith.mulf %div3A_1324, %sub3A_1327 : vector<16xf32>
      %reduce_sum3A_1329 = arith.constant true
      %reduce_sum3A_1330 = vector.broadcast %reduce_sum3A_1329 : i1 to vector<16xi1>
      %reduce_sum3A_1331 = tpu.scan <sum>, %mul3A_1328 masked %reduce_sum3A_1330 : vector<16xf32>, vector<16xi1> -> vector<16xf32>
      %reduce_sum3A_1332 = vector.extract %reduce_sum3A_1331[15] : f32 from vector<16xf32>
      %add3A_1333 = arith.addf %add3A_1322, %reduce_sum3A_1332 : f32
      %div3A_1334 = vector.broadcast %add3A_1190 : f32 to vector<16xf32>
      %div3A_1335 = arith.divf %exp3A_1166, %div3A_1334 : vector<16xf32>
      %sub3A_1336 = arith.subf %get3A_288, %add3A_1310 : vector<16xf32>
      %sub3A_1337 = arith.subf %get3A_272, %add3A_1308 : vector<16xf32>
      %sub3A_1338 = arith.subf %sub3A_1336, %sub3A_1337 : vector<16xf32>
      %mul3A_1339 = arith.mulf %div3A_1335, %sub3A_1338 : vector<16xf32>
      %reduce_sum3A_1340 = arith.constant true
      %reduce_sum3A_1341 = vector.broadcast %reduce_sum3A_1340 : i1 to vector<16xi1>
      %reduce_sum3A_1342 = tpu.scan <sum>, %mul3A_1339 masked %reduce_sum3A_1341 : vector<16xf32>, vector<16xi1> -> vector<16xf32>
      %reduce_sum3A_1343 = vector.extract %reduce_sum3A_1342[15] : f32 from vector<16xf32>
      %add3A_1344 = arith.addf %add3A_1333, %reduce_sum3A_1343 : f32
      %div3A_1345 = vector.broadcast %add3A_1190 : f32 to vector<16xf32>
      %div3A_1346 = arith.divf %exp3A_1169, %div3A_1345 : vector<16xf32>
      %sub3A_1347 = arith.subf %get3A_292, %add3A_1310 : vector<16xf32>
      %sub3A_1348 = arith.subf %get3A_276, %add3A_1308 : vector<16xf32>
      %sub3A_1349 = arith.subf %sub3A_1347, %sub3A_1348 : vector<16xf32>
      %mul3A_1350 = arith.mulf %div3A_1346, %sub3A_1349 : vector<16xf32>
      %reduce_sum3A_1351 = arith.constant true
      %reduce_sum3A_1352 = vector.broadcast %reduce_sum3A_1351 : i1 to vector<16xi1>
      %reduce_sum3A_1353 = tpu.scan <sum>, %mul3A_1350 masked %reduce_sum3A_1352 : vector<16xf32>, vector<16xi1> -> vector<16xf32>
      %reduce_sum3A_1354 = vector.extract %reduce_sum3A_1353[15] : f32 from vector<16xf32>
      %add3A_1355 = arith.addf %add3A_1344, %reduce_sum3A_1354 : f32
      %mul3A_1356 = arith.constant 1.562500e-02 : f32
      %mul3A_1357 = arith.mulf %add3A_1355, %mul3A_1356 : f32
      %jit3A_1358 = arith.constant 0.000000e+00 : f32
      %select_n3A_1359 = arith.select %or3A_1157, %mul3A_1357, %jit3A_1358 : f32
      %neg3A_1360 = arith.constant 0.000000e+00 : f32
      %neg3A_1361 = vector.broadcast %neg3A_1360 : f32 to vector<16xf32>
      %neg3A_1362 = arith.subf %neg3A_1361, %get3A_264 : vector<16xf32>
      %exp3A_1363 = math.exp %neg3A_1362 : vector<16xf32>
      %add3A_1364 = arith.constant 1.000000e+00 : f32
      %add3A_1365 = vector.broadcast %add3A_1364 : f32 to vector<16xf32>
      %add3A_1366 = arith.addf %add3A_1365, %exp3A_1363 : vector<16xf32>
      %div3A_1367 = arith.constant 1.000000e+00 : f32
      %div3A_1368 = vector.broadcast %div3A_1367 : f32 to vector<16xf32>
      %div3A_1369 = arith.divf %div3A_1368, %add3A_1366 : vector<16xf32>
      %max3A_1370 = arith.constant 0.000000e+00 : f32
      %max3A_1371 = vector.broadcast %max3A_1370 : f32 to vector<16xf32>
      %max3A_1372 = arith.maximumf %get3A_264, %max3A_1371 : vector<16xf32>
      %mul3A_1373 = arith.mulf %get3A_264, %select_n3A_577 : vector<16xf32>
      %sub3A_1374 = arith.subf %max3A_1372, %mul3A_1373 : vector<16xf32>
      %abs3A = math.absf %get3A_264 : vector<16xf32>
      %neg3A_1375 = arith.constant 0.000000e+00 : f32
      %neg3A_1376 = vector.broadcast %neg3A_1375 : f32 to vector<16xf32>
      %neg3A_1377 = arith.subf %neg3A_1376, %abs3A : vector<16xf32>
      %abs3A_1378 = math.absf %neg3A_1377 : vector<16xf32>
      %neg3A_1379 = arith.constant 0.000000e+00 : f32
      %neg3A_1380 = vector.broadcast %neg3A_1379 : f32 to vector<16xf32>
      %neg3A_1381 = arith.subf %neg3A_1380, %abs3A_1378 : vector<16xf32>
      %exp3A_1382 = math.exp %neg3A_1381 : vector<16xf32>
      %broadcast_in_dim3A_1383 = arith.constant 0.000000e+00 : f32
      %broadcast_in_dim3A_1384 = vector.broadcast %broadcast_in_dim3A_1383 : f32 to vector<16xf32>
      %add3A_1385 = arith.constant -0.0170296114 : f32
      %add3A_1386 = vector.broadcast %add3A_1385 : f32 to vector<16xf32>
      %add3A_1387 = arith.addf %broadcast_in_dim3A_1384, %add3A_1386 : vector<16xf32>
      %mul3A_1388 = arith.mulf %add3A_1387, %exp3A_1382 : vector<16xf32>
      %add3A_1389 = arith.constant 0.08152318 : f32
      %add3A_1390 = vector.broadcast %add3A_1389 : f32 to vector<16xf32>
      %add3A_1391 = arith.addf %mul3A_1388, %add3A_1390 : vector<16xf32>
      %mul3A_1392 = arith.mulf %add3A_1391, %exp3A_1382 : vector<16xf32>
      %add3A_1393 = arith.constant -0.189019546 : f32
      %add3A_1394 = vector.broadcast %add3A_1393 : f32 to vector<16xf32>
      %add3A_1395 = arith.addf %mul3A_1392, %add3A_1394 : vector<16xf32>
      %mul3A_1396 = arith.mulf %add3A_1395, %exp3A_1382 : vector<16xf32>
      %add3A_1397 = arith.constant 0.315041274 : f32
      %add3A_1398 = vector.broadcast %add3A_1397 : f32 to vector<16xf32>
      %add3A_1399 = arith.addf %mul3A_1396, %add3A_1398 : vector<16xf32>
      %mul3A_1400 = arith.mulf %add3A_1399, %exp3A_1382 : vector<16xf32>
      %add3A_1401 = arith.constant -0.49720332 : f32
      %add3A_1402 = vector.broadcast %add3A_1401 : f32 to vector<16xf32>
      %add3A_1403 = arith.addf %mul3A_1400, %add3A_1402 : vector<16xf32>
      %mul3A_1404 = arith.mulf %add3A_1403, %exp3A_1382 : vector<16xf32>
      %add3A_1405 = arith.constant 0.99983257 : f32
      %add3A_1406 = vector.broadcast %add3A_1405 : f32 to vector<16xf32>
      %add3A_1407 = arith.addf %mul3A_1404, %add3A_1406 : vector<16xf32>
      %mul3A_1408 = arith.mulf %add3A_1407, %exp3A_1382 : vector<16xf32>
      %add3A_1409 = arith.constant 1.69366263E-6 : f32
      %add3A_1410 = vector.broadcast %add3A_1409 : f32 to vector<16xf32>
      %add3A_1411 = arith.addf %mul3A_1408, %add3A_1410 : vector<16xf32>
      %max3A_1412 = arith.constant 0.000000e+00 : f32
      %max3A_1413 = vector.broadcast %max3A_1412 : f32 to vector<16xf32>
      %max3A_1414 = arith.maximumf %neg3A_1377, %max3A_1413 : vector<16xf32>
      %add3A_1415 = arith.addf %max3A_1414, %add3A_1411 : vector<16xf32>
      %add3A_1416 = arith.addf %sub3A_1374, %add3A_1415 : vector<16xf32>
      %gt3A_1417 = arith.constant 5.000000e-01 : f32
      %gt3A_1418 = vector.broadcast %gt3A_1417 : f32 to vector<16xf32>
      %gt3A_1419 = arith.cmpf ogt, %get3A_280, %gt3A_1418 : vector<16xf32>
      %sub3A_1420 = arith.constant 1.000000e+00 : f32
      %sub3A_1421 = vector.broadcast %sub3A_1420 : f32 to vector<16xf32>
      %sub3A_1422 = arith.subf %sub3A_1421, %div3A_1369 : vector<16xf32>
      %select_n3A_1423 = arith.select %gt3A_1419, %div3A_1369, %sub3A_1422 : vector<16xi1>, vector<16xf32>
      %gt3A_1424 = arith.constant 5.000000e-01 : f32
      %gt3A_1425 = vector.broadcast %gt3A_1424 : f32 to vector<16xf32>
      %gt3A_1426 = arith.cmpf ogt, %get3A_280, %gt3A_1425 : vector<16xf32>
      %jit3A_1427 = arith.constant 2.500000e-01 : f32
      %jit3A_1428 = arith.constant 7.500000e-01 : f32
      %broadcast_in_dim3A_1429 = vector.broadcast %jit3A_1427 : f32 to vector<16xf32>
      %broadcast_in_dim3A_1430 = vector.broadcast %jit3A_1428 : f32 to vector<16xf32>
      %select_n3A_1431 = arith.select %gt3A_1426, %broadcast_in_dim3A_1429, %broadcast_in_dim3A_1430 : vector<16xi1>, vector<16xf32>
      %sub3A_1432 = arith.constant 1.000000e+00 : f32
      %sub3A_1433 = vector.broadcast %sub3A_1432 : f32 to vector<16xf32>
      %sub3A_1434 = arith.subf %sub3A_1433, %select_n3A_1423 : vector<16xf32>
      %mul3A_1435 = arith.mulf %sub3A_1434, %sub3A_1434 : vector<16xf32>
      %mul3A_1436 = arith.mulf %select_n3A_1431, %mul3A_1435 : vector<16xf32>
      %mul3A_1437 = arith.mulf %mul3A_1436, %add3A_1416 : vector<16xf32>
      %reduce_sum3A_1438 = arith.constant true
      %reduce_sum3A_1439 = vector.broadcast %reduce_sum3A_1438 : i1 to vector<16xi1>
      %reduce_sum3A_1440 = tpu.scan <sum>, %mul3A_1437 masked %reduce_sum3A_1439 : vector<16xf32>, vector<16xi1> -> vector<16xf32>
      %reduce_sum3A_1441 = vector.extract %reduce_sum3A_1440[15] : f32 from vector<16xf32>
      %add3A_1442 = arith.constant 0.000000e+00 : f32
      %add3A_1443 = arith.addf %add3A_1442, %reduce_sum3A_1441 : f32
      %neg3A_1444 = arith.constant 0.000000e+00 : f32
      %neg3A_1445 = vector.broadcast %neg3A_1444 : f32 to vector<16xf32>
      %neg3A_1446 = arith.subf %neg3A_1445, %get3A_268 : vector<16xf32>
      %exp3A_1447 = math.exp %neg3A_1446 : vector<16xf32>
      %add3A_1448 = arith.constant 1.000000e+00 : f32
      %add3A_1449 = vector.broadcast %add3A_1448 : f32 to vector<16xf32>
      %add3A_1450 = arith.addf %add3A_1449, %exp3A_1447 : vector<16xf32>
      %div3A_1451 = arith.constant 1.000000e+00 : f32
      %div3A_1452 = vector.broadcast %div3A_1451 : f32 to vector<16xf32>
      %div3A_1453 = arith.divf %div3A_1452, %add3A_1450 : vector<16xf32>
      %max3A_1454 = arith.constant 0.000000e+00 : f32
      %max3A_1455 = vector.broadcast %max3A_1454 : f32 to vector<16xf32>
      %max3A_1456 = arith.maximumf %get3A_268, %max3A_1455 : vector<16xf32>
      %mul3A_1457 = arith.mulf %get3A_268, %select_n3A_585 : vector<16xf32>
      %sub3A_1458 = arith.subf %max3A_1456, %mul3A_1457 : vector<16xf32>
      %abs3A_1459 = math.absf %get3A_268 : vector<16xf32>
      %neg3A_1460 = arith.constant 0.000000e+00 : f32
      %neg3A_1461 = vector.broadcast %neg3A_1460 : f32 to vector<16xf32>
      %neg3A_1462 = arith.subf %neg3A_1461, %abs3A_1459 : vector<16xf32>
      %abs3A_1463 = math.absf %neg3A_1462 : vector<16xf32>
      %neg3A_1464 = arith.constant 0.000000e+00 : f32
      %neg3A_1465 = vector.broadcast %neg3A_1464 : f32 to vector<16xf32>
      %neg3A_1466 = arith.subf %neg3A_1465, %abs3A_1463 : vector<16xf32>
      %exp3A_1467 = math.exp %neg3A_1466 : vector<16xf32>
      %broadcast_in_dim3A_1468 = arith.constant 0.000000e+00 : f32
      %broadcast_in_dim3A_1469 = vector.broadcast %broadcast_in_dim3A_1468 : f32 to vector<16xf32>
      %add3A_1470 = arith.constant -0.0170296114 : f32
      %add3A_1471 = vector.broadcast %add3A_1470 : f32 to vector<16xf32>
      %add3A_1472 = arith.addf %broadcast_in_dim3A_1469, %add3A_1471 : vector<16xf32>
      %mul3A_1473 = arith.mulf %add3A_1472, %exp3A_1467 : vector<16xf32>
      %add3A_1474 = arith.constant 0.08152318 : f32
      %add3A_1475 = vector.broadcast %add3A_1474 : f32 to vector<16xf32>
      %add3A_1476 = arith.addf %mul3A_1473, %add3A_1475 : vector<16xf32>
      %mul3A_1477 = arith.mulf %add3A_1476, %exp3A_1467 : vector<16xf32>
      %add3A_1478 = arith.constant -0.189019546 : f32
      %add3A_1479 = vector.broadcast %add3A_1478 : f32 to vector<16xf32>
      %add3A_1480 = arith.addf %mul3A_1477, %add3A_1479 : vector<16xf32>
      %mul3A_1481 = arith.mulf %add3A_1480, %exp3A_1467 : vector<16xf32>
      %add3A_1482 = arith.constant 0.315041274 : f32
      %add3A_1483 = vector.broadcast %add3A_1482 : f32 to vector<16xf32>
      %add3A_1484 = arith.addf %mul3A_1481, %add3A_1483 : vector<16xf32>
      %mul3A_1485 = arith.mulf %add3A_1484, %exp3A_1467 : vector<16xf32>
      %add3A_1486 = arith.constant -0.49720332 : f32
      %add3A_1487 = vector.broadcast %add3A_1486 : f32 to vector<16xf32>
      %add3A_1488 = arith.addf %mul3A_1485, %add3A_1487 : vector<16xf32>
      %mul3A_1489 = arith.mulf %add3A_1488, %exp3A_1467 : vector<16xf32>
      %add3A_1490 = arith.constant 0.99983257 : f32
      %add3A_1491 = vector.broadcast %add3A_1490 : f32 to vector<16xf32>
      %add3A_1492 = arith.addf %mul3A_1489, %add3A_1491 : vector<16xf32>
      %mul3A_1493 = arith.mulf %add3A_1492, %exp3A_1467 : vector<16xf32>
      %add3A_1494 = arith.constant 1.69366263E-6 : f32
      %add3A_1495 = vector.broadcast %add3A_1494 : f32 to vector<16xf32>
      %add3A_1496 = arith.addf %mul3A_1493, %add3A_1495 : vector<16xf32>
      %max3A_1497 = arith.constant 0.000000e+00 : f32
      %max3A_1498 = vector.broadcast %max3A_1497 : f32 to vector<16xf32>
      %max3A_1499 = arith.maximumf %neg3A_1462, %max3A_1498 : vector<16xf32>
      %add3A_1500 = arith.addf %max3A_1499, %add3A_1496 : vector<16xf32>
      %add3A_1501 = arith.addf %sub3A_1458, %add3A_1500 : vector<16xf32>
      %gt3A_1502 = arith.constant 5.000000e-01 : f32
      %gt3A_1503 = vector.broadcast %gt3A_1502 : f32 to vector<16xf32>
      %gt3A_1504 = arith.cmpf ogt, %get3A_284, %gt3A_1503 : vector<16xf32>
      %sub3A_1505 = arith.constant 1.000000e+00 : f32
      %sub3A_1506 = vector.broadcast %sub3A_1505 : f32 to vector<16xf32>
      %sub3A_1507 = arith.subf %sub3A_1506, %div3A_1453 : vector<16xf32>
      %select_n3A_1508 = arith.select %gt3A_1504, %div3A_1453, %sub3A_1507 : vector<16xi1>, vector<16xf32>
      %gt3A_1509 = arith.constant 5.000000e-01 : f32
      %gt3A_1510 = vector.broadcast %gt3A_1509 : f32 to vector<16xf32>
      %gt3A_1511 = arith.cmpf ogt, %get3A_284, %gt3A_1510 : vector<16xf32>
      %jit3A_1512 = arith.constant 2.500000e-01 : f32
      %jit3A_1513 = arith.constant 7.500000e-01 : f32
      %broadcast_in_dim3A_1514 = vector.broadcast %jit3A_1512 : f32 to vector<16xf32>
      %broadcast_in_dim3A_1515 = vector.broadcast %jit3A_1513 : f32 to vector<16xf32>
      %select_n3A_1516 = arith.select %gt3A_1511, %broadcast_in_dim3A_1514, %broadcast_in_dim3A_1515 : vector<16xi1>, vector<16xf32>
      %sub3A_1517 = arith.constant 1.000000e+00 : f32
      %sub3A_1518 = vector.broadcast %sub3A_1517 : f32 to vector<16xf32>
      %sub3A_1519 = arith.subf %sub3A_1518, %select_n3A_1508 : vector<16xf32>
      %mul3A_1520 = arith.mulf %sub3A_1519, %sub3A_1519 : vector<16xf32>
      %mul3A_1521 = arith.mulf %select_n3A_1516, %mul3A_1520 : vector<16xf32>
      %mul3A_1522 = arith.mulf %mul3A_1521, %add3A_1501 : vector<16xf32>
      %reduce_sum3A_1523 = arith.constant true
      %reduce_sum3A_1524 = vector.broadcast %reduce_sum3A_1523 : i1 to vector<16xi1>
      %reduce_sum3A_1525 = tpu.scan <sum>, %mul3A_1522 masked %reduce_sum3A_1524 : vector<16xf32>, vector<16xi1> -> vector<16xf32>
      %reduce_sum3A_1526 = vector.extract %reduce_sum3A_1525[15] : f32 from vector<16xf32>
      %add3A_1527 = arith.addf %add3A_1443, %reduce_sum3A_1526 : f32
      %neg3A_1528 = arith.constant 0.000000e+00 : f32
      %neg3A_1529 = vector.broadcast %neg3A_1528 : f32 to vector<16xf32>
      %neg3A_1530 = arith.subf %neg3A_1529, %get3A_272 : vector<16xf32>
      %exp3A_1531 = math.exp %neg3A_1530 : vector<16xf32>
      %add3A_1532 = arith.constant 1.000000e+00 : f32
      %add3A_1533 = vector.broadcast %add3A_1532 : f32 to vector<16xf32>
      %add3A_1534 = arith.addf %add3A_1533, %exp3A_1531 : vector<16xf32>
      %div3A_1535 = arith.constant 1.000000e+00 : f32
      %div3A_1536 = vector.broadcast %div3A_1535 : f32 to vector<16xf32>
      %div3A_1537 = arith.divf %div3A_1536, %add3A_1534 : vector<16xf32>
      %max3A_1538 = arith.constant 0.000000e+00 : f32
      %max3A_1539 = vector.broadcast %max3A_1538 : f32 to vector<16xf32>
      %max3A_1540 = arith.maximumf %get3A_272, %max3A_1539 : vector<16xf32>
      %mul3A_1541 = arith.mulf %get3A_272, %select_n3A_593 : vector<16xf32>
      %sub3A_1542 = arith.subf %max3A_1540, %mul3A_1541 : vector<16xf32>
      %abs3A_1543 = math.absf %get3A_272 : vector<16xf32>
      %neg3A_1544 = arith.constant 0.000000e+00 : f32
      %neg3A_1545 = vector.broadcast %neg3A_1544 : f32 to vector<16xf32>
      %neg3A_1546 = arith.subf %neg3A_1545, %abs3A_1543 : vector<16xf32>
      %abs3A_1547 = math.absf %neg3A_1546 : vector<16xf32>
      %neg3A_1548 = arith.constant 0.000000e+00 : f32
      %neg3A_1549 = vector.broadcast %neg3A_1548 : f32 to vector<16xf32>
      %neg3A_1550 = arith.subf %neg3A_1549, %abs3A_1547 : vector<16xf32>
      %exp3A_1551 = math.exp %neg3A_1550 : vector<16xf32>
      %broadcast_in_dim3A_1552 = arith.constant 0.000000e+00 : f32
      %broadcast_in_dim3A_1553 = vector.broadcast %broadcast_in_dim3A_1552 : f32 to vector<16xf32>
      %add3A_1554 = arith.constant -0.0170296114 : f32
      %add3A_1555 = vector.broadcast %add3A_1554 : f32 to vector<16xf32>
      %add3A_1556 = arith.addf %broadcast_in_dim3A_1553, %add3A_1555 : vector<16xf32>
      %mul3A_1557 = arith.mulf %add3A_1556, %exp3A_1551 : vector<16xf32>
      %add3A_1558 = arith.constant 0.08152318 : f32
      %add3A_1559 = vector.broadcast %add3A_1558 : f32 to vector<16xf32>
      %add3A_1560 = arith.addf %mul3A_1557, %add3A_1559 : vector<16xf32>
      %mul3A_1561 = arith.mulf %add3A_1560, %exp3A_1551 : vector<16xf32>
      %add3A_1562 = arith.constant -0.189019546 : f32
      %add3A_1563 = vector.broadcast %add3A_1562 : f32 to vector<16xf32>
      %add3A_1564 = arith.addf %mul3A_1561, %add3A_1563 : vector<16xf32>
      %mul3A_1565 = arith.mulf %add3A_1564, %exp3A_1551 : vector<16xf32>
      %add3A_1566 = arith.constant 0.315041274 : f32
      %add3A_1567 = vector.broadcast %add3A_1566 : f32 to vector<16xf32>
      %add3A_1568 = arith.addf %mul3A_1565, %add3A_1567 : vector<16xf32>
      %mul3A_1569 = arith.mulf %add3A_1568, %exp3A_1551 : vector<16xf32>
      %add3A_1570 = arith.constant -0.49720332 : f32
      %add3A_1571 = vector.broadcast %add3A_1570 : f32 to vector<16xf32>
      %add3A_1572 = arith.addf %mul3A_1569, %add3A_1571 : vector<16xf32>
      %mul3A_1573 = arith.mulf %add3A_1572, %exp3A_1551 : vector<16xf32>
      %add3A_1574 = arith.constant 0.99983257 : f32
      %add3A_1575 = vector.broadcast %add3A_1574 : f32 to vector<16xf32>
      %add3A_1576 = arith.addf %mul3A_1573, %add3A_1575 : vector<16xf32>
      %mul3A_1577 = arith.mulf %add3A_1576, %exp3A_1551 : vector<16xf32>
      %add3A_1578 = arith.constant 1.69366263E-6 : f32
      %add3A_1579 = vector.broadcast %add3A_1578 : f32 to vector<16xf32>
      %add3A_1580 = arith.addf %mul3A_1577, %add3A_1579 : vector<16xf32>
      %max3A_1581 = arith.constant 0.000000e+00 : f32
      %max3A_1582 = vector.broadcast %max3A_1581 : f32 to vector<16xf32>
      %max3A_1583 = arith.maximumf %neg3A_1546, %max3A_1582 : vector<16xf32>
      %add3A_1584 = arith.addf %max3A_1583, %add3A_1580 : vector<16xf32>
      %add3A_1585 = arith.addf %sub3A_1542, %add3A_1584 : vector<16xf32>
      %gt3A_1586 = arith.constant 5.000000e-01 : f32
      %gt3A_1587 = vector.broadcast %gt3A_1586 : f32 to vector<16xf32>
      %gt3A_1588 = arith.cmpf ogt, %get3A_288, %gt3A_1587 : vector<16xf32>
      %sub3A_1589 = arith.constant 1.000000e+00 : f32
      %sub3A_1590 = vector.broadcast %sub3A_1589 : f32 to vector<16xf32>
      %sub3A_1591 = arith.subf %sub3A_1590, %div3A_1537 : vector<16xf32>
      %select_n3A_1592 = arith.select %gt3A_1588, %div3A_1537, %sub3A_1591 : vector<16xi1>, vector<16xf32>
      %gt3A_1593 = arith.constant 5.000000e-01 : f32
      %gt3A_1594 = vector.broadcast %gt3A_1593 : f32 to vector<16xf32>
      %gt3A_1595 = arith.cmpf ogt, %get3A_288, %gt3A_1594 : vector<16xf32>
      %jit3A_1596 = arith.constant 2.500000e-01 : f32
      %jit3A_1597 = arith.constant 7.500000e-01 : f32
      %broadcast_in_dim3A_1598 = vector.broadcast %jit3A_1596 : f32 to vector<16xf32>
      %broadcast_in_dim3A_1599 = vector.broadcast %jit3A_1597 : f32 to vector<16xf32>
      %select_n3A_1600 = arith.select %gt3A_1595, %broadcast_in_dim3A_1598, %broadcast_in_dim3A_1599 : vector<16xi1>, vector<16xf32>
      %sub3A_1601 = arith.constant 1.000000e+00 : f32
      %sub3A_1602 = vector.broadcast %sub3A_1601 : f32 to vector<16xf32>
      %sub3A_1603 = arith.subf %sub3A_1602, %select_n3A_1592 : vector<16xf32>
      %mul3A_1604 = arith.mulf %sub3A_1603, %sub3A_1603 : vector<16xf32>
      %mul3A_1605 = arith.mulf %select_n3A_1600, %mul3A_1604 : vector<16xf32>
      %mul3A_1606 = arith.mulf %mul3A_1605, %add3A_1585 : vector<16xf32>
      %reduce_sum3A_1607 = arith.constant true
      %reduce_sum3A_1608 = vector.broadcast %reduce_sum3A_1607 : i1 to vector<16xi1>
      %reduce_sum3A_1609 = tpu.scan <sum>, %mul3A_1606 masked %reduce_sum3A_1608 : vector<16xf32>, vector<16xi1> -> vector<16xf32>
      %reduce_sum3A_1610 = vector.extract %reduce_sum3A_1609[15] : f32 from vector<16xf32>
      %add3A_1611 = arith.addf %add3A_1527, %reduce_sum3A_1610 : f32
      %neg3A_1612 = arith.constant 0.000000e+00 : f32
      %neg3A_1613 = vector.broadcast %neg3A_1612 : f32 to vector<16xf32>
      %neg3A_1614 = arith.subf %neg3A_1613, %get3A_276 : vector<16xf32>
      %exp3A_1615 = math.exp %neg3A_1614 : vector<16xf32>
      %add3A_1616 = arith.constant 1.000000e+00 : f32
      %add3A_1617 = vector.broadcast %add3A_1616 : f32 to vector<16xf32>
      %add3A_1618 = arith.addf %add3A_1617, %exp3A_1615 : vector<16xf32>
      %div3A_1619 = arith.constant 1.000000e+00 : f32
      %div3A_1620 = vector.broadcast %div3A_1619 : f32 to vector<16xf32>
      %div3A_1621 = arith.divf %div3A_1620, %add3A_1618 : vector<16xf32>
      %max3A_1622 = arith.constant 0.000000e+00 : f32
      %max3A_1623 = vector.broadcast %max3A_1622 : f32 to vector<16xf32>
      %max3A_1624 = arith.maximumf %get3A_276, %max3A_1623 : vector<16xf32>
      %mul3A_1625 = arith.mulf %get3A_276, %select_n3A_601 : vector<16xf32>
      %sub3A_1626 = arith.subf %max3A_1624, %mul3A_1625 : vector<16xf32>
      %abs3A_1627 = math.absf %get3A_276 : vector<16xf32>
      %neg3A_1628 = arith.constant 0.000000e+00 : f32
      %neg3A_1629 = vector.broadcast %neg3A_1628 : f32 to vector<16xf32>
      %neg3A_1630 = arith.subf %neg3A_1629, %abs3A_1627 : vector<16xf32>
      %abs3A_1631 = math.absf %neg3A_1630 : vector<16xf32>
      %neg3A_1632 = arith.constant 0.000000e+00 : f32
      %neg3A_1633 = vector.broadcast %neg3A_1632 : f32 to vector<16xf32>
      %neg3A_1634 = arith.subf %neg3A_1633, %abs3A_1631 : vector<16xf32>
      %exp3A_1635 = math.exp %neg3A_1634 : vector<16xf32>
      %broadcast_in_dim3A_1636 = arith.constant 0.000000e+00 : f32
      %broadcast_in_dim3A_1637 = vector.broadcast %broadcast_in_dim3A_1636 : f32 to vector<16xf32>
      %add3A_1638 = arith.constant -0.0170296114 : f32
      %add3A_1639 = vector.broadcast %add3A_1638 : f32 to vector<16xf32>
      %add3A_1640 = arith.addf %broadcast_in_dim3A_1637, %add3A_1639 : vector<16xf32>
      %mul3A_1641 = arith.mulf %add3A_1640, %exp3A_1635 : vector<16xf32>
      %add3A_1642 = arith.constant 0.08152318 : f32
      %add3A_1643 = vector.broadcast %add3A_1642 : f32 to vector<16xf32>
      %add3A_1644 = arith.addf %mul3A_1641, %add3A_1643 : vector<16xf32>
      %mul3A_1645 = arith.mulf %add3A_1644, %exp3A_1635 : vector<16xf32>
      %add3A_1646 = arith.constant -0.189019546 : f32
      %add3A_1647 = vector.broadcast %add3A_1646 : f32 to vector<16xf32>
      %add3A_1648 = arith.addf %mul3A_1645, %add3A_1647 : vector<16xf32>
      %mul3A_1649 = arith.mulf %add3A_1648, %exp3A_1635 : vector<16xf32>
      %add3A_1650 = arith.constant 0.315041274 : f32
      %add3A_1651 = vector.broadcast %add3A_1650 : f32 to vector<16xf32>
      %add3A_1652 = arith.addf %mul3A_1649, %add3A_1651 : vector<16xf32>
      %mul3A_1653 = arith.mulf %add3A_1652, %exp3A_1635 : vector<16xf32>
      %add3A_1654 = arith.constant -0.49720332 : f32
      %add3A_1655 = vector.broadcast %add3A_1654 : f32 to vector<16xf32>
      %add3A_1656 = arith.addf %mul3A_1653, %add3A_1655 : vector<16xf32>
      %mul3A_1657 = arith.mulf %add3A_1656, %exp3A_1635 : vector<16xf32>
      %add3A_1658 = arith.constant 0.99983257 : f32
      %add3A_1659 = vector.broadcast %add3A_1658 : f32 to vector<16xf32>
      %add3A_1660 = arith.addf %mul3A_1657, %add3A_1659 : vector<16xf32>
      %mul3A_1661 = arith.mulf %add3A_1660, %exp3A_1635 : vector<16xf32>
      %add3A_1662 = arith.constant 1.69366263E-6 : f32
      %add3A_1663 = vector.broadcast %add3A_1662 : f32 to vector<16xf32>
      %add3A_1664 = arith.addf %mul3A_1661, %add3A_1663 : vector<16xf32>
      %max3A_1665 = arith.constant 0.000000e+00 : f32
      %max3A_1666 = vector.broadcast %max3A_1665 : f32 to vector<16xf32>
      %max3A_1667 = arith.maximumf %neg3A_1630, %max3A_1666 : vector<16xf32>
      %add3A_1668 = arith.addf %max3A_1667, %add3A_1664 : vector<16xf32>
      %add3A_1669 = arith.addf %sub3A_1626, %add3A_1668 : vector<16xf32>
      %gt3A_1670 = arith.constant 5.000000e-01 : f32
      %gt3A_1671 = vector.broadcast %gt3A_1670 : f32 to vector<16xf32>
      %gt3A_1672 = arith.cmpf ogt, %get3A_292, %gt3A_1671 : vector<16xf32>
      %sub3A_1673 = arith.constant 1.000000e+00 : f32
      %sub3A_1674 = vector.broadcast %sub3A_1673 : f32 to vector<16xf32>
      %sub3A_1675 = arith.subf %sub3A_1674, %div3A_1621 : vector<16xf32>
      %select_n3A_1676 = arith.select %gt3A_1672, %div3A_1621, %sub3A_1675 : vector<16xi1>, vector<16xf32>
      %gt3A_1677 = arith.constant 5.000000e-01 : f32
      %gt3A_1678 = vector.broadcast %gt3A_1677 : f32 to vector<16xf32>
      %gt3A_1679 = arith.cmpf ogt, %get3A_292, %gt3A_1678 : vector<16xf32>
      %jit3A_1680 = arith.constant 2.500000e-01 : f32
      %jit3A_1681 = arith.constant 7.500000e-01 : f32
      %broadcast_in_dim3A_1682 = vector.broadcast %jit3A_1680 : f32 to vector<16xf32>
      %broadcast_in_dim3A_1683 = vector.broadcast %jit3A_1681 : f32 to vector<16xf32>
      %select_n3A_1684 = arith.select %gt3A_1679, %broadcast_in_dim3A_1682, %broadcast_in_dim3A_1683 : vector<16xi1>, vector<16xf32>
      %sub3A_1685 = arith.constant 1.000000e+00 : f32
      %sub3A_1686 = vector.broadcast %sub3A_1685 : f32 to vector<16xf32>
      %sub3A_1687 = arith.subf %sub3A_1686, %select_n3A_1676 : vector<16xf32>
      %mul3A_1688 = arith.mulf %sub3A_1687, %sub3A_1687 : vector<16xf32>
      %mul3A_1689 = arith.mulf %select_n3A_1684, %mul3A_1688 : vector<16xf32>
      %mul3A_1690 = arith.mulf %mul3A_1689, %add3A_1669 : vector<16xf32>
      %reduce_sum3A_1691 = arith.constant true
      %reduce_sum3A_1692 = vector.broadcast %reduce_sum3A_1691 : i1 to vector<16xi1>
      %reduce_sum3A_1693 = tpu.scan <sum>, %mul3A_1690 masked %reduce_sum3A_1692 : vector<16xf32>, vector<16xi1> -> vector<16xf32>
      %reduce_sum3A_1694 = vector.extract %reduce_sum3A_1693[15] : f32 from vector<16xf32>
      %add3A_1695 = arith.addf %add3A_1611, %reduce_sum3A_1694 : f32
      %add3A_1696 = vector.broadcast %add3A_535 : f32 to vector<16xf32>
      %add3A_1697 = arith.addf %broadcast_in_dim3A_714, %add3A_1696 : vector<16xf32>
      %add3A_1698 = vector.broadcast %select_n3A_569 : f32 to vector<16xf32>
      %add3A_1699 = arith.addf %broadcast_in_dim3A_714, %add3A_1698 : vector<16xf32>
      %div3A_1700 = arith.divf %add3A_1697, %add3A_1699 : vector<16xf32>
      %sub3A_1701 = arith.constant 1.000000e+00 : f32
      %sub3A_1702 = vector.broadcast %sub3A_1701 : f32 to vector<16xf32>
      %sub3A_1703 = arith.subf %sub3A_1702, %div3A_1700 : vector<16xf32>
      %jit3A_1704 = arith.constant 0.000000e+00 : f32
      %broadcast_in_dim3A_1705 = vector.broadcast %jit3A_1704 : f32 to vector<16xf32>
      %select_n3A_1706 = arith.select %gt3A_567, %sub3A_1703, %broadcast_in_dim3A_1705 : vector<16xf32>
      %jit3A_1707 = arith.constant 1.000000e+00 : f32
      %jit3A_1708 = arith.constant 0.000000e+00 : f32
      %select_n3A_1709 = arith.select %gt3A_567, %jit3A_1707, %jit3A_1708 : f32
      %jit3A_1710 = arith.constant 1.000000e+00 : f32
      %jit3A_1711 = arith.constant 0.000000e+00 : f32
      %select_n3A_1712 = arith.select %and3A_730, %jit3A_1710, %jit3A_1711 : f32
      %jit3A_1713 = arith.constant 1.000000e+00 : f32
      %jit3A_1714 = arith.constant 0.000000e+00 : f32
      %select_n3A_1715 = arith.select %or3A_1157, %jit3A_1713, %jit3A_1714 : f32
      %mul3A_1716 = arith.constant 8 : i32
      %mul3A_1717 = arith.muli %mul3A_1716, %scan3A_258 : i32
      %add3A_1718 = arith.constant 0 : i32
      %add3A_1719 = arith.addi %mul3A_1717, %add3A_1718 : i32
      %eq3A = vector.broadcast %add3A_1719 : i32 to vector<16xi32>
      %eq3A_1720 = arith.cmpi eq, %iota3A, %eq3A : vector<16xi32>
      %select_n3A_1721 = arith.select %eq3A_1720, %select_n3A_1706, %scan3A_259 : vector<16xi1>, vector<16xf32>
      %add3A_1722 = arith.constant 1 : i32
      %add3A_1723 = arith.addi %mul3A_1717, %add3A_1722 : i32
      %eq3A_1724 = vector.broadcast %add3A_1723 : i32 to vector<16xi32>
      %eq3A_1725 = arith.cmpi eq, %iota3A, %eq3A_1724 : vector<16xi32>
      %broadcast_in_dim3A_1726 = vector.broadcast %select_n3A_1709 : f32 to vector<16xf32>
      %select_n3A_1727 = arith.select %eq3A_1725, %broadcast_in_dim3A_1726, %select_n3A_1721 : vector<16xi1>, vector<16xf32>
      %add3A_1728 = arith.constant 2 : i32
      %add3A_1729 = arith.addi %mul3A_1717, %add3A_1728 : i32
      %eq3A_1730 = vector.broadcast %add3A_1729 : i32 to vector<16xi32>
      %eq3A_1731 = arith.cmpi eq, %iota3A, %eq3A_1730 : vector<16xi32>
      %select_n3A_1732 = arith.select %eq3A_1731, %select_n3A_727, %select_n3A_1727 : vector<16xi1>, vector<16xf32>
      %add3A_1733 = arith.constant 3 : i32
      %add3A_1734 = arith.addi %mul3A_1717, %add3A_1733 : i32
      %eq3A_1735 = vector.broadcast %add3A_1734 : i32 to vector<16xi32>
      %eq3A_1736 = arith.cmpi eq, %iota3A, %eq3A_1735 : vector<16xi32>
      %broadcast_in_dim3A_1737 = vector.broadcast %select_n3A_1712 : f32 to vector<16xf32>
      %select_n3A_1738 = arith.select %eq3A_1736, %broadcast_in_dim3A_1737, %select_n3A_1732 : vector<16xi1>, vector<16xf32>
      %add3A_1739 = arith.constant 4 : i32
      %add3A_1740 = arith.addi %mul3A_1717, %add3A_1739 : i32
      %eq3A_1741 = vector.broadcast %add3A_1740 : i32 to vector<16xi32>
      %eq3A_1742 = arith.cmpi eq, %iota3A, %eq3A_1741 : vector<16xi32>
      %broadcast_in_dim3A_1743 = vector.broadcast %mul3A_1077 : f32 to vector<16xf32>
      %select_n3A_1744 = arith.select %eq3A_1742, %broadcast_in_dim3A_1743, %select_n3A_1738 : vector<16xi1>, vector<16xf32>
      %add3A_1745 = arith.constant 5 : i32
      %add3A_1746 = arith.addi %mul3A_1717, %add3A_1745 : i32
      %eq3A_1747 = vector.broadcast %add3A_1746 : i32 to vector<16xi32>
      %eq3A_1748 = arith.cmpi eq, %iota3A, %eq3A_1747 : vector<16xi32>
      %broadcast_in_dim3A_1749 = vector.broadcast %add3A_1695 : f32 to vector<16xf32>
      %select_n3A_1750 = arith.select %eq3A_1748, %broadcast_in_dim3A_1749, %select_n3A_1744 : vector<16xi1>, vector<16xf32>
      %add3A_1751 = arith.constant 6 : i32
      %add3A_1752 = arith.addi %mul3A_1717, %add3A_1751 : i32
      %eq3A_1753 = vector.broadcast %add3A_1752 : i32 to vector<16xi32>
      %eq3A_1754 = arith.cmpi eq, %iota3A, %eq3A_1753 : vector<16xi32>
      %broadcast_in_dim3A_1755 = vector.broadcast %select_n3A_1359 : f32 to vector<16xf32>
      %select_n3A_1756 = arith.select %eq3A_1754, %broadcast_in_dim3A_1755, %select_n3A_1750 : vector<16xi1>, vector<16xf32>
      %add3A_1757 = arith.constant 7 : i32
      %add3A_1758 = arith.addi %mul3A_1717, %add3A_1757 : i32
      %eq3A_1759 = vector.broadcast %add3A_1758 : i32 to vector<16xi32>
      %eq3A_1760 = arith.cmpi eq, %iota3A, %eq3A_1759 : vector<16xi32>
      %broadcast_in_dim3A_1761 = vector.broadcast %select_n3A_1715 : f32 to vector<16xf32>
      %select_n3A_1762 = arith.select %eq3A_1760, %broadcast_in_dim3A_1761, %select_n3A_1756 : vector<16xi1>, vector<16xf32>
      scf.yield %select_n3A_1762 : vector<16xf32>
    }
    %scan3A_253 = arith.constant 2 : i32
    %swap3A_254 = arith.constant 0 : index
    %swap3A_255 = tpu.vector_load %arg12[%swap3A_254] {strides = array<i32>} : memref<16xf32, #tpu.memory_space<vmem>>, vector<16xf32>,
    tpu.vector_store %arg12[%swap3A_254], %scan3A_252 {strides = array<i32>} : memref<16xf32, #tpu.memory_space<vmem>>, vector<16xf32>,
    %mul3A_256 = arith.constant 16 : i32
    %mul3A_257 = arith.muli %add3A, %mul3A_256 : i32
    "tpu.region"() ({
      %run_scoped3A = tpu.sem_alloc : memref<!tpu.dma_semaphore, #tpu.memory_space<semaphore_mem>>
      %dma_start3A = tpu.memref_slice %arg4[%mul3A_257] : memref<512xf32, #tpu.memory_space<hbm>> -> memref<16xf32, #tpu.memory_space<hbm>>
      %dma_start3A_258 = tpu.memref_slice %arg4[%mul3A_257] : memref<512xf32, #tpu.memory_space<hbm>> -> memref<16xf32, #tpu.memory_space<hbm>>
      tpu.enqueue_dma source(%arg12 : memref<16xf32, #tpu.memory_space<vmem>>) target(%dma_start3A_258 : memref<16xf32, #tpu.memory_space<hbm>>) target_semaphore(%run_scoped3A : memref<!tpu.dma_semaphore, #tpu.memory_space<semaphore_mem>>)
      %dma_wait3A = tpu.memref_slice %arg4[%mul3A_257] : memref<512xf32, #tpu.memory_space<hbm>> -> memref<16xf32, #tpu.memory_space<hbm>>
      %dma_wait3A_259 = tpu.memref_slice %arg4[%mul3A_257] : memref<512xf32, #tpu.memory_space<hbm>> -> memref<16xf32, #tpu.memory_space<hbm>>
      tpu.wait_dma2 semaphore(%run_scoped3A : memref<!tpu.dma_semaphore, #tpu.memory_space<semaphore_mem>>) src(%arg12 : memref<16xf32, #tpu.memory_space<vmem>>) dst(%dma_wait3A_259 : memref<16xf32, #tpu.memory_space<hbm>>)
      tpu.yield
    }) : () -> ()
    return
  }
}

module attributes {stable_mosaic.version = 14 : i64} {
  func.func @_tc_finish(%arg0: memref<512xf32, #tpu.memory_space<vmem>>, %arg1: memref<1x1xf32, #tpu.memory_space<vmem>>) attributes {dimension_semantics = [], scalar_prefetch = 0 : i64, scratch_operands = 0 : i64, tpu.core_type = #tpu.core_type<tc>} {
    %get3A = arith.constant 0 : index
    %get3A_0 = vector.load %arg0[%get3A] : memref<512xf32, #tpu.memory_space<vmem>>, vector<512xf32>
    %iota3A = tpu.iota {dimensions = array<i32: 1>} : vector<1x512xi32>
    %iota3A_1 = vector.shape_cast %iota3A : vector<1x512xi32> to vector<512xi32>
    %and3A = arith.constant 7 : i32
    %and3A_2 = vector.broadcast %and3A : i32 to vector<512xi32>
    %and3A_3 = arith.andi %iota3A_1, %and3A_2 : vector<512xi32>
    %eq3A = arith.constant 3 : i32
    %eq3A_4 = vector.broadcast %eq3A : i32 to vector<512xi32>
    %eq3A_5 = arith.cmpi eq, %and3A_3, %eq3A_4 : vector<512xi32>
    %jit3A = arith.constant 0.000000e+00 : f32
    %broadcast_in_dim3A = vector.broadcast %jit3A : f32 to vector<512xf32>
    %select_n3A = arith.select %eq3A_5, %get3A_0, %broadcast_in_dim3A : vector<512xi1>, vector<512xf32>
    %reduce_sum3A = vector.shape_cast %select_n3A : vector<512xf32> to vector<1x512xf32>
    %reduce_sum3A_6 = arith.constant dense<0.000000e+00> : vector<1xf32>
    %reduce_sum3A_7 = vector.multi_reduction <add>, %reduce_sum3A, %reduce_sum3A_6 [1] : vector<1x512xf32> to vector<1xf32>
    %reduce_sum3A_8 = vector.shape_cast %reduce_sum3A_7 : vector<1xf32> to vector<1x1xf32>
    %reduce_sum3A_9 = vector.extract %reduce_sum3A_8[0, 0] : f32 from vector<1x1xf32>
    %gt3A = arith.constant 0.000000e+00 : f32
    %gt3A_10 = arith.cmpf ogt, %reduce_sum3A_9, %gt3A : f32
    %eq3A_11 = arith.constant 2 : i32
    %eq3A_12 = vector.broadcast %eq3A_11 : i32 to vector<512xi32>
    %eq3A_13 = arith.cmpi eq, %and3A_3, %eq3A_12 : vector<512xi32>
    %jit3A_14 = arith.constant 0.000000e+00 : f32
    %broadcast_in_dim3A_15 = vector.broadcast %jit3A_14 : f32 to vector<512xf32>
    %select_n3A_16 = arith.select %eq3A_13, %get3A_0, %broadcast_in_dim3A_15 : vector<512xi1>, vector<512xf32>
    %reduce_sum3A_17 = vector.shape_cast %select_n3A_16 : vector<512xf32> to vector<1x512xf32>
    %reduce_sum3A_18 = arith.constant dense<0.000000e+00> : vector<1xf32>
    %reduce_sum3A_19 = vector.multi_reduction <add>, %reduce_sum3A_17, %reduce_sum3A_18 [1] : vector<1x512xf32> to vector<1xf32>
    %reduce_sum3A_20 = vector.shape_cast %reduce_sum3A_19 : vector<1xf32> to vector<1x1xf32>
    %reduce_sum3A_21 = vector.extract %reduce_sum3A_20[0, 0] : f32 from vector<1x1xf32>
    %max3A = arith.constant 1.000000e+00 : f32
    %max3A_22 = arith.maximumf %reduce_sum3A_9, %max3A : f32
    %div3A = arith.divf %reduce_sum3A_21, %max3A_22 : f32
    %jit3A_23 = arith.constant 0.000000e+00 : f32
    %select_n3A_24 = arith.select %gt3A_10, %div3A, %jit3A_23 : f32
    %mul3A = arith.constant 1.000000e+00 : f32
    %mul3A_25 = arith.mulf %mul3A, %select_n3A_24 : f32
    %eq3A_26 = arith.constant 4 : i32
    %eq3A_27 = vector.broadcast %eq3A_26 : i32 to vector<512xi32>
    %eq3A_28 = arith.cmpi eq, %and3A_3, %eq3A_27 : vector<512xi32>
    %jit3A_29 = arith.constant 0.000000e+00 : f32
    %broadcast_in_dim3A_30 = vector.broadcast %jit3A_29 : f32 to vector<512xf32>
    %select_n3A_31 = arith.select %eq3A_28, %get3A_0, %broadcast_in_dim3A_30 : vector<512xi1>, vector<512xf32>
    %reduce_sum3A_32 = vector.shape_cast %select_n3A_31 : vector<512xf32> to vector<1x512xf32>
    %reduce_sum3A_33 = arith.constant dense<0.000000e+00> : vector<1xf32>
    %reduce_sum3A_34 = vector.multi_reduction <add>, %reduce_sum3A_32, %reduce_sum3A_33 [1] : vector<1x512xf32> to vector<1xf32>
    %reduce_sum3A_35 = vector.shape_cast %reduce_sum3A_34 : vector<1xf32> to vector<1x1xf32>
    %reduce_sum3A_36 = vector.extract %reduce_sum3A_35[0, 0] : f32 from vector<1x1xf32>
    %mul3A_37 = arith.constant 5.000000e-01 : f32
    %mul3A_38 = arith.mulf %mul3A_37, %reduce_sum3A_36 : f32
    %mul3A_39 = arith.constant 1.562500e-02 : f32
    %mul3A_40 = arith.mulf %mul3A_38, %mul3A_39 : f32
    %add3A = arith.addf %mul3A_25, %mul3A_40 : f32
    %eq3A_41 = arith.constant 7 : i32
    %eq3A_42 = vector.broadcast %eq3A_41 : i32 to vector<512xi32>
    %eq3A_43 = arith.cmpi eq, %and3A_3, %eq3A_42 : vector<512xi32>
    %jit3A_44 = arith.constant 0.000000e+00 : f32
    %broadcast_in_dim3A_45 = vector.broadcast %jit3A_44 : f32 to vector<512xf32>
    %select_n3A_46 = arith.select %eq3A_43, %get3A_0, %broadcast_in_dim3A_45 : vector<512xi1>, vector<512xf32>
    %reduce_sum3A_47 = vector.shape_cast %select_n3A_46 : vector<512xf32> to vector<1x512xf32>
    %reduce_sum3A_48 = arith.constant dense<0.000000e+00> : vector<1xf32>
    %reduce_sum3A_49 = vector.multi_reduction <add>, %reduce_sum3A_47, %reduce_sum3A_48 [1] : vector<1x512xf32> to vector<1xf32>
    %reduce_sum3A_50 = vector.shape_cast %reduce_sum3A_49 : vector<1xf32> to vector<1x1xf32>
    %reduce_sum3A_51 = vector.extract %reduce_sum3A_50[0, 0] : f32 from vector<1x1xf32>
    %gt3A_52 = arith.constant 0.000000e+00 : f32
    %gt3A_53 = arith.cmpf ogt, %reduce_sum3A_51, %gt3A_52 : f32
    %eq3A_54 = arith.constant 6 : i32
    %eq3A_55 = vector.broadcast %eq3A_54 : i32 to vector<512xi32>
    %eq3A_56 = arith.cmpi eq, %and3A_3, %eq3A_55 : vector<512xi32>
    %jit3A_57 = arith.constant 0.000000e+00 : f32
    %broadcast_in_dim3A_58 = vector.broadcast %jit3A_57 : f32 to vector<512xf32>
    %select_n3A_59 = arith.select %eq3A_56, %get3A_0, %broadcast_in_dim3A_58 : vector<512xi1>, vector<512xf32>
    %reduce_sum3A_60 = vector.shape_cast %select_n3A_59 : vector<512xf32> to vector<1x512xf32>
    %reduce_sum3A_61 = arith.constant dense<0.000000e+00> : vector<1xf32>
    %reduce_sum3A_62 = vector.multi_reduction <add>, %reduce_sum3A_60, %reduce_sum3A_61 [1] : vector<1x512xf32> to vector<1xf32>
    %reduce_sum3A_63 = vector.shape_cast %reduce_sum3A_62 : vector<1xf32> to vector<1x1xf32>
    %reduce_sum3A_64 = vector.extract %reduce_sum3A_63[0, 0] : f32 from vector<1x1xf32>
    %max3A_65 = arith.constant 1.000000e+00 : f32
    %max3A_66 = arith.maximumf %reduce_sum3A_51, %max3A_65 : f32
    %div3A_67 = arith.divf %reduce_sum3A_64, %max3A_66 : f32
    %jit3A_68 = arith.constant 0.000000e+00 : f32
    %select_n3A_69 = arith.select %gt3A_53, %div3A_67, %jit3A_68 : f32
    %mul3A_70 = arith.constant 5.000000e-01 : f32
    %mul3A_71 = arith.mulf %mul3A_70, %select_n3A_69 : f32
    %add3A_72 = arith.addf %add3A, %mul3A_71 : f32
    %eq3A_73 = arith.constant 1 : i32
    %eq3A_74 = vector.broadcast %eq3A_73 : i32 to vector<512xi32>
    %eq3A_75 = arith.cmpi eq, %and3A_3, %eq3A_74 : vector<512xi32>
    %jit3A_76 = arith.constant 0.000000e+00 : f32
    %broadcast_in_dim3A_77 = vector.broadcast %jit3A_76 : f32 to vector<512xf32>
    %select_n3A_78 = arith.select %eq3A_75, %get3A_0, %broadcast_in_dim3A_77 : vector<512xi1>, vector<512xf32>
    %reduce_sum3A_79 = vector.shape_cast %select_n3A_78 : vector<512xf32> to vector<1x512xf32>
    %reduce_sum3A_80 = arith.constant dense<0.000000e+00> : vector<1xf32>
    %reduce_sum3A_81 = vector.multi_reduction <add>, %reduce_sum3A_79, %reduce_sum3A_80 [1] : vector<1x512xf32> to vector<1xf32>
    %reduce_sum3A_82 = vector.shape_cast %reduce_sum3A_81 : vector<1xf32> to vector<1x1xf32>
    %reduce_sum3A_83 = vector.extract %reduce_sum3A_82[0, 0] : f32 from vector<1x1xf32>
    %gt3A_84 = arith.constant 0.000000e+00 : f32
    %gt3A_85 = arith.cmpf ogt, %reduce_sum3A_83, %gt3A_84 : f32
    %eq3A_86 = arith.constant 0 : i32
    %eq3A_87 = vector.broadcast %eq3A_86 : i32 to vector<512xi32>
    %eq3A_88 = arith.cmpi eq, %and3A_3, %eq3A_87 : vector<512xi32>
    %jit3A_89 = arith.constant 0.000000e+00 : f32
    %broadcast_in_dim3A_90 = vector.broadcast %jit3A_89 : f32 to vector<512xf32>
    %select_n3A_91 = arith.select %eq3A_88, %get3A_0, %broadcast_in_dim3A_90 : vector<512xi1>, vector<512xf32>
    %reduce_sum3A_92 = vector.shape_cast %select_n3A_91 : vector<512xf32> to vector<1x512xf32>
    %reduce_sum3A_93 = arith.constant dense<0.000000e+00> : vector<1xf32>
    %reduce_sum3A_94 = vector.multi_reduction <add>, %reduce_sum3A_92, %reduce_sum3A_93 [1] : vector<1x512xf32> to vector<1xf32>
    %reduce_sum3A_95 = vector.shape_cast %reduce_sum3A_94 : vector<1xf32> to vector<1x1xf32>
    %reduce_sum3A_96 = vector.extract %reduce_sum3A_95[0, 0] : f32 from vector<1x1xf32>
    %max3A_97 = arith.constant 1.000000e+00 : f32
    %max3A_98 = arith.maximumf %reduce_sum3A_83, %max3A_97 : f32
    %div3A_99 = arith.divf %reduce_sum3A_96, %max3A_98 : f32
    %jit3A_100 = arith.constant 0.000000e+00 : f32
    %select_n3A_101 = arith.select %gt3A_85, %div3A_99, %jit3A_100 : f32
    %mul3A_102 = arith.constant 5.000000e-01 : f32
    %mul3A_103 = arith.mulf %mul3A_102, %select_n3A_101 : f32
    %add3A_104 = arith.addf %add3A_72, %mul3A_103 : f32
    %eq3A_105 = arith.constant 5 : i32
    %eq3A_106 = vector.broadcast %eq3A_105 : i32 to vector<512xi32>
    %eq3A_107 = arith.cmpi eq, %and3A_3, %eq3A_106 : vector<512xi32>
    %jit3A_108 = arith.constant 0.000000e+00 : f32
    %broadcast_in_dim3A_109 = vector.broadcast %jit3A_108 : f32 to vector<512xf32>
    %select_n3A_110 = arith.select %eq3A_107, %get3A_0, %broadcast_in_dim3A_109 : vector<512xi1>, vector<512xf32>
    %reduce_sum3A_111 = vector.shape_cast %select_n3A_110 : vector<512xf32> to vector<1x512xf32>
    %reduce_sum3A_112 = arith.constant dense<0.000000e+00> : vector<1xf32>
    %reduce_sum3A_113 = vector.multi_reduction <add>, %reduce_sum3A_111, %reduce_sum3A_112 [1] : vector<1x512xf32> to vector<1xf32>
    %reduce_sum3A_114 = vector.shape_cast %reduce_sum3A_113 : vector<1xf32> to vector<1x1xf32>
    %reduce_sum3A_115 = vector.extract %reduce_sum3A_114[0, 0] : f32 from vector<1x1xf32>
    %mul3A_116 = arith.constant 2.500000e-01 : f32
    %mul3A_117 = arith.mulf %mul3A_116, %reduce_sum3A_115 : f32
    %mul3A_118 = arith.constant 2.44140625E-4 : f32
    %mul3A_119 = arith.mulf %mul3A_117, %mul3A_118 : f32
    %add3A_120 = arith.addf %add3A_104, %mul3A_119 : f32
    %broadcast_in_dim3A_121 = vector.broadcast %add3A_120 : f32 to vector<1x1xf32>
    %swap3A = arith.constant 0 : index
    %swap3A_122 = arith.constant 0 : index
    %swap3A_123 = vector.load %arg1[%swap3A, %swap3A_122] : memref<1x1xf32, #tpu.memory_space<vmem>>, vector<1x1xf32>
    tpu.vector_store %arg1[%swap3A, %swap3A_122], %broadcast_in_dim3A_121 {strides = array<i32>} : memref<1x1xf32, #tpu.memory_space<vmem>>, vector<1x1xf32>,
    return
  }
}

</mosaic_0001>

<sc_bundles>
// kernel: _run.4.cloned.1.call-start
scs
__scs_entry_jumppad:
0x0: {  	(pc) =	sbr.rel $0x88, $3  }
0x1: {  	(tag) =	ssettag $0x0;
	lr =	simm.s32 $0x1  }
0x2: {  	[smem:$0x3F9F] =	sst lr;
	_ =	strace $0xD0000000  }
0x3: {  	_ = 	snop  }
0x4: {  	_ = 	snop  }
0x5: {  	_ = 	snop  }
0x6: {  	_ = 	snop  }
0x7: {  	_ = 	snop  }
__scs_overlays_trampoline_lowered:
0x8: {  	[smem:$0x3FAE] =	sst s0  }
0x9: {  	[smem:$0x3FAF] =	sst s1  }
0xa: {  	[smem:$0x3FB0] =	sst s2  }
0xb: {  	[smem:$0x3FB1] =	sst s3  }
0xc: {  	[smem:$0x3FB2] =	sst s4  }
0xd: {  	[smem:$0x3FB3] =	sst s5  }
0xe: {  	[smem:$0x3FB4] =	sst s6  }
0xf: {  	[smem:$0x3FB5] =	sst s7  }
0x10: {  	[smem:$0x3FB6] =	sst s8  }
0x11: {  	[smem:$0x3FB7] =	sst s9;
	s0 =	simm.s32 @!p0 $0x0  }
0x12: {  	s1 =	sld [smem:$0x3F9D];
	s0 =	simm.s32 @p0 $0x1  }
0x13: {  	[smem:$0x3FB8] =	sst s0;
	s0 =	simm.s32 @!p1 $0x0  }
0x14: {  	s2 =	sld [smem:$0x3F9C];
	s0 =	simm.s32 @p1 $0x1  }
0x15: {  	[smem:$0x3FB9] =	sst s0;
	s0 =	simm.s32 @!p2 $0x0  }
0x16: {  	s3 =	sld [smem:$0x3FDB];
	s0 =	simm.s32 @p2 $0x1  }
0x17: {  	s4 =	simm.s32 $0x1BF5;
	[smem:$0x3FBB] =	sst s0  }
0x18: {  	s0 =	sld [smem:$0x3F9E];
	_ =	swait.ge [sflag:s4], $0x0  }
0x19: {  	s7 =	sld [smem:$0x3F9F]  }
0x1a: {  	s8 =	sadd.s32 $0xFFFFE003, lr  }
0x1b: {  	s9 =	sadd.s32 $0xFFFFFEF7, lr;
	s5 =	simm.s32 $0xFFFFFFFF;
	p2 =	slt.u32 s8, $0xFFFFF086  }
0x1c: {  	p1 =	slt.u32 s9, $0xF7A;
	s5 =	simm.s32 @!p2 $0x0  }
0x1d: {  	s5 =	simm.s32 @p1 $0x1;
	p0 =	seq.s32 s7, s2  }
0x1e: {  	s7 =	smul.u32 @!p0 $0xF7A, s2;
	p2 =	seq.s32 @!p0 s5, $0x0  }
0x1f: {  	s9 =	smul.u32 $0xF7A, s1;
	s8 =	simm.s32 @!p0 $0x1BF5;
	p2 =	por !p2, p0  }
0x20: {  	[sflag:s8] =	ssyncset.s32 @!p0 $0xFFFFF086;
	s6 =	sadd.s32 @!p0 s3, s7;
	s7 =	simm.s32 @!p0 $0x108  }
0x21: {  	s3 =	sadd.s32 s3, s9;
	s6 =	sadd.s32 @!p0 $0x88, s6;
	s7 =	simm.s32 @p2 $0x1082  }
0x22: {  	[simem:s7], [sflag:s8] =	dma.local @!p0 [hbm:s6], $0xF7A  }
0x23: {  	s9 =	sor.u32 $0xD0000000, s2;
	s6 =	simm.s32 $0x108;
	_ =	swait.ge @!p0 [sflag:s8], $0x0  }
0x24: {  	s3 =	sadd.s32 $0x88, s3;
	s6 =	simm.s32 @!p1 $0x1082;
	[sflag:s4] =	ssyncset.s32 $0xFFFFF086  }
0x25: {  	[simem:s6], [sflag:s4] =	dma.local [hbm:s3], $0xF7A  }
0x26: {  	[smem:$0x3F9F] =	sst s1;
	(tag) =	ssettag s2;
	_ =	strace s9  }
0x27: {  	s1 =	sld [smem:$0x3FAF]  }
0x28: {  	s2 =	sld [smem:$0x3FB0]  }
0x29: {  	s4 =	sld [smem:$0x3FB2]  }
0x2a: {  	p0 =	seq.s32 s5, $0x0;
	s5 =	sld [smem:$0x3FB3]  }
0x2b: {  	s6 =	sld [smem:$0x3FB4]  }
0x2c: {  	s7 =	sld [smem:$0x3FB5]  }
0x2d: {  	s3 =	simm.s32 $0x108;
	s8 =	sld [smem:$0x3FB6]  }
0x2e: {  	s3 =	simm.s32 @!p0 $0x1082;
	s9 =	sld [smem:$0x3FB7]  }
0x2f: {  	lr =	sadd.s32 s0, s3;
	s0 =	sld [smem:$0x3FAE]  }
0x30: {  	s3 =	sld [smem:$0x3FB1]  }
0x31: {  	[smem:$0x3FBA] =	sst s10  }
0x32: {  	s10 =	sld [smem:$0x3FB8];
	_ =	sdelay $0x3  }
0x33: {  	p0 =	seq.s32 s10, $0x1;
	s10 =	sld [smem:$0x3FBA];
	_ =	sdelay $0x3  }
0x34: {  	[smem:$0x3FBA] =	sst s10  }
0x35: {  	s10 =	sld [smem:$0x3FB9];
	_ =	sdelay $0x3  }
0x36: {  	p1 =	seq.s32 s10, $0x1;
	s10 =	sld [smem:$0x3FBA];
	_ =	sdelay $0x3  }
0x37: {  	[smem:$0x3FBA] =	sst s10  }
0x38: {  	s10 =	sld [smem:$0x3FBB]  }
0x39: {  	_ = 	snop;
	(pc) =	sbr.ind lr, $3  }
0x3a: {  	_ = 	snop  }
0x3b: {  	_ = 	snop  }
0x3c: {  	p2 =	seq.s32 s10, $0x1;
	s10 =	sld [smem:$0x3FBA]  }
0x3d: {  	_ =	shalt  }
0x3e: {  	_ =	shalt  }
0x3f: {  	_ =	shalt  }
0x40: {  	_ =	shalt  }
0x41: {  	_ =	shalt  }
0x42: {  	_ =	shalt  }
0x43: {  	_ =	shalt  }
0x44: {  	_ =	shalt  }
0x45: {  	_ =	shalt  }
0x46: {  	_ =	shalt  }
0x47: {  	_ =	shalt  }
0x48: {  	_ =	shalt  }
0x49: {  	_ =	shalt  }
0x4a: {  	_ =	shalt  }
0x4b: {  	_ =	shalt  }
0x4c: {  	_ =	shalt  }
0x4d: {  	_ =	shalt  }
0x4e: {  	_ =	shalt  }
0x4f: {  	_ =	shalt  }
0x50: {  	_ =	shalt  }
0x51: {  	_ =	shalt  }
0x52: {  	_ =	shalt  }
0x53: {  	_ =	shalt  }
0x54: {  	_ =	shalt  }
0x55: {  	_ =	shalt  }
0x56: {  	_ =	shalt  }
0x57: {  	_ =	shalt  }
0x58: {  	_ =	shalt  }
0x59: {  	_ =	shalt  }
0x5a: {  	_ =	shalt  }
0x5b: {  	_ =	shalt  }
0x5c: {  	_ =	shalt  }
0x5d: {  	_ =	shalt  }
0x5e: {  	_ =	shalt  }
0x5f: {  	_ =	shalt  }
0x60: {  	_ =	shalt  }
0x61: {  	_ =	shalt  }
0x62: {  	_ =	shalt  }
0x63: {  	_ =	shalt  }
0x64: {  	_ =	shalt  }
0x65: {  	_ =	shalt  }
0x66: {  	_ =	shalt  }
0x67: {  	_ =	shalt  }
0x68: {  	_ =	shalt  }
0x69: {  	_ =	shalt  }
0x6a: {  	_ =	shalt  }
0x6b: {  	_ =	shalt  }
0x6c: {  	_ =	shalt  }
0x6d: {  	_ =	shalt  }
0x6e: {  	_ =	shalt  }
0x6f: {  	_ =	shalt  }
0x70: {  	_ =	shalt  }
0x71: {  	_ =	shalt  }
0x72: {  	_ =	shalt  }
0x73: {  	_ =	shalt  }
0x74: {  	_ =	shalt  }
0x75: {  	_ =	shalt  }
0x76: {  	_ =	shalt  }
0x77: {  	_ =	shalt  }
0x78: {  	_ =	shalt  }
0x79: {  	_ =	shalt  }
0x7a: {  	_ =	shalt  }
0x7b: {  	_ =	shalt  }
0x7c: {  	_ =	shalt  }
0x7d: {  	_ =	shalt  }
0x7e: {  	_ =	shalt  }
0x7f: {  	_ =	shalt  }
0x80: {  	_ =	shalt  }
0x81: {  	_ =	shalt  }
0x82: {  	_ =	shalt  }
0x83: {  	_ =	shalt  }
0x84: {  	_ =	shalt  }
0x85: {  	_ =	shalt  }
0x86: {  	_ =	shalt  }
0x87: {  	_ =	shalt  }
.Lfunc_end0:
.L_simem_size_0:
called_computation_lowered:
.L_overlay_start_0:
0x88: {  	s2 =	sld [smem:$0x3FD9]  }
0x89: {  	s3 =	sld [smem:$0x3FFE];
	_ =	sdelay $0x1  }
0x8a: {  	s1 =	srdreg.scid  }
0x8b: {  	s0 =	sand.u32 $0x1, s1  }
0x8c: {  	s17 =	sshll.u32 s0, $0xA;
	s2 =	sadd.s32 s3, s2  }
0x8d: {  	s2 =	sadd.s32 s2, s17  }
0x8e: {  	[smem:$0x3FC6] =	sst s2  }
0x8f: {  	_ = 	snop  }
0x90: {  	s2 =	sld [smem:$0x3FC9]  }
0x91: {  	s18 =	sld [smem:$0x3FC8];
	(tm) =	ssettm $0x1  }
0x92: {  	s4 =	sld [smem:$0x3FFB];
	_ =	sdelay $0x3  }
0x93: {  	_ =	strace s4  }
0x94: {  	s4 =	sld [smem:$0x3FFC];
	_ =	sdelay $0x3  }
0x95: {  	_ =	strace s4  }
0x96: {  	s4 =	sld [smem:$0x3FFD];
	_ =	sdelay $0x3  }
0x97: {  	_ =	strace s4  }
0x98: {  	_ =	strace $0x8FFFFFFF  }
0x99: {  	s19 =	sld [smem:$0x3FDB];
	_ =	sdelay $0x1  }
0x9a: {  	s5 =	simm.s32 $_scs_section_size  }
0x9b: {  	s6 =	simm.s32 $_size__tile_overlayer_lowered;
	s7 =	simm.s32 $_tile_overlayer_lowered  }
0x9c: {  	s22 =	simm.s32 $0x1BFF;
	s21 =	sshll.u32 s7, $0x1;
	s4 =	sadd.s32 s5, s19  }
0x9d: {  	s8 =	simm.s32 $0x0;
	s20 =	sshll.u32 s6, $0x1;
	s6 =	sadd.s32 s21, s4  }
0x9e: {  	[timem:s8], [sflag:s22] =	dma.local [hbm:s6], s20  }
0x9f: {  	_ =	swait.ge [sflag:s22], s20  }
0xa0: {  	s5 =	ssub.s32 $0x0, s20;
	[sflag:s22] =	ssyncset.done $0x0  }
0xa1: {  	[sflag:s22] =	ssyncadd.s32 s5;
	_ =	sdelay $0x1  }
0xa2: {  	s23 =	simm.s32 $0x1B8B  }
0xa3: {  	_ =	swait.ge [sflag:s23], $0x1  }
0xa4: {  	[sflag:s23] =	ssyncset.done $0x0  }
0xa5: {  	s25 =	simm.s32 $0x1B8E;
	s24 =	sld [smem:$0x3FFE];
	[sflag:s23] =	ssyncadd.s32 $0xFFFFFFFF  }
0xa6: {  	s26 =	simm.s32 $execute0_lowered;
	[smem:$0x3FD2] =	sst s25  }
0xa7: {  	s6 =	sshll.u32 s26, $0x1;
	_ =	strace $0x80000046;
	[dreg:$0x1] =	wrdreg $0xFFFFFFFF  }
0xa8: {  	s28 =	simm.s32 $_size_execute0_lowered;
	s4 =	sadd.s32 s4, s6;
	[dreg:$0x0] =	wrdreg $0x0  }
0xa9: {  	s6 =	sshll.u32 s28, $0x1;
	[dreg:$0x2] =	wrdreg s4  }
0xaa: {  	[dreg:$0x3] =	wrdreg s6  }
0xab: {  	[dreg:$0x4] =	wrdreg $0xC0  }
0xac: {  	_ =	task [dreg:s8], $0x5FFFF  }
0xad: {  	[dreg:$0x1] =	wrdreg $0xFFFFFFFF  }
0xae: {  	[dreg:$0x0] =	wrdreg $0x60  }
0xaf: {  	[dreg:$0x2] =	wrdreg s2  }
0xb0: {  	[dreg:$0x3] =	wrdreg s18  }
0xb1: {  	[dreg:$0x4] =	wrdreg s24  }
0xb2: {  	[dreg:$0x5] =	wrdreg $0x9  }
0xb3: {  	_ =	task.clear_ibuf [dreg:s8], $0x6FFFF;
	_ =	strace $0x90000046  }
0xb4: {  	s29 =	simm.s32 $0x9;
	_ =	strace $0x80000048  }
0xb5: {  	_ =	swait.ge [sflag:s29], $0x1  }
0xb6: {  	[sflag:s29] =	ssyncadd.s32 $0xFFFFFFFF  }
0xb7: {  	_ =	strace $0x90000048  }
0xb8: {  	_ =	sfence  }
0xb9: {  	s30 =	sld [smem:$0x0];
	_ =	sdelay $0x2  }
0xba: {  	s31 =	sshll.u32 s1, $0xD;
	s1 =	sshrl.u32 s1, $0x2  }
0xbb: {  	s3 =	sand.u32 $0x4000, s31;
	s1 =	sadd.s32 s1, s30  }
0xbc: {  	s0 =	sor.u32 s3, s0;
	s1 =	sshll.u32 s1, $0x11  }
0xbd: {  	s0 =	sor.u32 s1, s0  }
0xbe: {  	s0 =	sadd.s32 $0x8F2B, s0  }
0xbf: {  	[sflag:s0] =	ssyncadd.remote.s32 $0x1  }
0xc0: {  	_ =	sfence.sel $0xFFFF  }
0xc1: {  	[dreg:$0x0] =	wrdreg $0xFFFFFFFF;
	(pc) =	sbr.abs _section_cstart, $3  }
0xc2: {  	[dreg:$0x1] =	wrdreg $0xFFFFFFFF  }
0xc3: {  	_ =	task.clear_ibuf [dreg:s8], $0x2FFFF;
	_ =	strace $0x9FFFFFFF  }
0xc4: {  	(tm) =	ssettm $0x7FFFFFFF  }
0xc5: {  	_ =	shalt  }
tec
execute0_lowered:
.L_overlay_start_1:
0x0: {  	(tag) =	ssettag $0x1  }
0x1: {  	vm10 =	vcmask $0x300;
	v0 =	vimm.f32 $2.062500000e+00  }
0x2: {  	vm12 =	vcmask $0x704;
	v0 =	vsel vm10, $0x40000000, v0  }
0x3: {  	vm11 =	vcmask $0xB08;
	v0 =	vsel vm12, $0x3FE00000, v0  }
0x4: {  	vm7 =	vcmask $0xF0C;
	v0 =	vsel vm11, $0x40000000, v0  }
0x5: {  	vm6 =	vcmask $0x1310;
	v0 =	vsel vm7, $0x40100000, v0  }
0x6: {  	vm5 =	vcmask $0x1714;
	v0 =	vsel vm6, $0x3FE00000, v0  }
0x7: {  	vm2 =	vcmask $0x1B18;
	v0 =	vsel vm5, $0x3FF00000, v0  }
0x8: {  	vm3 =	vcmask $0x1F1C;
	v0 =	vsel vm2, $0x40000000, v0  }
0x9: {  	vm0 =	vcmask $0x2320;
	v0 =	vsel vm3, $0x40080000, v0  }
0xa: {  	vm1 =	vcmask $0x2724;
	v0 =	vsel vm0, $0x40100000, v0  }
0xb: {  	vm4 =	vcmask $0x2B28;
	v1 =	vimm.f32 $6.250000000e-02;
	v0 =	vsel vm1, $0x40180000, v0  }
0xc: {  	vm8 =	vcmask $0x2F2C;
	v1 =	vsel vm10, $0x0, v1;
	v0 =	vsel vm4, $0x3FE00000, v0  }
0xd: {  	s0 =	rddreg [dreg:$0x0];
	vm9 =	vcmask $0x3330;
	v1 =	vsel vm12, $0xBE800000, v1;
	v0 =	vsel vm8, $0x3FE80000, v0  }
0xe: {  	s2 =	rddreg [dreg:$0x1];
	s1 =	simm.s32 $0x0;
	vm14 =	vcmask $0x3734;
	v1 =	vsel vm11, $0x0, v1;
	v0 =	vsel vm9, $0x3FF00000, v0  }
0xf: {  	vm13 =	vcmask $0x3B38;
	[smem:$0x7FF] =	sst s1;
	v1 =	vsel vm7, $0x3E800000, v1;
	v0 =	vsel vm14, $0x3FF80000, v0  }
0x10: {  	s3 =	rddreg [dreg:$0x2];
	_ =	strace $0x80000047;
	v1 =	vsel vm6, $0xBE800000, v1;
	v0 =	vsel vm13, $0x40000000, v0  }
0x11: {  	v40 =	vsel vm5, $0xBE000000, v1;
	(erf) = vrcp.f32 v0  }
0x12: {  	v0 =	vsel vm2, $0x0, v40  }
0x13: {  	v0 =	vsel vm3, $0x3E000000, v0  }
0x14: {  	v0 =	vsel vm0, $0x3E800000, v0  }
0x15: {  	v0 =	vsel vm1, $0x3EC00000, v0  }
0x16: {  	v0 =	vsel vm4, $0xBE800000, v0  }
0x17: {  	v0 =	vsel vm8, $0xBE400000, v0  }
0x18: {  	v0 =	vsel vm9, $0xBE000000, v0  }
0x19: {  	v0 =	vsel vm14, $0xBD800000, v0  }
0x1a: {  	v0 =	vsel vm13, $0x0, v0;
	v41 =	vpop (erf)  }
0x1b: {  	v1 =	vmul.f32 v0, v41;
	_ =	sdelay $0x1  }
0x1c: {  	v3 =	vimm.f32 $1.953125000e-03;
	v2 =	vmul.f32 v1, v1  }
0x1d: {  	v3 =	vsel vm10, $0x0, v3  }
0x1e: {  	v3 =	vsel vm12, $0x3D000000, v3;
	v4 =	vmul.f32 v2, v2  }
0x1f: {  	vm15 =	vcmask $0x130C;
	v3 =	vsel vm11, $0x0, v3  }
0x20: {  	v6 =	vimm.f32 $-1.953125000e-03;
	v3 =	vsel vm15, $0x3D000000, v3;
	v5 =	vmul.f32 $2.427907880e-01, v4  }
0x21: {  	v6 =	vsel vm10, $0x80000000, v6;
	v3 =	vsel vm5, $0x3C000000, v3;
	v7 =	vmul.f32 $2.849878670e-01, v4  }
0x22: {  	v6 =	vsel vm12, $0xBD000000, v6;
	v3 =	vsel vm2, $0x0, v3;
	v5 =	vadd.f32 $4.000097220e-01, v5  }
0x23: {  	v6 =	vsel vm11, $0x80000000, v6;
	v3 =	vsel vm3, $0x3C000000, v3;
	v7 =	vadd.f32 $6.666666270e-01, v7  }
0x24: {  	v3 =	vsel vm0, $0x3D000000, v3;
	v4 =	vmul.f32 v5, v4;
	v5 =	vsel vm15, $0xBD000000, v6  }
0x25: {  	v3 =	vsel vm1, $0x3D900000, v3;
	v2 =	vmul.f32 v7, v2;
	v5 =	vsel vm5, $0xBC000000, v5  }
0x26: {  	v3 =	vsel vm4, $0x3D000000, v3;
	v5 =	vsel vm2, $0x80000000, v5  }
0x27: {  	v3 =	vsel vm8, $0x3C900000, v3;
	v2 =	vadd.f32 v4, v2;
	v4 =	vsel vm3, $0xBC000000, v5  }
0x28: {  	v3 =	vsel vm9, $0x3C000000, v3;
	v5 =	vimm.f32 $2.031250000e+00;
	v4 =	vsel vm0, $0xBD000000, v4  }
0x29: {  	v3 =	vsel vm13, $0x0, v3;
	v5 =	vsel vm10, $0x40080000, v5;
	v4 =	vsel vm1, $0xBD900000, v4  }
0x2a: {  	v2 =	vadd.f32 v3, v2;
	v3 =	vsel vm4, $0xBD000000, v4;
	v4 =	vsel vm12, $0x400C0000, v5  }
0x2b: {  	v3 =	vsel vm8, $0xBC900000, v3;
	v4 =	vsel vm11, $0x40100000, v4  }
0x2c: {  	v42 =	vsel vm9, $0xBC000000, v3;
	v3 =	vsel vm7, $0x40140000, v4  }
0x2d: {  	v1 =	vmul.f32 v2, v1;
	v3 =	vsel vm6, $0x40180000, v3  }
0x2e: {  	v2 =	vsel vm13, $0x80000000, v42;
	v43 =	vsel vm5, $0x3FDC0000, v3  }
0x2f: {  	v1 =	vadd.f32 v2, v1;
	v2 =	vsel vm2, $0x3FE00000, v43  }
0x30: {  	v44 =	vimm.f32 $2.772588730e+00;
	v3 =	vimm.f32 $3.125000000e-02;
	v2 =	vsel vm3, $0x3FE40000, v2  }
0x31: {  	vm15 =	vcmask $0xF04;
	v3 =	vsel vm10, $0x3E000000, v3;
	v2 =	vsel vm0, $0x3FE80000, v2  }
0x32: {  	v0 =	vadd.f32 v0, v1;
	v1 =	vsel vm10, $0x3F317218, v44;
	v2 =	vsel vm1, $0x3FEC0000, v2  }
0x33: {  	v1 =	vsel vm15, $0x3FB17218, v1;
	vm15 =	vcmask $0x2710;
	v2 =	vsel vm4, $0x3FF00000, v2  }
0x34: {  	v3 =	vsel vm12, $0x3E400000, v3;
	v1 =	vsel vm15, $0x40051592, v1;
	v2 =	vsel vm8, $0x3FF40000, v2  }
0x35: {  	v46 =	vsel vm11, $0x3E800000, v3;
	v0 =	vadd.f32 v1, v0;
	v45 =	vsel vm9, $0x3FF80000, v2  }
0x36: {  	v2 =	vsel vm7, $0x3EA00000, v46;
	v1 =	vsel vm14, $0x3FFC0000, v45  }
0x37: {  	(erf) = vrcp.f32 v0;
	v48 =	vsel vm6, $0x3EC00000, v2;
	v47 =	vsel vm13, $0x40000000, v1  }
0x38: {  	v49 =	vsel vm5, $0xBE900000, v48;
	(erf) = vrcp.f32 v47  }
0x39: {  	v0 =	vsel vm2, $0xBE800000, v49  }
0x3a: {  	v0 =	vsel vm3, $0xBE600000, v0  }
0x3b: {  	v0 =	vsel vm0, $0xBE400000, v0  }
0x3c: {  	v0 =	vsel vm1, $0xBE200000, v0  }
0x3d: {  	v0 =	vsel vm4, $0xBE000000, v0  }
0x3e: {  	v0 =	vsel vm8, $0xBDC00000, v0  }
0x3f: {  	v50 =	vsel vm9, $0xBD800000, v0  }
0x40: {  	v51 =	vpop (erf);
	v1 =	vsel vm14, $0xBD000000, v50  }
0x41: {  	v1 =	vsel vm13, $0x0, v1;
	v52 =	vpop (erf)  }
0x42: {  	v2 =	vmul.f32 v1, v52;
	_ =	sdelay $0x1  }
0x43: {  	v4 =	vimm.f32 $4.882812500e-04;
	v3 =	vmul.f32 v2, v2  }
0x44: {  	v4 =	vsel vm10, $0x3C000000, v4  }
0x45: {  	v4 =	vsel vm12, $0x3C900000, v4;
	v5 =	vmul.f32 v3, v3  }
0x46: {  	v4 =	vsel vm11, $0x3D000000, v4  }
0x47: {  	v7 =	vimm.f32 $-4.882812500e-04;
	v4 =	vsel vm7, $0x3D480000, v4;
	v6 =	vmul.f32 $2.427907880e-01, v5  }
0x48: {  	v7 =	vsel vm10, $0xBC000000, v7;
	v4 =	vsel vm6, $0x3D900000, v4;
	v8 =	vmul.f32 $2.849878670e-01, v5  }
0x49: {  	v7 =	vsel vm12, $0xBC900000, v7;
	v4 =	vsel vm5, $0x3D220000, v4;
	v6 =	vadd.f32 $4.000097220e-01, v6  }
0x4a: {  	v7 =	vsel vm11, $0xBD000000, v7;
	v4 =	vsel vm2, $0x3D000000, v4;
	v8 =	vadd.f32 $6.666666270e-01, v8  }
0x4b: {  	v4 =	vsel vm3, $0x3CC40000, v4;
	v5 =	vmul.f32 v6, v5;
	v6 =	vsel vm7, $0xBD480000, v7  }
0x4c: {  	v4 =	vsel vm0, $0x3C900000, v4;
	v3 =	vmul.f32 v8, v3;
	v6 =	vsel vm6, $0xBD900000, v6  }
0x4d: {  	v4 =	vsel vm1, $0x3C480000, v4;
	v6 =	vsel vm5, $0xBD220000, v6  }
0x4e: {  	v4 =	vsel vm4, $0x3C000000, v4;
	v3 =	vadd.f32 v5, v3;
	v5 =	vsel vm2, $0xBD000000, v6  }
0x4f: {  	v4 =	vsel vm8, $0x3B900000, v4;
	v6 =	vimm.f32 $1.765625000e+00;
	v5 =	vsel vm3, $0xBCC40000, v5  }
0x50: {  	v4 =	vsel vm9, $0x3B000000, v4;
	v6 =	vsel vm10, $0x40040000, v6;
	v5 =	vsel vm0, $0xBC900000, v5  }
0x51: {  	v4 =	vsel vm13, $0x0, v4;
	v6 =	vsel vm12, $0x40060000, v6;
	v5 =	vsel vm1, $0xBC480000, v5  }
0x52: {  	v3 =	vadd.f32 v4, v3;
	v4 =	vsel vm4, $0xBC000000, v5;
	v5 =	vsel vm11, $0x40080000, v6  }
0x53: {  	v4 =	vsel vm8, $0xBB900000, v4;
	v5 =	vsel vm7, $0x400A0000, v5  }
0x54: {  	v2 =	vmul.f32 v3, v2;
	v3 =	vsel vm9, $0xBB000000, v4;
	v4 =	vsel vm6, $0x400C0000, v5  }
0x55: {  	v3 =	vsel vm13, $0x80000000, v3;
	v4 =	vsel vm5, $0x400E0000, v4  }
0x56: {  	v2 =	vadd.f32 v3, v2;
	v3 =	vsel vm2, $0x40100000, v4  }
0x57: {  	v3 =	vsel vm3, $0x40120000, v3  }
0x58: {  	vm15 =	vcmask $0x1300;
	v53 =	vsel vm0, $0x40140000, v3  }
0x59: {  	v1 =	vadd.f32 v1, v2;
	v3 =	vimm.f32 $-2.343750000e-01;
	v2 =	vsel vm1, $0x40160000, v53  }
0x5a: {  	v4 =	vimm.f32 $3.465735910e+00;
	v3 =	vsel vm10, $0x3D800000, v3;
	v2 =	vsel vm4, $0x40180000, v2  }
0x5b: {  	v4 =	vsel vm15, $0x40317218, v4;
	v3 =	vsel vm12, $0x3DC00000, v3;
	v2 =	vsel vm8, $0x401A0000, v2  }
0x5c: {  	v1 =	vadd.f32 v4, v1;
	v3 =	vsel vm11, $0x3E000000, v3;
	v2 =	vsel vm9, $0x3FDC0000, v2  }
0x5d: {  	v3 =	vsel vm7, $0x3E200000, v3;
	v2 =	vsel vm14, $0x3FDE0000, v2  }
0x5e: {  	(erf) = vrcp.f32 v1;
	v55 =	vsel vm6, $0x3E400000, v3;
	v54 =	vsel vm13, $0x3FE00000, v2  }
0x5f: {  	v56 =	vsel vm5, $0x3E600000, v55;
	(erf) = vrcp.f32 v54  }
0x60: {  	v1 =	vsel vm2, $0x3E800000, v56  }
0x61: {  	v1 =	vsel vm3, $0x3E900000, v1  }
0x62: {  	v1 =	vsel vm0, $0x3EA00000, v1  }
0x63: {  	v1 =	vsel vm1, $0x3EB00000, v1  }
0x64: {  	v1 =	vsel vm4, $0x3EC00000, v1  }
0x65: {  	v1 =	vsel vm8, $0x3ED00000, v1  }
0x66: {  	v57 =	vsel vm9, $0xBE900000, v1  }
0x67: {  	v58 =	vpop (erf);
	v2 =	vsel vm14, $0xBE880000, v57  }
0x68: {  	v2 =	vsel vm13, $0xBE800000, v2;
	v3 =	vpop (erf)  }
0x69: {  	v4 =	vimm.f32 $2.746582030e-02;
	v3 =	vmul.f32 v2, v3  }
0x6a: {  	v7 =	vimm.f32 $-2.746582030e-02;
	v4 =	vsel vm10, $0x3B000000, v4  }
0x6b: {  	v7 =	vsel vm10, $0xBB000000, v7;
	v4 =	vsel vm12, $0x3B900000, v4;
	v5 =	vmul.f32 v3, v3  }
0x6c: {  	v7 =	vsel vm12, $0xBB900000, v7;
	v4 =	vsel vm11, $0x3C000000, v4  }
0x6d: {  	v7 =	vsel vm11, $0xBC000000, v7;
	v4 =	vsel vm7, $0x3C480000, v4;
	v6 =	vmul.f32 v5, v5  }
0x6e: {  	v7 =	vsel vm7, $0xBC480000, v7;
	v4 =	vsel vm6, $0x3C900000, v4  }
0x6f: {  	v4 =	vsel vm5, $0x3CC40000, v4;
	v8 =	vmul.f32 $2.427907880e-01, v6;
	v9 =	vmul.f32 $2.849878670e-01, v6  }
0x70: {  	v7 =	vsel vm6, $0xBC900000, v7;
	v4 =	vsel vm2, $0x3D000000, v4  }
0x71: {  	v4 =	vsel vm3, $0x3D220000, v4;
	v8 =	vadd.f32 $4.000097220e-01, v8;
	v9 =	vadd.f32 $6.666666270e-01, v9  }
0x72: {  	v7 =	vsel vm5, $0xBCC40000, v7;
	v4 =	vsel vm0, $0x3D480000, v4  }
0x73: {  	v4 =	vsel vm1, $0x3D720000, v4;
	v6 =	vmul.f32 v8, v6;
	v5 =	vmul.f32 v9, v5  }
0x74: {  	v7 =	vsel vm2, $0xBD000000, v7;
	v4 =	vsel vm4, $0x3D900000, v4  }
0x75: {  	v4 =	vsel vm8, $0x3DA90000, v4;
	v5 =	vadd.f32 v6, v5;
	v6 =	vsel vm3, $0xBD220000, v7  }
0x76: {  	v4 =	vsel vm9, $0x3D220000, v4;
	v7 =	vimm.f32 $2.015625000e+00;
	v6 =	vsel vm0, $0xBD480000, v6  }
0x77: {  	v4 =	vsel vm14, $0x3D108000, v4;
	v7 =	vsel vm10, $0x3FE40000, v7;
	v6 =	vsel vm1, $0xBD720000, v6  }
0x78: {  	v4 =	vsel vm13, $0x3D000000, v4;
	v7 =	vsel vm12, $0x3FE60000, v7;
	v6 =	vsel vm4, $0xBD900000, v6  }
0x79: {  	v4 =	vadd.f32 v4, v5;
	v5 =	vsel vm8, $0xBDA90000, v6;
	v6 =	vsel vm11, $0x3FE80000, v7  }
0x7a: {  	v5 =	vsel vm9, $0xBD220000, v5;
	v6 =	vsel vm7, $0x3FEA0000, v6  }
0x7b: {  	v3 =	vmul.f32 v4, v3;
	v4 =	vsel vm14, $0xBD108000, v5;
	v5 =	vsel vm6, $0x3FEC0000, v6  }
0x7c: {  	v4 =	vsel vm13, $0xBD000000, v4;
	v5 =	vsel vm5, $0x3FEE0000, v5  }
0x7d: {  	v3 =	vadd.f32 v4, v3;
	v4 =	vsel vm2, $0x3FF00000, v5  }
0x7e: {  	v4 =	vsel vm3, $0x3FF20000, v4  }
0x7f: {  	v2 =	vadd.f32 v2, v3;
	v3 =	vsel vm0, $0x3FF40000, v4  }
0x80: {  	vm15 =	vcmask $0x2F00;
	v4 =	vimm.f32 $1.562500000e-02;
	v3 =	vsel vm1, $0x3FF60000, v3  }
0x81: {  	v5 =	vimm.f32 $4.158883090e+00;
	v4 =	vsel vm10, $0xBE600000, v4;
	v3 =	vsel vm4, $0x3FF80000, v3  }
0x82: {  	v5 =	vsel vm15, $0x405DCE9E, v5;
	v4 =	vsel vm12, $0xBE500000, v4;
	v3 =	vsel vm8, $0x3FFA0000, v3  }
0x83: {  	v2 =	vadd.f32 v5, v2;
	v4 =	vsel vm11, $0xBE400000, v4;
	v3 =	vsel vm9, $0x3FFC0000, v3  }
0x84: {  	v4 =	vsel vm7, $0xBE300000, v4;
	v3 =	vsel vm14, $0x3FFE0000, v3  }
0x85: {  	(erf) = vrcp.f32 v2;
	v59 =	vsel vm13, $0x40000000, v3;
	v3 =	vsel vm6, $0xBE200000, v4  }
0x86: {  	(erf) = vrcp.f32 v59;
	v60 =	vsel vm5, $0xBE100000, v3  }
0x87: {  	v2 =	vsel vm2, $0xBE000000, v60  }
0x88: {  	v2 =	vsel vm3, $0xBDE00000, v2  }
0x89: {  	v2 =	vsel vm0, $0xBDC00000, v2  }
0x8a: {  	v2 =	vsel vm1, $0xBDA00000, v2  }
0x8b: {  	v2 =	vsel vm4, $0xBD800000, v2  }
0x8c: {  	v2 =	vsel vm8, $0xBD400000, v2  }
0x8d: {  	v2 =	vsel vm9, $0xBD000000, v2  }
0x8e: {  	v3 =	vpop (erf);
	v2 =	vsel vm14, $0xBC800000, v2  }
0x8f: {  	v5 =	vimm.f32 $1.220703130e-04;
	v4 =	vpop (erf);
	v2 =	vsel vm13, $0x0, v2  }
0x90: {  	v8 =	vimm.f32 $-1.220703130e-04;
	v5 =	vsel vm10, $0x3CC40000, v5;
	v4 =	vmul.f32 v2, v4  }
0x91: {  	v8 =	vsel vm10, $0xBCC40000, v8;
	v5 =	vsel vm12, $0x3CA90000, v5  }
0x92: {  	v8 =	vsel vm12, $0xBCA90000, v8;
	v5 =	vsel vm11, $0x3C900000, v5;
	v6 =	vmul.f32 v4, v4  }
0x93: {  	v8 =	vsel vm11, $0xBC900000, v8;
	v5 =	vsel vm7, $0x3C720000, v5  }
0x94: {  	v8 =	vsel vm7, $0xBC720000, v8;
	v5 =	vsel vm6, $0x3C480000, v5;
	v7 =	vmul.f32 v6, v6  }
0x95: {  	v8 =	vsel vm6, $0xBC480000, v8;
	v5 =	vsel vm5, $0x3C220000, v5  }
0x96: {  	v5 =	vsel vm2, $0x3C000000, v5;
	v9 =	vmul.f32 $2.427907880e-01, v7;
	v10 =	vmul.f32 $2.849878670e-01, v7  }
0x97: {  	v8 =	vsel vm5, $0xBC220000, v8;
	v5 =	vsel vm3, $0x3BC40000, v5  }
0x98: {  	v5 =	vsel vm0, $0x3B900000, v5;
	v9 =	vadd.f32 $4.000097220e-01, v9;
	v10 =	vadd.f32 $6.666666270e-01, v10  }
0x99: {  	v8 =	vsel vm2, $0xBC000000, v8;
	v5 =	vsel vm1, $0x3B480000, v5  }
0x9a: {  	v5 =	vsel vm4, $0x3B000000, v5;
	v7 =	vmul.f32 v9, v7;
	v6 =	vmul.f32 v10, v6  }
0x9b: {  	v8 =	vsel vm3, $0xBBC40000, v8;
	v5 =	vsel vm8, $0x3A900000, v5  }
0x9c: {  	v5 =	vsel vm9, $0x3A000000, v5;
	v6 =	vadd.f32 v7, v6;
	v7 =	vsel vm0, $0xBB900000, v8  }
0x9d: {  	v5 =	vsel vm13, $0x0, v5;
	v7 =	vsel vm1, $0xBB480000, v7  }
0x9e: {  	v5 =	vadd.f32 v5, v6;
	v6 =	vsel vm4, $0xBB000000, v7  }
0x9f: {  	v6 =	vsel vm8, $0xBA900000, v6  }
0xa0: {  	v4 =	vmul.f32 v5, v4;
	v5 =	vsel vm9, $0xBA000000, v6  }
0xa1: {  	v5 =	vsel vm13, $0x80000000, v5  }
0xa2: {  	v4 =	vadd.f32 v5, v4;
	_ =	sdelay $0x1  }
0xa3: {  	v2 =	vadd.f32 v2, v4;
	_ =	sdelay $0x1  }
0xa4: {  	v2 =	vadd.f32 $4.158883090e+00, v2;
	_ =	sdelay $0x1  }
0xa5: {  	(erf) = vrcp.f32 v2;
	_ =	sdelay $0x3  }
0xa6: {  	s4 =	srdreg.scid;
	s5 =	stileid.u32;
	s8 =	simm.s32 $0x80  }
0xa7: {  	s9 =	simm.s32 $0x100;
	s4 =	sand.u32 $0x1, s4;
	s5 =	sshll.u32 s5, $0x1  }
0xa8: {  	s10 =	simm.s32 $0x300;
	s11 =	simm.s32 $0x180;
	s5 =	sor.u32 s4, s5  }
0xa9: {  	s4 =	ssub.s32 $0x2, s4;
	s6 =	sshll.u32 s5, $0x1;
	s5 =	sshll.u32 s5, $0x4;
	v0 =	vmul.f32 $6.931471820e-01, v51  }
.Ltmp0:
0xaa: {  	s7 =	sshrl.u32 s4, $0x1;
	s0 =	sadd.s32 s0, s5;
	v61 =	vmul.f32 $6.931471820e-01, v58;
	(pc) =	sbr.rel .LBB2_1-.Ltmp0, $4  }
0xab: {  	s3 =	sadd.s32 s6, s3;
	s29 =	sadd.s32 s2, s5;
	[dreg:$0x4] =	wrdreg s0;
	[tilespmem:$0x1FFC0] =	vst v0;
	v63 =	vmul.f32 $6.931471820e-01, v3;
	v62 =	vpop (erf)  }
0xac: {  	s4 =	ssub.s32 s4, s7;
	[dreg:$0x5] =	wrdreg s29;
	s30 =	sadd.s32 $0x600, s3;
	[tilespmem:$0x1FFD0] =	vst v61;
	v0 =	vmul.f32 $6.931471820e-01, v62  }
0xad: {  	s12 =	simm.s32 $0x200;
	s31 =	smax.u32 s4, $0x1;
	[dreg:$0x6] =	wrdreg s30;
	[tilespmem:$0x1FFE0] =	vst v63;
	v5 =	vimm.s32 $0x0;
	v4 =	vlaneseq.u32  }
0xae: {  	s2 =	simm.s32 $0x1;
	s3 =	simm.s32 $0x0;
	[dreg:$0x7] =	wrdreg s31;
	v6 =	vor.u32 $0x10, v4;
	v7 =	vor.u32 $0x20, v4;
	v8 =	vor.u32 $0x30, v4;
	[tilespmem:$0x1FFF0] =	vst v0  }
.LBB2_13:
0xaf: {  	[tilespmem:$0x380] =	vst v56;
	s0 =	rddreg [dreg:$0x6];
	s2 =	simm.s32 $0x380  }
0xb0: {  	[hbm4b:s0+s1] =	stream.linear.scatter [tilespmem:s2], [sflag:$0x1], $0x10, $0x38;
	[tilespmem:$0x400] =	vst v63  }
0xb1: {  	s2 =	simm.s32 $0x1  }
0xb2: {  	_ =	swait.ge [sflag:s2], $0x10  }
0xb3: {  	s3 =	rddreg [dreg:$0x8]  }
0xb4: {  	s31 =	rddreg [dreg:$0x7];
	s3 =	sadd.s32 $0x1, s3  }
0xb5: {  	p0 =	sne.s32 s3, s31  }
.Ltmp1:
0xb6: {  	_ = 	snop;
	(pc) =	sbr.rel @!p0 .LBB2_14-.Ltmp1, $3  }
0xb7: {  	_ =	sdelay $0x1  }
0xb8: {  	[sflag:s2] =	ssyncset.done $0x0  }
0xb9: {  	[sflag:s2] =	ssyncadd.s32 $0xFFFFFFF0  }
.LBB2_1:
0xba: {  	[dreg:$0x8] =	wrdreg s3  }
0xbb: {  	s0 =	rddreg [dreg:$0x4]  }
0xbc: {  	[tilespmem:s1], [sflag:$0x1] =	stream.linear.gather [hbm4b:s0+s1], $0x80, $0x38;
	[tilespmem:$0x400] =	vst v63  }
0xbd: {  	_ =	swait.ge [sflag:s2], $0x80  }
0xbe: {  	[sflag:s2] =	ssyncset.done $0x0  }
0xbf: {  	s31 =	rddreg [dreg:$0x5];
	[sflag:s2] =	ssyncadd.s32 $0xFFFFFF80  }
0xc0: {  	[tilespmem:s8], [sflag:$0x1] =	stream.linear.gather [hbm4b:s31+s1], $0x80, $0x38;
	[tilespmem:$0x400] =	vst v63  }
0xc1: {  	_ =	swait.ge [sflag:s2], $0x80  }
0xc2: {  	v0 =	vld [tilespmem:$0x1FFC0]  }
0xc3: {  	v61 =	vld [tilespmem:$0x1FFD0]  }
0xc4: {  	v62 =	vld [tilespmem:$0x1FFE0]  }
0xc5: {  	[sflag:s2] =	ssyncset.done $0x0;
	v63 =	vld [tilespmem:$0x1FFF0]  }
.Ltmp2:
0xc6: {  	[sflag:s2] =	ssyncadd.s32 $0xFFFFFF80;
	(pc) =	sbr.rel .LBB2_2-.Ltmp2, $4  }
0xc7: {  	[tilespmem:$0x100] =	vst v0  }
0xc8: {  	[tilespmem:$0x110] =	vst v61  }
0xc9: {  	[tilespmem:$0x120] =	vst v62  }
0xca: {  	p1 =	por $0x1, $0x1;
	v56 =	vimm.f32 $0.0e+00;
	s16 =	simm.s32 $0x0;
	[tilespmem:$0x130] =	vst v63  }
.LBB2_6:
0xcb: {  	v48 =	vimm.f32 $0.0e+00  }
0xcc: {  	v51 =	vimm.f32 $0.0e+00;
	v52 =	vimm.f32 $0.0e+00;
	v49 =	vimm.f32 $0.0e+00  }
.LBB2_11:
0xcd: {  	v0 =	vmul.f32 $1.442695020e+00, v0  }
0xce: {  	(erf) = vpow2.f32 v2  }
0xcf: {  	(erf) = vpow2.f32 v0;
	_ =	sdelay $0x2  }
0xd0: {  	v2 =	vadd.f32 @p1 $9.998325700e-01, v10;
	v0 =	vadd.f32 @p1 $9.998325700e-01, v9  }
0xd1: {  	v1 =	vmul.f32 @p1 v1, v44;
	v3 =	vmul.f32 @p1 v3, v45;
	v10 =	vsub.f32 v40, v28  }
0xd2: {  	v11 =	vmul.f32 v58, v53;
	v21 =	vmax.f32 @p1 v31, $0.0e+00;
	v0 =	vmul.f32 @p1 v0, v55  }
0xd3: {  	v35 =	vand.u32 @p1 $0x7FFFFFFF, v54;
	v29 =	vsub.f32 v40, v29;
	v1 =	vadd.f32 @p1 $9.998325700e-01, v1;
	v20 =	vpop (erf)  }
0xd4: {  	v2 =	vmul.f32 @p1 v2, v47;
	v3 =	vadd.f32 @p1 $1.693662630e-06, v3;
	v0 =	vadd.f32 @p1 $1.693662630e-06, v0;
	v22 =	vpop (erf)  }
0xd5: {  	v9 =	vmax.f32 @p1 v32, $0.0e+00;
	v28 =	vmul.f32 $1.702961140e-02, v20;
	v1 =	vmul.f32 @p1 v1, v44;
	v55 =	vpop (erf)  }
0xd6: {  	v3 =	vadd.f32 @p1 v3, v9;
	v9 =	vmul.f32 $1.702961140e-02, v22;
	v0 =	vadd.f32 @p1 v0, v57;
	v57 =	vpop (erf)  }
0xd7: {  	v28 =	vsub.f32 $8.152318000e-02, v28;
	v33 =	vmul.f32 $1.702961140e-02, v55;
	v34 =	vmul.f32 $1.702961140e-02, v57  }
0xd8: {  	v10 =	vmul.f32 v10, v46;
	v1 =	vadd.f32 @p1 $1.693662630e-06, v1;
	v9 =	vsub.f32 $8.152318000e-02, v9  }
0xd9: {  	v29 =	vmul.f32 v29, v42;
	v33 =	vsub.f32 $8.152318000e-02, v33;
	v34 =	vsub.f32 $8.152318000e-02, v34  }
0xda: {  	v30 =	vsub.f32 v40, v30;
	v28 =	vmul.f32 v28, v20;
	v9 =	vmul.f32 v9, v22  }
0xdb: {  	v1 =	vadd.f32 @p1 v1, v21;
	v21 =	vmul.f32 v33, v55;
	v58 =	vmul.f32 v34, v57  }
0xdc: {  	v30 =	vmul.f32 v30, v61;
	v28 =	vadd.f32 $-1.890195460e-01, v28;
	v9 =	vadd.f32 $-1.890195460e-01, v9  }
0xdd: {  	v61 =	vmax.f32 v39, $0.0e+00;
	v21 =	vadd.f32 $-1.890195460e-01, v21;
	v33 =	vadd.f32 $-1.890195460e-01, v58  }
0xde: {  	v11 =	vand.u32 $0x7FFFFFFF, v11;
	v28 =	vmul.f32 v28, v20;
	v9 =	vmul.f32 v9, v22  }
0xdf: {  	v2 =	vadd.f32 @p1 $1.693662630e-06, v2;
	v21 =	vmul.f32 v21, v55;
	v33 =	vmul.f32 v33, v57  }
0xe0: {  	v30 =	vand.u32 $0x7FFFFFFF, v30;
	v28 =	vadd.f32 $3.150412740e-01, v28;
	v9 =	vadd.f32 $3.150412740e-01, v9  }
0xe1: {  	v3 =	vmul.f32 @p1 v3, v62;
	v21 =	vadd.f32 $3.150412740e-01, v21;
	v33 =	vadd.f32 $3.150412740e-01, v33  }
0xe2: {  	v10 =	vand.u32 $0x7FFFFFFF, v10;
	v28 =	vmul.f32 v28, v20;
	v9 =	vmul.f32 v9, v22  }
0xe3: {  	v2 =	vadd.f32 @p1 v2, v60;
	v21 =	vmul.f32 v21, v55;
	v33 =	vmul.f32 v33, v57  }
0xe4: {  	v60 =	vmax.f32 v41, $0.0e+00;
	v28 =	vadd.f32 $-4.972033200e-01, v28;
	v9 =	vadd.f32 $-4.972033200e-01, v9  }
0xe5: {  	v2 =	vmul.f32 @p1 v2, v59;
	v21 =	vadd.f32 $-4.972033200e-01, v21;
	v33 =	vadd.f32 $-4.972033200e-01, v33  }
0xe6: {  	v3 =	vadd.f32 @p1 v3, v51;
	v28 =	vmul.f32 v28, v20;
	v9 =	vmul.f32 v9, v22  }
0xe7: {  	v2 =	vadd.f32 @p1 v2, v49;
	v21 =	vmul.f32 v21, v55;
	v33 =	vmul.f32 v33, v57  }
0xe8: {  	v0 =	vmul.f32 @p1 v0, v35;
	v28 =	vadd.f32 $9.998325700e-01, v28;
	v9 =	vadd.f32 $9.998325700e-01, v9  }
0xe9: {  	v1 =	vmul.f32 @p1 v1, v50;
	v21 =	vadd.f32 $9.998325700e-01, v21;
	v33 =	vadd.f32 $9.998325700e-01, v33  }
0xea: {  	v0 =	vadd.f32 @p1 v0, v48;
	v20 =	vmul.f32 v28, v20;
	v9 =	vmul.f32 v9, v22  }
0xeb: {  	v1 =	vadd.f32 @p1 v1, v52;
	v21 =	vmul.f32 v21, v55;
	v22 =	vmul.f32 v33, v57  }
0xec: {  	v62 =	vmax.f32 v38, $0.0e+00;
	v20 =	vadd.f32 $1.693662630e-06, v20;
	v9 =	vadd.f32 $1.693662630e-06, v9  }
0xed: {  	v28 =	vmax.f32 v37, $0.0e+00;
	v21 =	vadd.f32 $1.693662630e-06, v21;
	v22 =	vadd.f32 $1.693662630e-06, v22  }
0xee: {  	v3 =	vpsel p1, v3, v36;
	v20 =	vadd.f32 v20, v28;
	v9 =	vadd.f32 v9, v61  }
0xef: {  	v40 =	vld [tilespmem:$0x1FFA0];
	v2 =	vpsel p1, v2, v36;
	v21 =	vadd.f32 v21, v62;
	v22 =	vadd.f32 v22, v60  }
0xf0: {  	v39 =	vld [tilespmem:$0x1FFB0];
	v28 =	vand.u32 $0x7FFFFFFF, v29;
	v10 =	vmul.f32 v20, v10;
	v9 =	vmul.f32 v9, v11  }
0xf1: {  	v0 =	vpsel p1, v0, v36;
	v20 =	vmul.f32 v21, v30;
	v11 =	vmul.f32 v22, v28  }
0xf2: {  	v1 =	vpsel p1, v1, v36;
	v3 =	vadd.f32 v10, v3;
	v2 =	vadd.f32 v9, v2  }
0xf3: {  	v10 =	vadd.f32 v20, v1;
	v9 =	vadd.f32 v11, v0  }
0xf4: {  	v37 =	vmul.f32 v3, v40;
	v0 =	vmul.f32 v2, v23  }
0xf5: {  	v2 =	vmul.f32 v10, v63;
	v1 =	vmul.f32 v9, v39  }
.LBB2_12:
0xf6: {  	s6 =	sadd.f32 $0.0e+00, s26  }
0xf7: {  	s7 =	sadd.f32 $0.0e+00, s25  }
0xf8: {  	s6 =	sadd.f32 s31, s6  }
0xf9: {  	s7 =	sadd.f32 s28, s7  }
0xfa: {  	s3 =	sadd.f32 s3, s6  }
0xfb: {  	s28 =	sadd.f32 s14, s7  }
0xfc: {  	s3 =	sadd.f32 s5, s3  }
0xfd: {  	s28 =	sadd.f32 s4, s28  }
0xfe: {  	s31 =	ssub.f32 $6.400000000e+01, s3;
	_ =	sdelay $0x1  }
0xff: {  	p1 =	sgt.f32 s28, $0.0e+00;
	s25 =	smul.f32 s31, s3  }
0x100: {  	_ = 	snop  }
0x101: {  	s28 =	simm.s32 @!p1 $0x3F800000;
	s3 =	smax.f32 s25, $1.000000000e+00  }
0x102: {  	s0 =	smax.f32 s0, s29;
	s3 =	smul.f32 s28, s3  }
0x103: {  	s0 =	smax.f32 s0, s30  }
0x104: {  	s26 =	smax.f32 s0, s2;
	v3 =	vmov s3  }
0x105: {  	v9 =	vmov s26;
	v3 =	vadd.f32 $0.0e+00, v3  }
0x106: {  	v10 =	vsub.f32 v15, v9  }
0x107: {  	v3 =	vbroadcast v3, $0x0  }
0x108: {  	v11 =	vsub.f32 v14, v9;
	v10 =	vmul.f32 $1.442695020e+00, v10  }
0x109: {  	(erf) = vrcp.f32 v3  }
0x10a: {  	v3 =	vmul.f32 $1.442695020e+00, v11;
	(erf) = vpow2.f32 v10;
	v10 =	vsub.f32 v13, v9;
	_ =	sdelay $0x1  }
0x10b: {  	v9 =	vsub.f32 v12, v9;
	(erf) = vpow2.f32 v3;
	v3 =	vmul.f32 $1.442695020e+00, v10;
	_ =	sdelay $0x1  }
0x10c: {  	(erf) = vpow2.f32 v3;
	v3 =	vmul.f32 $1.442695020e+00, v9;
	_ =	sdelay $0x1  }
0x10d: {  	(xrf2) =	vadd.scan.msk.f32 $0xffff, v37;
	(erf) = vpow2.f32 v3  }
0x10e: {  	(xrf2) =	vadd.scan.msk.f32 $0xffff, v0  }
0x10f: {  	(xrf2) =	vadd.scan.msk.f32 $0xffff, v1;
	v28 =	vpop (erf)  }
0x110: {  	(xrf2) =	vadd.scan.msk.f32 $0xffff, v2;
	v29 =	vpop (erf)  }
0x111: {  	(xrf2) =	vadd.scan.msk.f32 $0xffff, v29  }
0x112: {  	v30 =	vpop (erf)  }
0x113: {  	(xrf2) =	vadd.scan.msk.f32 $0xffff, v30  }
0x114: {  	v31 =	vpop (erf)  }
0x115: {  	(xrf2) =	vadd.scan.msk.f32 $0xffff, v31  }
0x116: {  	v3 =	vpop (erf)  }
0x117: {  	v9, _, _ =	vpop (xrf2);
	(xrf2) =	vadd.scan.msk.f32 $0xffff, v3  }
0x118: {  	(v2sf) =	vpush v9, $0xF;
	v9, _, _ =	vpop (xrf2)  }
0x119: {  	(v2sf) =	vpush v9, $0xF;
	v9, _, _ =	vpop (xrf2)  }
0x11a: {  	(v2sf) =	vpush v9, $0xF;
	v9, _, _ =	vpop (xrf2)  }
0x11b: {  	(v2sf) =	vpush v9, $0xF;
	v9, _, _ =	vpop (xrf2)  }
0x11c: {  	(v2sf) =	vpush v9, $0xF  }
0x11d: {  	v9, _, _ =	vpop (xrf2)  }
0x11e: {  	(v2sf) =	vpush v9, $0xF  }
0x11f: {  	s2 =	simm.s32 $0x280;
	v9, _, _ =	vpop (xrf2)  }
0x120: {  	[tilespmem:v24+s2+$0x0] =	vst.idx.msk $0xffff, v29;
	(v2sf) =	vpush v9, $0xF  }
0x121: {  	[tilespmem:v25+s2+$0x0] =	vst.idx.msk $0xffff, v30;
	v32, _, _ =	vpop (xrf2)  }
0x122: {  	[tilespmem:v26+s2+$0x0] =	vst.idx.msk $0xffff, v31;
	(v2sf) =	vpush v32, $0xF  }
0x123: {  	[tilespmem:v27+s2+$0x0] =	vst.idx.msk $0xffff, v3  }
0x124: {  	v33 =	vld [tilespmem:$0x280];
	_ =	sdelay $0x2  }
0x125: {  	s0 =	spop (v2sf)  }
0x126: {  	s31 =	spop (v2sf)  }
0x127: {  	s30 =	spop (v2sf);
	(xrf2) =	vadd.scan.msk.f32 $0xffff, v33  }
0x128: {  	s29 =	spop (v2sf)  }
0x129: {  	s3 =	spop (v2sf)  }
0x12a: {  	s2 =	sadd.f32 $0.0e+00, s3  }
0x12b: {  	s4 =	spop (v2sf)  }
0x12c: {  	s2 =	sadd.f32 s2, s4  }
0x12d: {  	s5 =	spop (v2sf)  }
0x12e: {  	s2 =	sadd.f32 s2, s5  }
0x12f: {  	s6 =	spop (v2sf)  }
0x130: {  	s13 =	sadd.f32 s2, s6  }
0x131: {  	v34, _, _ =	vpop (xrf2)  }
0x132: {  	v35 =	vsub.f32 s13, v34;
	_ =	sdelay $0x1  }
0x133: {  	v0 =	vadd.f32 v35, v33;
	_ =	sdelay $0x1  }
0x134: {  	v0 =	vadd.f32 $1.000000010e-10, v0;
	_ =	sdelay $0x1  }
0x135: {  	v0 =	vadd.s32 $0x4AFB0D, v0  }
0x136: {  	v36 =	vand.u32 $0x7FFFFF, v0  }
0x137: {  	v2 =	vadd.s32 $0x3F3504F3, v36  }
0x138: {  	v2 =	vadd.f32 $-1.000000000e+00, v2;
	_ =	sdelay $0x1  }
0x139: {  	v3 =	vadd.f32 $2.000000000e+00, v2;
	_ =	sdelay $0x1  }
0x13a: {  	(erf) = vrcp.f32 v3;
	_ =	sdelay $0x8  }
0x13b: {  	v3 =	vpop (erf)  }
0x13c: {  	v3 =	vmul.f32 v3, v2;
	_ =	sdelay $0x1  }
0x13d: {  	v9 =	vmul.f32 v3, v3;
	_ =	sdelay $0x1  }
0x13e: {  	v10 =	vmul.f32 v9, v9;
	_ =	sdelay $0x1  }
0x13f: {  	v11 =	vmul.f32 $2.427907880e-01, v10  }
0x140: {  	v20 =	vmul.f32 $2.849878670e-01, v10  }
0x141: {  	v11 =	vadd.f32 $4.000097220e-01, v11  }
0x142: {  	v20 =	vadd.f32 $6.666666270e-01, v20  }
0x143: {  	v10 =	vmul.f32 v11, v10  }
0x144: {  	v9 =	vmul.f32 v20, v9;
	v11 =	vmul.f32 $5.000000000e-01, v2;
	_ =	sdelay $0x1  }
0x145: {  	v9 =	vadd.f32 v10, v9;
	v10 =	vmul.f32 v11, v2;
	_ =	sdelay $0x1  }
0x146: {  	v9 =	vadd.f32 v9, v10;
	_ =	sdelay $0x1  }
0x147: {  	v0 =	vshra.s32 v0, $0x17;
	v3 =	vmul.f32 v9, v3  }
0x148: {  	v0 =	vadd.s32 $0xFFFFFF81, v0  }
0x149: {  	v0 =	vcvt.s32.f32 v0;
	v3 =	vsub.f32 v3, v10;
	_ =	sdelay $0x1  }
0x14a: {  	v0 =	vmul.f32 $6.931471820e-01, v0;
	v2 =	vadd.f32 v3, v2;
	_ =	sdelay $0x1  }
0x14b: {  	v0 =	vadd.f32 v2, v0;
	_ =	sdelay $0x1  }
0x14c: {  	(xrf2) =	vadd.scan.msk.f32 $0xffff, v0;
	_ =	sdelay $0x9  }
0x14d: {  	v0, _, _ =	vpop (xrf2)  }
0x14e: {  	(v2sf) =	vpush v0, $0xF  }
0x14f: {  	(v2sf) =	vpush v34, $0xF;
	_ =	sdelay $0x3  }
0x150: {  	v37 =	vld [tilespmem:$0x290];
	_ =	sdelay $0x4  }
0x151: {  	(xrf2) =	vadd.scan.msk.f32 $0xffff, v37;
	_ =	sdelay $0x4  }
0x152: {  	s2 =	spop (v2sf)  }
0x153: {  	s7 =	spop (v2sf)  }
0x154: {  	s14 =	sadd.f32 $0.0e+00, s7;
	_ =	sdelay $0x1  }
0x155: {  	s3 =	ssub.f32 s13, s14  }
0x156: {  	v38, _, _ =	vpop (xrf2)  }
0x157: {  	v41 =	vsub.f32 s3, v38;
	_ =	sdelay $0x1  }
0x158: {  	v0 =	vadd.f32 v41, v37;
	_ =	sdelay $0x1  }
0x159: {  	v0 =	vadd.f32 $1.000000010e-10, v0;
	_ =	sdelay $0x1  }
0x15a: {  	v0 =	vadd.s32 $0x4AFB0D, v0  }
0x15b: {  	v42 =	vand.u32 $0x7FFFFF, v0  }
0x15c: {  	v2 =	vadd.s32 $0x3F3504F3, v42  }
0x15d: {  	v2 =	vadd.f32 $-1.000000000e+00, v2;
	_ =	sdelay $0x1  }
0x15e: {  	v3 =	vadd.f32 $2.000000000e+00, v2;
	_ =	sdelay $0x1  }
0x15f: {  	(erf) = vrcp.f32 v3;
	_ =	sdelay $0x8  }
0x160: {  	v3 =	vpop (erf)  }
0x161: {  	v3 =	vmul.f32 v3, v2;
	_ =	sdelay $0x1  }
0x162: {  	v9 =	vmul.f32 v3, v3;
	_ =	sdelay $0x1  }
0x163: {  	v10 =	vmul.f32 v9, v9;
	_ =	sdelay $0x1  }
0x164: {  	v11 =	vmul.f32 $2.427907880e-01, v10  }
0x165: {  	v43 =	vmul.f32 $2.849878670e-01, v10  }
0x166: {  	v11 =	vadd.f32 $4.000097220e-01, v11  }
0x167: {  	v20 =	vadd.f32 $6.666666270e-01, v43  }
0x168: {  	v10 =	vmul.f32 v11, v10  }
0x169: {  	v9 =	vmul.f32 v20, v9;
	v11 =	vmul.f32 $5.000000000e-01, v2;
	_ =	sdelay $0x1  }
0x16a: {  	v9 =	vadd.f32 v10, v9;
	v10 =	vmul.f32 v11, v2;
	_ =	sdelay $0x1  }
0x16b: {  	v9 =	vadd.f32 v9, v10;
	_ =	sdelay $0x1  }
0x16c: {  	v0 =	vshra.s32 v0, $0x17;
	v3 =	vmul.f32 v9, v3  }
0x16d: {  	v0 =	vadd.s32 $0xFFFFFF81, v0  }
0x16e: {  	v0 =	vcvt.s32.f32 v0;
	v3 =	vsub.f32 v3, v10;
	_ =	sdelay $0x1  }
0x16f: {  	v0 =	vmul.f32 $6.931471820e-01, v0;
	v2 =	vadd.f32 v3, v2;
	_ =	sdelay $0x1  }
0x170: {  	v0 =	vadd.f32 v2, v0;
	_ =	sdelay $0x1  }
0x171: {  	(xrf2) =	vadd.scan.msk.f32 $0xffff, v0;
	_ =	sdelay $0x9  }
0x172: {  	v0, _, _ =	vpop (xrf2)  }
0x173: {  	(v2sf) =	vpush v0, $0xF  }
0x174: {  	(v2sf) =	vpush v38, $0xF;
	_ =	sdelay $0x3  }
0x175: {  	v44 =	vld [tilespmem:$0x2A0];
	_ =	sdelay $0x4  }
0x176: {  	(xrf2) =	vadd.scan.msk.f32 $0xffff, v44;
	_ =	sdelay $0x4  }
0x177: {  	s3 =	spop (v2sf)  }
0x178: {  	s15 =	spop (v2sf)  }
0x179: {  	s5 =	sadd.f32 s15, s14;
	_ =	sdelay $0x1  }
0x17a: {  	s4 =	ssub.f32 s13, s5  }
0x17b: {  	v45, _, _ =	vpop (xrf2)  }
0x17c: {  	v46 =	vsub.f32 s4, v45;
	_ =	sdelay $0x1  }
0x17d: {  	v0 =	vadd.f32 v46, v44;
	_ =	sdelay $0x1  }
0x17e: {  	v0 =	vadd.f32 $1.000000010e-10, v0;
	_ =	sdelay $0x1  }
0x17f: {  	v0 =	vadd.s32 $0x4AFB0D, v0  }
0x180: {  	v47 =	vand.u32 $0x7FFFFF, v0  }
0x181: {  	v2 =	vadd.s32 $0x3F3504F3, v47  }
0x182: {  	v2 =	vadd.f32 $-1.000000000e+00, v2;
	_ =	sdelay $0x1  }
0x183: {  	v3 =	vadd.f32 $2.000000000e+00, v2;
	_ =	sdelay $0x1  }
0x184: {  	(erf) = vrcp.f32 v3;
	_ =	sdelay $0x8  }
0x185: {  	v3 =	vpop (erf)  }
0x186: {  	v3 =	vmul.f32 v3, v2;
	_ =	sdelay $0x1  }
0x187: {  	v9 =	vmul.f32 v3, v3;
	_ =	sdelay $0x1  }
0x188: {  	v10 =	vmul.f32 v9, v9;
	_ =	sdelay $0x1  }
0x189: {  	v11 =	vmul.f32 $2.427907880e-01, v10  }
0x18a: {  	v48 =	vmul.f32 $2.849878670e-01, v10  }
0x18b: {  	v11 =	vadd.f32 $4.000097220e-01, v11  }
0x18c: {  	v20 =	vadd.f32 $6.666666270e-01, v48  }
0x18d: {  	v10 =	vmul.f32 v11, v10  }
0x18e: {  	v9 =	vmul.f32 v20, v9;
	v11 =	vmul.f32 $5.000000000e-01, v2;
	_ =	sdelay $0x1  }
0x18f: {  	v9 =	vadd.f32 v10, v9;
	v10 =	vmul.f32 v11, v2;
	_ =	sdelay $0x1  }
0x190: {  	v9 =	vadd.f32 v9, v10;
	_ =	sdelay $0x1  }
0x191: {  	v0 =	vshra.s32 v0, $0x17;
	v3 =	vmul.f32 v9, v3  }
0x192: {  	v0 =	vadd.s32 $0xFFFFFF81, v0  }
0x193: {  	v0 =	vcvt.s32.f32 v0;
	v3 =	vsub.f32 v3, v10;
	_ =	sdelay $0x1  }
0x194: {  	v0 =	vmul.f32 $6.931471820e-01, v0;
	v2 =	vadd.f32 v3, v2;
	_ =	sdelay $0x1  }
0x195: {  	v0 =	vadd.f32 v2, v0;
	_ =	sdelay $0x1  }
0x196: {  	(xrf2) =	vadd.scan.msk.f32 $0xffff, v0;
	_ =	sdelay $0x9  }
0x197: {  	v0, _, _ =	vpop (xrf2)  }
0x198: {  	(v2sf) =	vpush v0, $0xF  }
0x199: {  	(v2sf) =	vpush v45, $0xF;
	_ =	sdelay $0x3  }
0x19a: {  	v49 =	vld [tilespmem:$0x2B0];
	_ =	sdelay $0x4  }
0x19b: {  	(xrf2) =	vadd.scan.msk.f32 $0xffff, v49;
	_ =	sdelay $0x4  }
0x19c: {  	s4 =	spop (v2sf)  }
0x19d: {  	s17 =	spop (v2sf)  }
0x19e: {  	s5 =	sadd.f32 s17, s5;
	_ =	sdelay $0x1  }
0x19f: {  	s5 =	ssub.f32 s13, s5  }
0x1a0: {  	v50, _, _ =	vpop (xrf2)  }
0x1a1: {  	v1 =	vsub.f32 s5, v50;
	_ =	sdelay $0x1  }
0x1a2: {  	v0 =	vadd.f32 v1, v49;
	_ =	sdelay $0x1  }
0x1a3: {  	v0 =	vadd.f32 $1.000000010e-10, v0;
	_ =	sdelay $0x1  }
0x1a4: {  	v0 =	vadd.s32 $0x4AFB0D, v0  }
0x1a5: {  	v51 =	vand.u32 $0x7FFFFF, v0  }
0x1a6: {  	v1 =	vadd.s32 $0x3F3504F3, v51  }
0x1a7: {  	v1 =	vadd.f32 $-1.000000000e+00, v1;
	_ =	sdelay $0x1  }
0x1a8: {  	v52 =	vadd.f32 $2.000000000e+00, v1;
	_ =	sdelay $0x1  }
0x1a9: {  	(erf) = vrcp.f32 v52;
	_ =	sdelay $0x8  }
0x1aa: {  	v2 =	vpop (erf)  }
0x1ab: {  	v2 =	vmul.f32 v2, v1;
	_ =	sdelay $0x1  }
0x1ac: {  	v3 =	vmul.f32 v2, v2;
	_ =	sdelay $0x1  }
0x1ad: {  	v9 =	vmul.f32 v3, v3;
	_ =	sdelay $0x1  }
0x1ae: {  	v10 =	vmul.f32 $2.427907880e-01, v9  }
0x1af: {  	v11 =	vmul.f32 $2.849878670e-01, v9  }
0x1b0: {  	v10 =	vadd.f32 $4.000097220e-01, v10  }
0x1b1: {  	v11 =	vadd.f32 $6.666666270e-01, v11  }
0x1b2: {  	v9 =	vmul.f32 v10, v9  }
0x1b3: {  	v3 =	vmul.f32 v11, v3;
	v10 =	vmul.f32 $5.000000000e-01, v1;
	_ =	sdelay $0x1  }
0x1b4: {  	v3 =	vadd.f32 v9, v3;
	v9 =	vmul.f32 v10, v1;
	_ =	sdelay $0x1  }
0x1b5: {  	v3 =	vadd.f32 v3, v9;
	_ =	sdelay $0x1  }
0x1b6: {  	v0 =	vshra.s32 v0, $0x17;
	v2 =	vmul.f32 v3, v2  }
0x1b7: {  	v0 =	vadd.s32 $0xFFFFFF81, v0  }
0x1b8: {  	v0 =	vcvt.s32.f32 v0;
	v2 =	vsub.f32 v2, v9;
	_ =	sdelay $0x1  }
0x1b9: {  	v0 =	vmul.f32 $6.931471820e-01, v0;
	v1 =	vadd.f32 v2, v1;
	_ =	sdelay $0x1  }
0x1ba: {  	v0 =	vadd.f32 v1, v0;
	_ =	sdelay $0x1  }
0x1bb: {  	(xrf2) =	vadd.scan.msk.f32 $0xffff, v0;
	_ =	sdelay $0x3  }
0x1bc: {  	vm4 =	vgt.f32 v19, $0.0e+00;
	v3 =	vimm.f32 $0.0e+00  }
0x1bd: {  	(xrf0) =	vmax.scan.msk.f32 $0xffff, v19;
	v53 =	vsel vm4, $0x3F800000, v3  }
0x1be: {  	vm13 =	vgt.f32 v18, $0.0e+00;
	(xrf0) =	vmax.scan.msk.f32 $0xffff, v53  }
0x1bf: {  	v54 =	vsel vm13, $0x3F800000, v3;
	(xrf0) =	vmax.scan.msk.f32 $0xffff, v18  }
0x1c0: {  	vm14 =	vgt.f32 v17, $0.0e+00;
	(xrf0) =	vmax.scan.msk.f32 $0xffff, v54  }
0x1c1: {  	v55 =	vsel vm14, $0x3F800000, v3;
	(xrf0) =	vmax.scan.msk.f32 $0xffff, v17  }
0x1c2: {  	(xrf0) =	vmax.scan.msk.f32 $0xffff, v55;
	v57, _, _ =	vpop (xrf2)  }
0x1c3: {  	v58, _, _ =	vpop (xrf0);
	(xrf0) =	vmax.scan.msk.f32 $0xffff, v16;
	(v2sf) =	vpush v57, $0xF  }
0x1c4: {  	v59, _, _ =	vpop (xrf0);
	(v2sf) =	vpush v58, $0xF  }
0x1c5: {  	v60, _, _ =	vpop (xrf0);
	(v2sf) =	vpush v59, $0xF  }
0x1c6: {  	v61, _, _ =	vpop (xrf0);
	(v2sf) =	vpush v60, $0xF  }
0x1c7: {  	v62, _, _ =	vpop (xrf0);
	(v2sf) =	vpush v61, $0xF  }
0x1c8: {  	v20, _, _ =	vpop (xrf0);
	(v2sf) =	vpush v62, $0xF  }
0x1c9: {  	v21, _, _ =	vpop (xrf0);
	(v2sf) =	vpush v20, $0xF  }
0x1ca: {  	(v2sf) =	vpush v21, $0xF;
	_ =	sdelay $0x7  }
0x1cb: {  	s7 =	spop (v2sf)  }
0x1cc: {  	s18 =	spop (v2sf)  }
0x1cd: {  	s14 =	spop (v2sf)  }
0x1ce: {  	s15 =	spop (v2sf)  }
0x1cf: {  	s6 =	spop (v2sf)  }
0x1d0: {  	s17 =	spop (v2sf)  }
0x1d1: {  	s15 =	smax.f32 s18, s15;
	s5 =	spop (v2sf)  }
0x1d2: {  	s15 =	smax.f32 s15, s17;
	s19 =	spop (v2sf)  }
0x1d3: {  	s17 =	smax.f32 s15, s19  }
0x1d4: {  	v22 =	vmov s17  }
0x1d5: {  	v24 =	vsub.f32 v19, v22;
	_ =	sdelay $0x1  }
0x1d6: {  	v25 =	vsub.f32 v18, v22;
	v1 =	vmul.f32 $1.442695020e+00, v24;
	_ =	sdelay $0x1  }
0x1d7: {  	v27 =	vsub.f32 v17, v22;
	v26 =	vmul.f32 $1.442695020e+00, v25;
	(erf) = vpow2.f32 v1;
	_ =	sdelay $0x1  }
0x1d8: {  	v0 =	vsub.f32 v16, v22;
	v29 =	vmul.f32 $1.442695020e+00, v27;
	(erf) = vpow2.f32 v26;
	_ =	sdelay $0x1  }
0x1d9: {  	v0 =	vmul.f32 $1.442695020e+00, v0;
	(erf) = vpow2.f32 v29;
	_ =	sdelay $0x1  }
0x1da: {  	(erf) = vpow2.f32 v0;
	_ =	sdelay $0x2  }
0x1db: {  	v27 =	vpop (erf)  }
0x1dc: {  	(xrf2) =	vadd.scan.msk.f32 $0xffff, v27  }
0x1dd: {  	vm15 =	vgt.f32 v16, $0.0e+00;
	v26 =	vpop (erf)  }
0x1de: {  	v30 =	vsel vm15, $0x3F800000, v3;
	(xrf2) =	vadd.scan.msk.f32 $0xffff, v26  }
0x1df: {  	(xrf0) =	vmax.scan.msk.f32 $0xffff, v30;
	v25 =	vpop (erf)  }
0x1e0: {  	(xrf2) =	vadd.scan.msk.f32 $0xffff, v25  }
0x1e1: {  	v24 =	vpop (erf)  }
0x1e2: {  	(xrf2) =	vadd.scan.msk.f32 $0xffff, v24;
	_ =	sdelay $0x2  }
0x1e3: {  	v0, _, _ =	vpop (xrf0)  }
0x1e4: {  	(v2sf) =	vpush v0, $0xF;
	v31, _, _ =	vpop (xrf2)  }
0x1e5: {  	(v2sf) =	vpush v31, $0xF  }
0x1e6: {  	v32, _, _ =	vpop (xrf2)  }
0x1e7: {  	(v2sf) =	vpush v32, $0xF  }
0x1e8: {  	v33, _, _ =	vpop (xrf2)  }
0x1e9: {  	(v2sf) =	vpush v33, $0xF  }
0x1ea: {  	v34, _, _ =	vpop (xrf2)  }
0x1eb: {  	(v2sf) =	vpush v34, $0xF;
	_ =	sdelay $0x7  }
0x1ec: {  	s15 =	spop (v2sf)  }
0x1ed: {  	s18 =	spop (v2sf)  }
0x1ee: {  	s18 =	sadd.f32 $0.0e+00, s18  }
0x1ef: {  	s19 =	spop (v2sf)  }
0x1f0: {  	s18 =	sadd.f32 s18, s19  }
0x1f1: {  	s19 =	spop (v2sf)  }
0x1f2: {  	s18 =	sadd.f32 s18, s19  }
0x1f3: {  	s19 =	spop (v2sf)  }
0x1f4: {  	s18 =	sadd.f32 s18, s19  }
0x1f5: {  	v35 =	vmov s13  }
0x1f6: {  	v0 =	vadd.s32 $0x4AFB0D, v35;
	v36 =	vmov s18  }
0x1f7: {  	v37 =	vand.u32 $0x7FFFFF, v0;
	v3 =	vadd.s32 $0x4AFB0D, v36  }
0x1f8: {  	v2 =	vadd.s32 $0x3F3504F3, v37;
	v9 =	vand.u32 $0x7FFFFF, v3  }
0x1f9: {  	v2 =	vadd.f32 $-1.000000000e+00, v2;
	v9 =	vadd.s32 $0x3F3504F3, v9  }
0x1fa: {  	v9 =	vadd.f32 $-1.000000000e+00, v9  }
0x1fb: {  	v10 =	vadd.f32 $2.000000000e+00, v2  }
0x1fc: {  	v38 =	vsub.f32 $0.0e+00, v15;
	v11 =	vadd.f32 $2.000000000e+00, v9  }
0x1fd: {  	(erf) = vrcp.f32 v10  }
0x1fe: {  	v10 =	vmul.f32 $1.442695020e+00, v38;
	(erf) = vrcp.f32 v11  }
0x1ff: {  	(erf) = vrcp.f32 v36  }
0x200: {  	(erf) = vpow2.f32 v10;
	_ =	sdelay $0x5  }
0x201: {  	v41 =	vpop (erf)  }
0x202: {  	v10 =	vpop (erf)  }
0x203: {  	v22 =	vsub.f32 $0.0e+00, v14;
	v29 =	vand.u32 $0x7FFFFFFF, v15;
	v11 =	vpop (erf)  }
0x204: {  	v21 =	vsub.f32 $0.0e+00, v29;
	v42 =	vpop (erf)  }
0x205: {  	v43 =	vmul.f32 $1.442695020e+00, v22;
	v20 =	vadd.f32 $1.000000000e+00, v42  }
0x206: {  	v21 =	vmul.f32 $1.442695020e+00, v21;
	v1 =	vmul.f32 v41, v2  }
0x207: {  	v10 =	vmul.f32 v10, v9;
	(erf) = vrcp.f32 v20  }
0x208: {  	v44 =	vmul.f32 v1, v1;
	(erf) = vpow2.f32 v21  }
0x209: {  	v46 =	vmul.f32 v10, v10;
	(erf) = vpow2.f32 v43;
	_ =	sdelay $0x1  }
0x20a: {  	v45 =	vmul.f32 v44, v44;
	v31 =	vmul.f32 v46, v46;
	_ =	sdelay $0x1  }
0x20b: {  	v30 =	vmul.f32 $2.427907880e-01, v45;
	v33 =	vmul.f32 $2.427907880e-01, v31  }
0x20c: {  	v32 =	vmul.f32 $2.849878670e-01, v45  }
0x20d: {  	v53 =	vsub.f32 $0.0e+00, v13;
	v30 =	vadd.f32 $4.000097220e-01, v30  }
0x20e: {  	v32 =	vadd.f32 $6.666666270e-01, v32;
	v36 =	vand.u32 $0x7FFFFFFF, v14;
	v34 =	vmul.f32 $2.849878670e-01, v31;
	v35 =	vpop (erf)  }
0x20f: {  	v52 =	vmul.f32 $5.000000000e-01, v2;
	v51 =	vsub.f32 $0.0e+00, v36;
	v47 =	vadd.f32 $4.000097220e-01, v33;
	v33 =	vpop (erf)  }
0x210: {  	v22 =	vmul.f32 v32, v44;
	v57 =	vmul.f32 $5.000000000e-01, v9;
	v48 =	vadd.f32 $6.666666270e-01, v34;
	v49 =	vpop (erf)  }
0x211: {  	v54 =	vmul.f32 $1.442695020e+00, v51;
	v20 =	vmul.f32 v30, v45;
	v50 =	vadd.f32 $1.000000000e+00, v49  }
0x212: {  	v30 =	vmul.f32 v47, v31;
	v21 =	vmul.f32 v48, v46  }
0x213: {  	v32 =	vmul.f32 $1.442695020e+00, v53;
	(erf) = vrcp.f32 v50  }
0x214: {  	v58 =	vmul.f32 v57, v9;
	v21 =	vadd.f32 v30, v21;
	(erf) = vpow2.f32 v54  }
0x215: {  	(erf) = vpow2.f32 v32  }
0x216: {  	v55 =	vmul.f32 v52, v2;
	v20 =	vadd.f32 v20, v22;
	v59 =	vadd.f32 v21, v58;
	_ =	sdelay $0x1  }
0x217: {  	v20 =	vadd.f32 v20, v55;
	v10 =	vmul.f32 v59, v10;
	_ =	sdelay $0x1  }
0x218: {  	v0 =	vshra.s32 v0, $0x17;
	v3 =	vshra.s32 v3, $0x17;
	v1 =	vmul.f32 v20, v1  }
0x219: {  	v0 =	vadd.s32 $0xFFFFFF81, v0;
	v60 =	vadd.s32 $0xFFFFFF81, v3  }
0x21a: {  	v20 =	vand.u32 $0x7FFFFFFF, v13;
	v1 =	vsub.f32 v1, v55;
	v3 =	vsub.f32 v10, v58;
	v10 =	vpop (erf)  }
0x21b: {  	v0 =	vcvt.s32.f32 v0;
	v62 =	vsub.f32 $0.0e+00, v20;
	v61 =	vpop (erf)  }
0x21c: {  	v1 =	vadd.f32 v1, v2;
	v2 =	vcvt.s32.f32 v60;
	v3 =	vadd.f32 v3, v9;
	v9 =	vpop (erf)  }
0x21d: {  	v0 =	vmul.f32 $6.931471820e-01, v0;
	v30 =	vsub.f32 $0.0e+00, v12;
	v9 =	vadd.f32 $1.000000000e+00, v9  }
0x21e: {  	v21 =	vmul.f32 $1.442695020e+00, v62;
	v2 =	vmul.f32 $6.931471820e-01, v2  }
0x21f: {  	(erf) = vrcp.f32 v9;
	v9 =	vmul.f32 $1.442695020e+00, v30  }
0x220: {  	v0 =	vadd.f32 v1, v0;
	(erf) = vpow2.f32 v21  }
0x221: {  	v2 =	vadd.f32 v3, v2;
	v3 =	vmul.f32 $1.702961140e-02, v33;
	(erf) = vpow2.f32 v9;
	_ =	sdelay $0x1  }
0x222: {  	v0 =	vadd.f32 s26, v0;
	v3 =	vsub.f32 $8.152318000e-02, v3  }
0x223: {  	v23 =	vmul.f32 v23, v14;
	v2 =	vadd.f32 s17, v2;
	v32 =	vmul.f32 $1.702961140e-02, v61  }
0x224: {  	v53 =	vmul.f32 v40, v15;
	v38 =	vsub.f32 v14, v0;
	v3 =	vmul.f32 v3, v33  }
0x225: {  	v40 =	vmul.f32 v39, v13;
	v9 =	vsub.f32 v19, v2;
	v19 =	vsub.f32 $8.152318000e-02, v32  }
0x226: {  	v26 =	vmul.f32 v11, v26;
	v37 =	vsub.f32 v18, v2;
	v3 =	vadd.f32 $-1.890195460e-01, v3  }
0x227: {  	v34 =	vmul.f32 v11, v27;
	v19 =	vmul.f32 v19, v61;
	v41 =	vpop (erf)  }
0x228: {  	v27 =	vand.u32 $0x7FFFFFFF, v12;
	v18 =	vsub.f32 v37, v38;
	v3 =	vmul.f32 v3, v33;
	v43 =	vpop (erf)  }
0x229: {  	v45 =	vsub.f32 $0.0e+00, v27;
	v48 =	vmul.f32 v11, v25;
	v19 =	vadd.f32 $-1.890195460e-01, v19;
	v44 =	vpop (erf)  }
0x22a: {  	v18 =	vmul.f32 v18, v26;
	v3 =	vadd.f32 $3.150412740e-01, v3;
	v26 =	vadd.f32 $1.000000000e+00, v44  }
0x22b: {  	v30 =	vmul.f32 $1.442695020e+00, v45;
	v19 =	vmul.f32 v19, v61  }
0x22c: {  	v55 =	vsub.f32 $1.000000000e+00, v35;
	v3 =	vmul.f32 v3, v33;
	(erf) = vrcp.f32 v26  }
0x22d: {  	v19 =	vadd.f32 $3.150412740e-01, v19;
	v47 =	vmul.f32 $1.702961140e-02, v43;
	(erf) = vpow2.f32 v30  }
0x22e: {  	v11 =	vmul.f32 v11, v24;
	v46 =	vsub.f32 v13, v0;
	v3 =	vadd.f32 $-4.972033200e-01, v3  }
0x22f: {  	v42 =	vsub.f32 v17, v2;
	v19 =	vmul.f32 v19, v61;
	v49 =	vsub.f32 $8.152318000e-02, v47  }
0x230: {  	v62 =	vmax.f32 v14, $0.0e+00;
	v58 =	vsel vm0, v35, v55;
	v3 =	vmul.f32 v3, v33  }
0x231: {  	v17 =	vsub.f32 v42, v46;
	v51 =	vadd.f32 $-4.972033200e-01, v19;
	v52 =	vmul.f32 v49, v43  }
0x232: {  	v54 =	vxor.u32 $0x80000000, v29;
	v2 =	vsub.f32 v16, v2;
	v50 =	vadd.f32 $9.998325700e-01, v3  }
0x233: {  	v3 =	vmul.f32 v17, v48;
	v16 =	vmul.f32 v51, v61;
	v17 =	vadd.f32 $-1.890195460e-01, v52  }
0x234: {  	v29 =	vxor.u32 $0x80000000, v36;
	v31 =	vsub.f32 v15, v0;
	v0 =	vsub.f32 v12, v0  }
0x235: {  	v14 =	vsub.f32 v62, v23;
	v16 =	vadd.f32 $9.998325700e-01, v16;
	v17 =	vmul.f32 v17, v43;
	v57 =	vpop (erf)  }
0x236: {  	v38 =	vmax.f32 v13, $0.0e+00;
	v9 =	vsub.f32 v9, v31;
	v0 =	vsub.f32 v2, v0;
	v59 =	vpop (erf)  }
0x237: {  	v1 =	vmul.f32 v16, v61;
	v60 =	vadd.f32 $3.150412740e-01, v17;
	v61 =	vmul.f32 $1.702961140e-02, v59  }
0x238: {  	v32 =	vimm.f32 $7.500000000e-01;
	v31 =	vsub.f32 $1.000000000e+00, v10;
	v9 =	vmul.f32 v9, v34  }
0x239: {  	v0 =	vmul.f32 v0, v11;
	v16 =	vmul.f32 v60, v43;
	v17 =	vsub.f32 $8.152318000e-02, v61  }
0x23a: {  	v11 =	vmax.f32 v15, $0.0e+00;
	v15 =	vsub.f32 $1.000000000e+00, v58;
	v2 =	vmul.f32 v50, v33  }
0x23b: {  	v11 =	vsub.f32 v11, v53;
	v16 =	vadd.f32 $-4.972033200e-01, v16;
	v17 =	vmul.f32 v17, v59  }
0x23c: {  	v15 =	vmul.f32 v15, v15;
	v2 =	vadd.f32 $1.693662630e-06, v2;
	v19 =	vmax.f32 v54, $0.0e+00  }
0x23d: {  	v1 =	vadd.f32 $1.693662630e-06, v1;
	v16 =	vmul.f32 v16, v43;
	v17 =	vadd.f32 $-1.890195460e-01, v17  }
0x23e: {  	v33 =	vsel vm0, $0x3E800000, v32;
	v2 =	vadd.f32 v2, v19;
	v30 =	vmax.f32 v29, $0.0e+00  }
0x23f: {  	v1 =	vadd.f32 v1, v30;
	v34 =	vadd.f32 $9.998325700e-01, v16;
	v35 =	vmul.f32 v17, v59  }
0x240: {  	v37 =	vsub.f32 $1.000000000e+00, v41;
	v2 =	vadd.f32 v2, v11;
	v11 =	vmul.f32 v15, v33  }
0x241: {  	v1 =	vadd.f32 v1, v14;
	v14 =	vmul.f32 v34, v43;
	v15 =	vadd.f32 $3.150412740e-01, v35  }
0x242: {  	v20 =	vxor.u32 $0x80000000, v20;
	v13 =	vsub.f32 v38, v40;
	v10 =	vsel vm3, v10, v31  }
0x243: {  	(xrf2) =	vadd.scan.msk.f32 $0xffff, v9;
	v17 =	vsel vm2, v41, v37;
	v9 =	vadd.f32 $1.693662630e-06, v14;
	v15 =	vmul.f32 v15, v59  }
0x244: {  	v42 =	vmax.f32 v20, $0.0e+00;
	v10 =	vsub.f32 $1.000000000e+00, v10;
	v41 =	vsub.f32 $1.000000000e+00, v17  }
0x245: {  	v9 =	vadd.f32 v9, v42;
	v15 =	vadd.f32 $-4.972033200e-01, v15  }
0x246: {  	v36 =	vsel vm3, $0x3E800000, v32;
	v10 =	vmul.f32 v10, v10  }
0x247: {  	(xrf2) =	vadd.scan.msk.f32 $0xffff, v18;
	v14 =	vmul.f32 v41, v41;
	v43 =	vadd.f32 v9, v13;
	v9 =	vmul.f32 v15, v59  }
0x248: {  	(xrf2) =	vadd.scan.msk.f32 $0xffff, v3;
	v3 =	vsel vm2, $0x3E800000, v32;
	v10 =	vmul.f32 v10, v36  }
0x249: {  	v2 =	vmul.f32 v2, v11;
	v3 =	vmul.f32 v14, v3;
	v44 =	vadd.f32 $9.998325700e-01, v9  }
0x24a: {  	(xrf2) =	vadd.scan.msk.f32 $0xffff, v0;
	v45 =	vsub.f32 $1.000000000e+00, v57;
	v1 =	vmul.f32 v1, v10  }
0x24b: {  	(xrf2) =	vadd.scan.msk.f32 $0xffff, v2;
	v0 =	vmul.f32 v43, v3;
	v46 =	vmul.f32 v44, v59  }
0x24c: {  	v47 =	vmul.f32 v63, v12;
	v2 =	vsel vm1, v57, v45;
	(xrf2) =	vadd.scan.msk.f32 $0xffff, v1  }
0x24d: {  	v2 =	vsub.f32 $1.000000000e+00, v2;
	(xrf2) =	vadd.scan.msk.f32 $0xffff, v0;
	v3, _, _ =	vpop (xrf2);
	v9 =	vxor.u32 $0x80000000, v27;
	v0 =	vadd.f32 $1.693662630e-06, v46  }
0x24e: {  	(v2sf) =	vpush v3, $0xF;
	v3 =	vmax.f32 v12, $0.0e+00;
	v9 =	vmax.f32 v9, $0.0e+00  }
0x24f: {  	v2 =	vmul.f32 v2, v2;
	v1 =	vsub.f32 v3, v47;
	v0 =	vadd.f32 v0, v9  }
0x250: {  	v9 =	vsel vm1, $0x3E800000, v32  }
0x251: {  	v48 =	vmul.f32 v2, v9;
	v0 =	vadd.f32 v0, v1  }
0x252: {  	s0 =	sadd.f32 $0.0e+00, s0  }
0x253: {  	v0 =	vmul.f32 v0, v48  }
0x254: {  	s0 =	sadd.f32 s31, s0  }
0x255: {  	s2 =	sadd.f32 $0.0e+00, s2;
	(xrf2) =	vadd.scan.msk.f32 $0xffff, v0  }
0x256: {  	s0 =	sadd.f32 s30, s0;
	v10, _, _ =	vpop (xrf2)  }
0x257: {  	s2 =	sadd.f32 s3, s2;
	(v2sf) =	vpush v10, $0xF;
	v3, _, _ =	vpop (xrf2)  }
0x258: {  	s0 =	sadd.f32 s29, s0;
	v10, _, _ =	vpop (xrf2);
	(v2sf) =	vpush v3, $0xF  }
0x259: {  	s2 =	sadd.f32 s4, s2;
	v49, _, _ =	vpop (xrf2);
	(v2sf) =	vpush v10, $0xF  }
0x25a: {  	s19 =	rddreg [dreg:$0xb];
	(v2sf) =	vpush v49, $0xF  }
0x25b: {  	s17 =	rddreg [dreg:$0x9];
	v3, _, _ =	vpop (xrf2)  }
0x25c: {  	s13 =	sadd.f32 $0.0e+00, s17;
	(v2sf) =	vpush v3, $0xF  }
0x25d: {  	s18 =	rddreg [dreg:$0xa];
	v51 =	vmov s28;
	v50, _, _ =	vpop (xrf2)  }
0x25e: {  	s13 =	sadd.f32 s19, s13;
	(erf) = vrcp.f32 v51;
	(v2sf) =	vpush v50, $0xF  }
0x25f: {  	s17 =	sadd.f32 $0.0e+00, s18;
	v52, _, _ =	vpop (xrf2)  }
0x260: {  	s13 =	sadd.f32 s21, s13;
	s21 =	spop (v2sf);
	(v2sf) =	vpush v52, $0xF  }
0x261: {  	s30 =	smul.f32 $6.400000000e+01, s26;
	s2 =	sadd.f32 s7, s2  }
0x262: {  	p2 =	sgt.f32 s25, $0.0e+00;
	s17 =	sadd.f32 s20, s17  }
0x263: {  	s2 =	sadd.f32 s2, s30;
	p3 =	sgt.f32 s14, $0.0e+00  }
0x264: {  	p4 =	sgt.f32 s6, $0.0e+00;
	s17 =	sadd.f32 s22, s17  }
0x265: {  	p5 =	sgt.f32 s5, $0.0e+00;
	s13 =	sadd.f32 s23, s13  }
0x266: {  	p3 =	por p3, p4;
	s17 =	sadd.f32 s24, s17;
	s23 =	spop (v2sf)  }
0x267: {  	s5 =	simm.f32 $1.000000000e+00;
	v53 =	vpop (erf);
	s14 =	sadd.f32 $0.0e+00, s21;
	s20 =	spop (v2sf)  }
0x268: {  	s5 =	simm.s32 @!p1 $0x0;
	s2 =	ssub.f32 s2, s17;
	v0 =	vmul.f32 s13, v53;
	s22 =	spop (v2sf)  }
0x269: {  	p3 =	por p3, p5;
	v54 =	vmul.f32 s0, v28;
	s18 =	sadd.f32 s14, s23;
	s24 =	spop (v2sf)  }
0x26a: {  	p6 =	sgt.f32 s15, $0.0e+00;
	v0 =	vsub.f32 $1.000000000e+00, v0;
	s21 =	sshll.u32 s16, $0x3;
	s19 =	sadd.f32 $0.0e+00, s24  }
0x26b: {  	v1 =	vpsel !p2, $0x0, v54;
	v55 =	vmov s21;
	s23 =	sor.u32 $0x1, s21;
	s0 =	sadd.f32 s18, s20;
	s28 =	spop (v2sf)  }
0x26c: {  	s2 =	smul.f32 $1.562500000e-02, s2;
	v0 =	vpsel !p1, $0x0, v0;
	vm8 =	veq.s32 v55, v4;
	v57 =	vmov s23;
	s24 =	sor.u32 $0x2, s21;
	s4 =	sadd.f32 s28, s19  }
0x26d: {  	s25 =	sor.u32 $0x3, s21;
	v0 =	vsel vm8, v0, v56;
	vm9 =	veq.s32 v57, v4;
	s0 =	sadd.f32 s0, s22;
	v58 =	vmov s24;
	s31 =	spop (v2sf)  }
0x26e: {  	s26 =	sor.u32 $0x4, s21;
	s29 =	sor.u32 $0x5, s21;
	v59 =	vmov s25;
	v0 =	vsel vm9, s5, v0;
	vm10 =	veq.s32 v58, v4;
	s4 =	sadd.f32 s31, s4  }
0x26f: {  	v60 =	vmov s26;
	vm11 =	veq.s32 v59, v4;
	s5 =	simm.s32 @!p2 $0x0;
	s0 =	smul.f32 $1.562500000e-02, s0;
	v0 =	vsel vm10, v1, v0;
	s28 =	spop (v2sf)  }
.Ltmp3:
0x270: {  	s30 =	sor.u32 $0x6, s21;
	v61 =	vmov s29;
	vm12 =	veq.s32 v60, v4;
	v0 =	vsel vm11, s5, v0;
	s4 =	sadd.f32 s28, s4;
	(pc) =	sbr.rel @!p0 .LBB2_13-.Ltmp3, $4  }
0x271: {  	p1 =	por p3, p6;
	v62 =	vmov s30;
	vm13 =	veq.s32 v61, v4;
	s31 =	sshllo.u32 s16, $0x3;
	v0 =	vsel vm12, s2, v0  }
0x272: {  	s3 =	simm.f32 $1.000000000e+00;
	vm14 =	veq.s32 v62, v4;
	s0 =	simm.s32 @!p1 $0x0;
	v63 =	vmov s31;
	v0 =	vsel vm13, s4, v0  }
0x273: {  	s3 =	simm.s32 @!p1 $0x0;
	vm15 =	veq.s32 v63, v4;
	v0 =	vsel vm14, s0, v0  }
0x274: {  	s16 =	simm.s32 $0x1;
	p1 =	por $0x0, $0x0;
	v56 =	vsel vm15, s3, v0  }
.LBB2_2:
0x275: {  	s0 =	sshll.u32 s16, $0x6  }
0x276: {  	s2 =	sadd.s32 $0x0, s0  }
0x277: {  	v15 =	vld [tilespmem:s0+$0x0];
	v0 =	vmov s2  }
0x278: {  	v14 =	vld [tilespmem:s0+$0x10]  }
0x279: {  	v13 =	vld [tilespmem:s0+$0x20]  }
0x27a: {  	v12 =	vld [tilespmem:s0+$0x30]  }
0x27b: {  	v19 =	vld [tilespmem:s0+$0x80]  }
0x27c: {  	v22 =	vld.idx.msk [tilespmem:v0+s1+$0x0], $0xffff  }
0x27d: {  	v23 =	vld.idx.msk [tilespmem:v0+s8+$0x0], $0xffff  }
0x27e: {  	v21 =	vimm.s32 $0x0;
	v26 =	vimm.s32 $0x0;
	v24 =	vimm.s32 $0x0;
	v18 =	vld [tilespmem:s0+$0x90]  }
0x27f: {  	s31 =	simm.s32 $0x0;
	v25 =	vimm.s32 $0x0;
	v29 =	vimm.s32 $0x0;
	v27 =	vimm.s32 $0x0;
	v17 =	vld [tilespmem:s0+$0xA0]  }
0x280: {  	v28 =	vimm.s32 $0x0;
	v16 =	vld [tilespmem:s0+$0xB0];
	v36 =	vmov s0;
	v63 =	vmov s31  }
0x281: {  	vm0 =	vlt.u32 v63, v8;
	vm11 =	vlt.u32 v63, v6;
	vm8 =	vlt.u32 v63, v7  }
0x282: {  	vm2 =	veq.f32 v22, v15;
	vm1 =	veq.f32 v22, v12;
	vm3 =	veq.f32 v23, v19  }
0x283: {  	vm4 =	vgt.f32 v22, v12;
	vm9 =	veq.f32 v23, v18;
	vm10 =	veq.f32 v22, v14  }
0x284: {  	vm5 =	veq.f32 v23, v17;
	vm6 =	veq.f32 v22, v13;
	vm1 =	vmand vm0, vm1  }
0x285: {  	vm7 =	veq.f32 v23, v16;
	vm1 =	vmor vm4, vm1;
	vm4 =	vlt.u32 v63, v4  }
0x286: {  	p0 =	por p1, p1;
	v1 =	vsel vm1, $0x1, v5;
	vm1 =	vmand vm4, vm3;
	vm2 =	vmand vm4, vm2  }
0x287: {  	s3 =	simm.s32 $0x2;
	s4 =	sadd.s32 $0x1, s0;
	s2 =	simm.s32 $0x1;
	vm3 =	vmand vm11, vm9;
	vm4 =	vmand vm11, vm10;
	v20 =	vadd.s32 v1, v21  }
.LBB2_3:
0x288: {  	p1 =	sne.s32 s3, $0x3F;
	v0 =	vmov s4;
	vm5 =	vmand vm8, vm5;
	vm6 =	vmand vm8, vm6  }
0x289: {  	vm8 =	vgt.f32 v23, v19;
	vm9 =	vgt.f32 v22, v15;
	vm0 =	vmand vm0, vm7  }
0x28a: {  	vm7 =	vgt.f32 v23, v18;
	vm10 =	vgt.f32 v22, v14;
	vm11 =	vgt.f32 v23, v17  }
0x28b: {  	vm12 =	vgt.f32 v23, v16;
	vm1 =	vmor vm8, vm1;
	vm8 =	vgt.f32 v22, v13  }
0x28c: {  	vm2 =	vmor vm9, vm2;
	vm3 =	vmor vm7, vm3;
	vm4 =	vmor vm10, vm4  }
0x28d: {  	vm5 =	vmor vm11, vm5;
	vm0 =	vmor vm12, vm0;
	vm6 =	vmor vm8, vm6;
	v22 =	vld.idx.msk [tilespmem:v0+s1+$0x0], $0xffff  }
0x28e: {  	v1 =	vsel vm2, $0x1, v5;
	v2 =	vsel vm3, $0x1, v5;
	v23 =	vld.idx.msk [tilespmem:v0+s8+$0x0], $0xffff;
	v0 =	vsel vm1, $0x1, v5  }
0x28f: {  	v3 =	vsel vm4, $0x1, v5;
	v9 =	vsel vm5, $0x1, v5;
	v10 =	vsel vm6, $0x1, v5  }
0x290: {  	v26 =	vadd.s32 v1, v26;
	v21 =	vadd.s32 v0, v21;
	v0 =	vsel vm0, $0x1, v5  }
0x291: {  	v24 =	vadd.s32 v2, v24;
	v25 =	vadd.s32 v3, v25;
	v29 =	vadd.s32 v9, v29  }
0x292: {  	v1 =	vmov s2;
	s2 =	smov.u32 s3;
	v27 =	vadd.s32 v10, v27;
	v28 =	vadd.s32 v0, v28  }
0x293: {  	vm0 =	vlt.u32 v1, v8;
	vm2 =	veq.f32 v22, v15;
	vm1 =	veq.f32 v22, v12  }
0x294: {  	vm4 =	vgt.f32 v22, v12;
	vm3 =	veq.f32 v23, v19;
	vm1 =	vmand vm0, vm1  }
.Ltmp4:
0x295: {  	vm10 =	veq.f32 v22, v14;
	vm9 =	veq.f32 v23, v18;
	vm1 =	vmor vm4, vm1;
	(pc) =	sbr.rel @p1 .LBB2_3-.Ltmp4, $4  }
0x296: {  	vm6 =	veq.f32 v22, v13;
	vm5 =	veq.f32 v23, v17;
	v0 =	vsel vm1, $0x1, v5  }
0x297: {  	vm7 =	veq.f32 v23, v16;
	vm4 =	vlt.u32 v1, v4;
	v20 =	vadd.s32 v0, v20  }
0x298: {  	vm11 =	vlt.u32 v1, v6;
	vm8 =	vlt.u32 v1, v7;
	vm1 =	vmand vm4, vm3  }
0x299: {  	s3 =	sadd.s32 $0x1, s3;
	s4 =	sadd.s32 s0, s2;
	vm2 =	vmand vm4, vm2;
	vm3 =	vmand vm11, vm9;
	vm4 =	vmand vm11, vm10  }
0x29a: {  	v0 =	vmov s4;
	vm5 =	vmand vm8, vm5;
	vm6 =	vmand vm8, vm6  }
0x29b: {  	vm14 =	vgt.f32 v23, v19;
	vm9 =	vgt.f32 v22, v15;
	vm0 =	vmand vm0, vm7  }
0x29c: {  	vm7 =	vgt.f32 v23, v18;
	vm10 =	vgt.f32 v22, v14;
	vm11 =	vgt.f32 v23, v17  }
0x29d: {  	vm8 =	vgt.f32 v22, v13;
	vm12 =	vgt.f32 v23, v16;
	vm1 =	vmor vm14, vm1  }
0x29e: {  	vm2 =	vmor vm9, vm2;
	vm3 =	vmor vm7, vm3;
	vm4 =	vmor vm10, vm4  }
0x29f: {  	vm5 =	vmor vm11, vm5;
	vm6 =	vmor vm8, vm6;
	vm0 =	vmor vm12, vm0  }
0x2a0: {  	v2 =	vsel vm1, $0x1, v5;
	v9 =	vsel vm3, $0x1, v5;
	v10 =	vsel vm4, $0x1, v5  }
0x2a1: {  	v2 =	vadd.s32 v2, v21;
	v21 =	vsel vm0, $0x1, v5;
	v9 =	vadd.s32 v9, v24  }
0x2a2: {  	v10 =	vadd.s32 v10, v25;
	v24 =	vmov s2;
	v25 =	vmul.f32 $6.931471820e-01, v19  }
0x2a3: {  	vm0 =	vlt.u32 v24, v8;
	vm9 =	vlt.u32 v24, v4;
	vm11 =	vlt.u32 v24, v6;
	v1 =	vld.idx.msk [tilespmem:v0+s1+$0x0], $0xffff  }
0x2a4: {  	vm12 =	vlt.u32 v24, v7;
	v0 =	vld.idx.msk [tilespmem:v0+s8+$0x0], $0xffff;
	v24 =	vmul.f32 $1.442695020e+00, v25;
	v25 =	vmul.f32 $6.931471820e-01, v18  }
0x2a5: {  	v3 =	vsel vm2, $0x1, v5;
	v22 =	vsel vm5, $0x1, v5;
	v23 =	vsel vm6, $0x1, v5  }
0x2a6: {  	v3 =	vadd.s32 v3, v26;
	v22 =	vadd.s32 v22, v29;
	v25 =	vmul.f32 $1.442695020e+00, v25  }
0x2a7: {  	v23 =	vadd.s32 v23, v27;
	v21 =	vadd.s32 v21, v28;
	(erf) = vpow2.f32 v24  }
0x2a8: {  	(erf) = vpow2.f32 v25;
	vm3 =	veq.f32 v1, v15;
	vm2 =	veq.f32 v1, v12  }
0x2a9: {  	vm4 =	veq.f32 v0, v19;
	vm1 =	vgt.f32 v1, v12;
	vm5 =	veq.f32 v0, v18  }
0x2aa: {  	vm6 =	veq.f32 v1, v14;
	vm7 =	veq.f32 v0, v17;
	vm8 =	veq.f32 v1, v13  }
0x2ab: {  	vm10 =	veq.f32 v0, v16;
	vm15 =	vgt.f32 v0, v19;
	vm4 =	vmand vm9, vm4  }
0x2ac: {  	vm13 =	vgt.f32 v1, v15;
	vm3 =	vmand vm9, vm3;
	vm4 =	vmor vm15, vm4  }
0x2ad: {  	vm2 =	vmand vm0, vm2;
	vm3 =	vmor vm13, vm3;
	v24 =	vsel vm4, $0x1, v5  }
0x2ae: {  	vm5 =	vmand vm11, vm5;
	v26 =	vsel vm3, $0x1, v5;
	v24 =	vadd.s32 v24, v2  }
0x2af: {  	vm14 =	vmand vm12, vm8;
	vm0 =	vmand vm0, vm10;
	v2 =	vadd.s32 v26, v3  }
0x2b0: {  	vm15 =	vgt.f32 v0, v18;
	vm13 =	vgt.f32 v0, v17;
	vm4 =	vmand vm11, vm6  }
0x2b1: {  	vm3 =	vmand vm12, vm7;
	vm12 =	vgt.f32 v1, v14;
	vm5 =	vmor vm15, vm5  }
0x2b2: {  	vm4 =	vmor vm12, vm4;
	v3 =	vsel vm5, $0x1, v5;
	v26 =	vmul.f32 $6.931471820e-01, v17  }
0x2b3: {  	vm5 =	vgt.f32 v1, v13;
	v1 =	vsel vm4, $0x1, v5;
	v25 =	vadd.s32 v3, v9;
	v3 =	vld.idx.msk [tilespmem:v24+s9+$0x0], $0xffff  }
0x2b4: {  	vm5 =	vmor vm5, vm14;
	v1 =	vadd.s32 v1, v10;
	v9 =	vmul.f32 $1.442695020e+00, v26;
	v10 =	vpop (erf);
	v28 =	vld.idx.msk [tilespmem:v2+s9+$0x0], $0xffff  }
0x2b5: {  	vm3 =	vmor vm13, vm3;
	v31 =	vadd.f32 $-1.000000000e+00, v10;
	v10 =	vsel vm5, $0x1, v5  }
0x2b6: {  	vm4 =	vgt.f32 v0, v16;
	v0 =	vsel vm3, $0x1, v5;
	(erf) = vpow2.f32 v9  }
0x2b7: {  	vm3 =	vmor vm4, vm0;
	v26 =	vadd.s32 v0, v22;
	v9 =	vmul.f32 $6.931471820e-01, v16  }
0x2b8: {  	vm0 =	vlt.s32 v24, $0xA;
	v0 =	vadd.s32 v10, v23;
	v10 =	vpop (erf);
	v23 =	vld.idx.msk [tilespmem:v25+s9+$0x0], $0xffff;
	v3 =	vmul.f32 v3, v31  }
0x2b9: {  	v9 =	vmul.f32 $1.442695020e+00, v9;
	v32 =	vadd.f32 $-1.000000000e+00, v10;
	v33 =	vld.idx.msk [tilespmem:v1+s9+$0x0], $0xffff;
	v10 =	vmul.f32 v28, v31  }
0x2ba: {  	v37 =	vimm.f32 $0.0e+00;
	v3 =	vnsel vm0, $0x0, v3;
	vm0 =	vlt.s32 v2, $0xA  }
0x2bb: {  	(erf) = vpow2.f32 v9;
	(xrf2) =	vadd.scan.msk.f32 $0xffff, v3;
	v2 =	vnsel vm0, $0x0, v10;
	vm0 =	vgt.f32 v19, $5.000000000e-01  }
0x2bc: {  	v3 =	vsel vm3, $0x1, v5;
	(xrf2) =	vadd.scan.msk.f32 $0xffff, v2;
	v40 =	vsel vm0, $0x3F800000, v37  }
0x2bd: {  	vm1 =	vmor vm1, vm2;
	v9 =	vmul.f32 v23, v32;
	v27 =	vadd.s32 v3, v21;
	v3 =	vld.idx.msk [tilespmem:v26+s9+$0x0], $0xffff;
	(xrf2) =	vadd.scan.msk.f32 $0xffff, v40  }
0x2be: {  	(xrf0) =	vmax.scan.msk.f32 $0xffff, v15;
	v29 =	vld.idx.msk [tilespmem:v0+s9+$0x0], $0xffff;
	v10 =	vmul.f32 v33, v32;
	v2 =	vsel vm1, $0x1, v5;
	vm1 =	vlt.s32 v25, $0xA  }
0x2bf: {  	v2 =	vadd.s32 v2, v20;
	v20 =	vpop (erf);
	v9 =	vnsel vm1, $0x0, v9;
	vm1 =	vlt.s32 v1, $0xA;
	(xrf2) =	vadd.scan.msk.f32 $0xffff, v15  }
0x2c0: {  	vm3 =	vgt.f32 v18, $5.000000000e-01;
	v34 =	vadd.f32 $-1.000000000e+00, v20;
	v1 =	vnsel vm1, $0x0, v10;
	(xrf2) =	vadd.scan.msk.f32 $0xffff, v9  }
0x2c1: {  	v23 =	vsel vm3, $0x3F800000, v37;
	(xrf2) =	vadd.scan.msk.f32 $0xffff, v1  }
0x2c2: {  	(xrf2) =	vadd.scan.msk.f32 $0xffff, v23;
	v3 =	vmul.f32 v3, v34  }
0x2c3: {  	(xrf0) =	vmax.scan.msk.f32 $0xffff, v14;
	vm1 =	vlt.s32 v26, $0xA;
	v9 =	vmul.f32 v29, v34;
	v1 =	vld.idx.msk [tilespmem:v27+s9+$0x0], $0xffff  }
0x2c4: {  	v10 =	vpop (erf);
	(xrf2) =	vadd.scan.msk.f32 $0xffff, v14;
	v3 =	vnsel vm1, $0x0, v3;
	vm1 =	vlt.s32 v0, $0xA  }
0x2c5: {  	vm2 =	vgt.f32 v17, $5.000000000e-01;
	v30 =	vld.idx.msk [tilespmem:v2+s9+$0x0], $0xffff;
	v0, _, _ =	vpop (xrf2);
	(xrf2) =	vadd.scan.msk.f32 $0xffff, v3;
	v3 =	vnsel vm1, $0x0, v9  }
0x2c6: {  	v39 =	vsel vm2, $0x3F800000, v37;
	v35 =	vadd.f32 $-1.000000000e+00, v10;
	(v2sf) =	vpush v0, $0xF;
	v0, _, _ =	vpop (xrf2);
	(xrf2) =	vadd.scan.msk.f32 $0xffff, v3  }
0x2c7: {  	(v2sf) =	vpush v0, $0xF;
	v0, _, _ =	vpop (xrf2);
	(xrf2) =	vadd.scan.msk.f32 $0xffff, v39  }
0x2c8: {  	v1 =	vmul.f32 v1, v35;
	(v2sf) =	vpush v0, $0xF;
	v0, _, _ =	vpop (xrf0)  }
0x2c9: {  	vm1 =	vlt.s32 v27, $0xA;
	(v2sf) =	vpush v0, $0xF;
	v0, _, _ =	vpop (xrf2)  }
0x2ca: {  	v3 =	vmul.f32 v30, v35;
	v1 =	vnsel vm1, $0x0, v1;
	(xrf2) =	vadd.scan.msk.f32 $0xffff, v13;
	(v2sf) =	vpush v0, $0xF;
	v0, _, _ =	vpop (xrf2)  }
0x2cb: {  	vm1 =	vlt.s32 v2, $0xA;
	(xrf2) =	vadd.scan.msk.f32 $0xffff, v1;
	(v2sf) =	vpush v0, $0xF;
	v0, _, _ =	vpop (xrf2)  }
0x2cc: {  	v1 =	vnsel vm1, $0x0, v3;
	(v2sf) =	vpush v0, $0xF;
	v0, _, _ =	vpop (xrf2)  }
0x2cd: {  	(xrf0) =	vmax.scan.msk.f32 $0xffff, v13;
	(v2sf) =	vpush v0, $0xF;
	v0, _, _ =	vpop (xrf0)  }
0x2ce: {  	(v2sf) =	vpush v0, $0xF;
	v0, _, _ =	vpop (xrf2)  }
0x2cf: {  	vm1 =	vgt.f32 v16, $5.000000000e-01;
	(xrf2) =	vadd.scan.msk.f32 $0xffff, v1;
	v1, _, _ =	vpop (xrf2);
	(v2sf) =	vpush v0, $0xF  }
0x2d0: {  	v63 =	vsel vm1, $0x3F800000, v37;
	v0, _, _ =	vpop (xrf2);
	(v2sf) =	vpush v1, $0xF  }
0x2d1: {  	vm4 =	vle.f32 v19, $5.000000000e-01;
	(xrf2) =	vadd.scan.msk.f32 $0xffff, v63;
	v1, _, _ =	vpop (xrf2);
	(v2sf) =	vpush v0, $0xF  }
0x2d2: {  	(v2sf) =	vpush v1, $0xF;
	v1 =	vsel vm4, $0x1, v5  }
0x2d3: {  	(xrf2) =	vadd.scan.msk.f32 $0xffff, v12;
	v0, _, _ =	vpop (xrf0)  }
0x2d4: {  	(xrf0) =	vmax.scan.msk.f32 $0xffff, v12;
	v2, _, _ =	vpop (xrf2);
	(v2sf) =	vpush v0, $0xF  }
0x2d5: {  	(xrf0) =	vadd.scan.msk.s32 $0xffff, v1;
	(v2sf) =	vpush v2, $0xF;
	v1, _, _ =	vpop (xrf2)  }
0x2d6: {  	vm5 =	vle.f32 v18, $5.000000000e-01;
	s25 =	spop (v2sf);
	(v2sf) =	vpush v1, $0xF  }
0x2d7: {  	vm14 =	vle.f32 v17, $5.000000000e-01;
	v0 =	vsel vm5, $0x1, v5;
	s0 =	spop (v2sf)  }
0x2d8: {  	(xrf0) =	vadd.scan.msk.s32 $0xffff, v0;
	v0 =	vsel vm14, $0x1, v5;
	s26 =	spop (v2sf)  }
0x2d9: {  	[dreg:$0x9] =	wrdreg s0;
	s0 =	spop (v2sf)  }
0x2da: {  	(xrf0) =	vadd.scan.msk.s32 $0xffff, v0;
	v2, _, _ =	vpop (xrf2);
	s23 =	spop (v2sf)  }
0x2db: {  	v0, _, _ =	vpop (xrf2);
	(v2sf) =	vpush v2, $0xF;
	s28 =	spop (v2sf)  }
0x2dc: {  	vm15 =	vle.f32 v16, $5.000000000e-01;
	v1, _, _ =	vpop (xrf0);
	(v2sf) =	vpush v0, $0xF;
	s24 =	spop (v2sf)  }
0x2dd: {  	v3 =	vsel vm15, $0x1, v5;
	v0, _, _ =	vpop (xrf2);
	(v2sf) =	vpush v1, $0xF;
	s31 =	spop (v2sf)  }
0x2de: {  	(xrf0) =	vadd.scan.msk.s32 $0xffff, v3;
	v1, _, _ =	vpop (xrf0);
	(v2sf) =	vpush v0, $0xF;
	s29 =	spop (v2sf)  }
0x2df: {  	v0, _, _ =	vpop (xrf0);
	(v2sf) =	vpush v1, $0xF;
	s20 =	spop (v2sf)  }
0x2e0: {  	v2, _, _ =	vpop (xrf0);
	(v2sf) =	vpush v0, $0xF;
	s14 =	spop (v2sf)  }
0x2e1: {  	(v2sf) =	vpush v2, $0xF;
	s21 =	spop (v2sf)  }
0x2e2: {  	s3 =	spop (v2sf)  }
0x2e3: {  	s30 =	spop (v2sf)  }
0x2e4: {  	v3, _, _ =	vpop (xrf0);
	s22 =	spop (v2sf)  }
0x2e5: {  	s4 =	spop (v2sf);
	(v2sf) =	vpush v3, $0xF;
	_ =	sdelay $0x4  }
0x2e6: {  	[dreg:$0xa] =	wrdreg s23;
	s23 =	spop (v2sf)  }
0x2e7: {  	s5 =	spop (v2sf)  }
0x2e8: {  	s2 =	spop (v2sf)  }
0x2e9: {  	[dreg:$0xb] =	wrdreg s24;
	s24 =	spop (v2sf)  }
0x2ea: {  	s7 =	spop (v2sf)  }
0x2eb: {  	s6 =	spop (v2sf)  }
0x2ec: {  	[tilespmem:$0x180] =	vst v31;
	s13 =	spop (v2sf);
	s15 =	sadd.s32 s7, s6  }
0x2ed: {  	[tilespmem:$0x200] =	vst v28;
	v1 =	vadd.s32 $0xFFFFFFFF, v1;
	v9 =	vmov s15;
	s17 =	sadd.s32 s13, s15  }
0x2ee: {  	[tilespmem:$0x190] =	vst v32;
	v10 =	vbroadcast v1, $0xF;
	v9 =	vadd.s32 $0xFFFFFFFF, v9;
	v38 =	vmov s17  }
0x2ef: {  	[tilespmem:$0x210] =	vst v33;
	v9 =	vbroadcast v9, $0x0;
	v38 =	vadd.s32 $0xFFFFFFFF, v38  }
0x2f0: {  	[tilespmem:$0x1A0] =	vst v34;
	v0 =	vadd.s32 v0, v10;
	v10 =	vbroadcast v38, $0x0;
	s15 =	spop (v2sf)  }
0x2f1: {  	[tilespmem:$0x220] =	vst v29;
	v2 =	vadd.s32 v2, v9;
	s17 =	sadd.s32 s15, s17  }
0x2f2: {  	[tilespmem:$0x1B0] =	vst v35;
	v3 =	vadd.s32 v3, v10;
	p1 =	slt.s32 s17, $0x1  }
.Ltmp5:
0x2f3: {  	[tilespmem:$0x230] =	vst v30;
	(pc) =	sbr.rel @p1 .LBB2_12-.Ltmp5, $4  }
0x2f4: {  	[tilespmem:v1+s10+$0x0] =	vst.idx.msk vm4, v4  }
0x2f5: {  	[tilespmem:v0+s10+$0x0] =	vst.idx.msk vm5, v6  }
0x2f6: {  	[tilespmem:v2+s10+$0x0] =	vst.idx.msk vm14, v7  }
0x2f7: {  	v1 =	vimm.f32 $0.0e+00;
	v0 =	vimm.f32 $0.0e+00;
	v2 =	vimm.f32 $0.0e+00;
	[tilespmem:v3+s10+$0x0] =	vst.idx.msk vm15, v8  }
0x2f8: {  	s17 =	simm.s32 $0x0  }
0x2f9: {  	v0 =	vmov s17;
	_ =	sdelay $0x4  }
0x2fa: {  	v0 =	vld.idx.msk [tilespmem:v0+s10+$0x0], $0xffff;
	_ =	sdelay $0x2  }
0x2fb: {  	v43 =	vbroadcast v36, $0x0;
	_ =	sdelay $0x1  }
0x2fc: {  	v1 =	vadd.s32 v43, v0;
	_ =	sdelay $0x4  }
0x2fd: {  	v1 =	vld.idx.msk [tilespmem:v1+s1+$0x0], $0xffff  }
0x2fe: {  	v2 =	vld.idx.msk [tilespmem:v0+s11+$0x0], $0xffff;
	_ =	sdelay $0x3  }
0x2ff: {  	s7 =	sadd.s32 s13, s7;
	v37 =	vsub.f32 v1, v15  }
0x300: {  	[tilespmem:$0x1FFB0] =	vst v39;
	s7 =	sadd.s32 s15, s7;
	v53 =	vsub.f32 v32, v2;
	v39 =	vsub.f32 v1, v14  }
0x301: {  	[tilespmem:$0x1FFA0] =	vst v40;
	s6 =	sadd.s32 s6, s7;
	v40 =	vld.idx.msk [tilespmem:v0+s12+$0x0], $0xffff;
	v61 =	vsub.f32 v35, v2;
	v46 =	vsub.f32 v31, v2;
	v0 =	vand.u32 $0x7FFFFFFF, v37  }
0x302: {  	p2 =	sne.s32 s6, $0x1;
	v38 =	vsub.f32 v1, v12;
	v3 =	vand.u32 $0x7FFFFFFF, v39;
	v0 =	vsub.f32 $0.0e+00, v0  }
.Ltmp6:
0x303: {  	v41 =	vsub.f32 v1, v13;
	v3 =	vsub.f32 $0.0e+00, v3;
	(pc) =	sbr.rel @!p2 .LBB2_6-.Ltmp6, $4  }
0x304: {  	v42 =	vsub.f32 v34, v2;
	v1 =	vand.u32 $0x7FFFFFFF, v38;
	v0 =	vmul.f32 $1.442695020e+00, v0  }
0x305: {  	v2 =	vand.u32 $0x7FFFFFFF, v41;
	v1 =	vsub.f32 $0.0e+00, v1;
	v3 =	vmul.f32 $1.442695020e+00, v3  }
0x306: {  	v36 =	vimm.f32 $0.0e+00;
	(erf) = vpow2.f32 v0;
	v0 =	vsub.f32 $0.0e+00, v2  }
0x307: {  	p1 =	por $0x0, $0x0;
	s7 =	simm.s32 $0x1;
	v58 =	vsub.f32 v40, v33;
	v2 =	vmul.f32 $1.442695020e+00, v1;
	(erf) = vpow2.f32 v3  }
0x308: {  	_ = 	snop  }
0x309: {  	v1 =	vmov s7;
	(erf) = vpow2.f32 v2;
	_ =	sdelay $0x1  }
0x30a: {  	v0 =	vmul.f32 $1.442695020e+00, v0;
	_ =	sdelay $0x1  }
0x30b: {  	(erf) = vpow2.f32 v0  }
0x30c: {  	v0 =	vld.idx.msk [tilespmem:v1+s10+$0x0], $0xffff  }
0x30d: {  	v45 =	vpop (erf)  }
0x30e: {  	v1 =	vmul.f32 $1.702961140e-02, v45  }
0x30f: {  	v47 =	vpop (erf)  }
0x310: {  	v1 =	vsub.f32 $8.152318000e-02, v1;
	v44 =	vpop (erf)  }
0x311: {  	v9 =	vmul.f32 $1.702961140e-02, v44  }
0x312: {  	v3 =	vsub.f32 v40, v28;
	v2 =	vmul.f32 $1.702961140e-02, v47;
	v1 =	vmul.f32 v1, v45  }
0x313: {  	v50 =	vsub.f32 v40, v29;
	v48 =	vmul.f32 v58, v53;
	v9 =	vsub.f32 $8.152318000e-02, v9  }
0x314: {  	v10 =	vadd.s32 v43, v0;
	v2 =	vsub.f32 $8.152318000e-02, v2;
	v55 =	vpop (erf);
	v51 =	vld.idx.msk [tilespmem:v0+s11+$0x0], $0xffff;
	v1 =	vadd.f32 $-1.890195460e-01, v1  }
0x315: {  	v52 =	vsub.f32 v40, v30;
	v49 =	vmul.f32 $1.702961140e-02, v55;
	v9 =	vmul.f32 v9, v44  }
0x316: {  	v57 =	vmax.f32 v41, $0.0e+00;
	v2 =	vmul.f32 v2, v47;
	v40 =	vld.idx.msk [tilespmem:v0+s12+$0x0], $0xffff;
	v1 =	vmul.f32 v1, v45  }
0x317: {  	v3 =	vmul.f32 v3, v46;
	v49 =	vsub.f32 $8.152318000e-02, v49;
	v9 =	vadd.f32 $-1.890195460e-01, v9  }
0x318: {  	[tilespmem:$0x1FF90] =	vst v23;
	v23 =	vmovc v56;
	v54 =	vmul.f32 v50, v42;
	v0 =	vadd.f32 $3.150412740e-01, v1;
	v1 =	vadd.f32 $-1.890195460e-01, v2  }
0x319: {  	v2 =	vld.idx.msk [tilespmem:v10+s1+$0x0], $0xffff;
	v10 =	vmul.f32 v49, v55;
	v53 =	vsub.f32 v32, v51;
	v56 =	vsub.f32 v35, v51  }
0x31a: {  	v46 =	vsub.f32 v31, v51;
	v42 =	vsub.f32 v34, v51;
	v9 =	vmul.f32 v9, v44  }
0x31b: {  	v58 =	vsub.f32 v40, v33;
	v0 =	vmul.f32 v0, v45;
	v1 =	vmul.f32 v1, v47  }
0x31c: {  	v60 =	vmax.f32 v39, $0.0e+00;
	v10 =	vadd.f32 $-1.890195460e-01, v10;
	v9 =	vadd.f32 $3.150412740e-01, v9  }
0x31d: {  	v52 =	vmul.f32 v52, v61;
	v0 =	vadd.f32 $-4.972033200e-01, v0;
	v1 =	vadd.f32 $3.150412740e-01, v1  }
0x31e: {  	v36 =	vmovc v63;
	v10 =	vmul.f32 v10, v55;
	v63 =	vsub.f32 v2, v15;
	v41 =	vsub.f32 v2, v13  }
0x31f: {  	v50 =	vand.u32 $0x7FFFFFFF, v52;
	v39 =	vsub.f32 v2, v14;
	v61 =	vsub.f32 v2, v12  }
0x320: {  	v2 =	vmul.f32 v9, v44;
	v10 =	vadd.f32 $3.150412740e-01, v10;
	v51 =	vmul.f32 v0, v45  }
0x321: {  	v59 =	vand.u32 $0x7FFFFFFF, v63;
	v9 =	vand.u32 $0x7FFFFFFF, v39;
	v62 =	vand.u32 $0x7FFFFFFF, v61  }
0x322: {  	v0 =	vsub.f32 $0.0e+00, v59;
	v59 =	vand.u32 $0x7FFFFFFF, v41;
	v10 =	vmul.f32 v10, v55  }
0x323: {  	v9 =	vsub.f32 $0.0e+00, v9;
	v49 =	vsub.f32 $0.0e+00, v62;
	v62 =	vand.u32 $0x7FFFFFFF, v3  }
0x324: {  	p2 =	sne.s32 s6, $0x2;
	v3 =	vadd.f32 $9.998325700e-01, v51;
	v51 =	vimm.f32 $0.0e+00;
	v52 =	vmul.f32 $1.442695020e+00, v0  }
.Ltmp7:
0x325: {  	v0 =	vsub.f32 $0.0e+00, v59;
	v59 =	vmul.f32 v1, v47;
	v10 =	vadd.f32 $-4.972033200e-01, v10;
	(pc) =	sbr.rel @!p2 .LBB2_8-.Ltmp7, $4  }
0x326: {  	v1 =	vadd.f32 $-4.972033200e-01, v2;
	v2 =	vmul.f32 $1.442695020e+00, v49;
	(erf) = vpow2.f32 v52  }
0x327: {  	v49 =	vimm.f32 $0.0e+00;
	v52 =	vmul.f32 $1.442695020e+00, v9;
	v11 =	vadd.f32 $-4.972033200e-01, v59  }
0x328: {  	v59 =	vand.u32 $0x7FFFFFFF, v48;
	v9 =	vmul.f32 v10, v55;
	v48 =	vimm.f32 $0.0e+00  }
0x329: {  	s7 =	simm.s32 $0x2;
	p1 =	por $0x1, $0x1;
	(erf) = vpow2.f32 v52;
	v10 =	vmul.f32 v11, v47;
	v52 =	vimm.f32 $0.0e+00  }
.LBB2_9:
0x32a: {  	v0 =	vmul.f32 $1.442695020e+00, v0;
	(erf) = vpow2.f32 v2;
	v2 =	vadd.f32 $9.998325700e-01, v9;
	s13 =	smov.u32 s7;
	s7 =	sadd.s32 $0x1, s7  }
0x32b: {  	v1 =	vmul.f32 v1, v44;
	v9 =	vmov s13;
	p2 =	sne.s32 s6, s7;
	v10 =	vadd.f32 $9.998325700e-01, v10  }
0x32c: {  	v11 =	vmax.f32 v37, $0.0e+00;
	v37 =	vmovc v63;
	v3 =	vmul.f32 v3, v45;
	v2 =	vmul.f32 v2, v55  }
0x32d: {  	v55 =	vsub.f32 v40, v28;
	(erf) = vpow2.f32 v0;
	v0 =	vmul.f32 v10, v47  }
0x32e: {  	v1 =	vadd.f32 $9.998325700e-01, v1;
	v10 =	vmul.f32 v58, v53;
	v2 =	vadd.f32 $1.693662630e-06, v2  }
0x32f: {  	v3 =	vadd.f32 $1.693662630e-06, v3;
	v53 =	vmax.f32 v38, $0.0e+00;
	v45 =	vpop (erf);
	v0 =	vadd.f32 $1.693662630e-06, v0  }
0x330: {  	v38 =	vmovc v61;
	v1 =	vmul.f32 v1, v44;
	v9 =	vld.idx.msk [tilespmem:v9+s10+$0x0], $0xffff;
	v21 =	vmul.f32 $1.702961140e-02, v45;
	v2 =	vadd.f32 v2, v57  }
0x331: {  	v3 =	vadd.f32 v3, v11;
	v11 =	vand.u32 $0x7FFFFFFF, v54;
	v0 =	vadd.f32 v0, v60  }
0x332: {  	v20 =	vmul.f32 v55, v46;
	v1 =	vadd.f32 $1.693662630e-06, v1;
	v54 =	vsub.f32 $8.152318000e-02, v21;
	v47 =	vpop (erf)  }
0x333: {  	v57 =	vsub.f32 v40, v29;
	v3 =	vmul.f32 v3, v62;
	v46 =	vmul.f32 $1.702961140e-02, v47;
	v44 =	vpop (erf)  }
0x334: {  	v2 =	vmul.f32 v2, v11;
	v1 =	vadd.f32 v1, v53;
	v54 =	vmul.f32 v54, v45  }
0x335: {  	v58 =	vsub.f32 v40, v30;
	v11 =	vsub.f32 $8.152318000e-02, v46;
	v46 =	vmul.f32 $1.702961140e-02, v44  }
0x336: {  	v48 =	vadd.f32 v2, v48;
	v53 =	vadd.s32 v43, v9;
	v40 =	vadd.f32 $-1.890195460e-01, v54;
	v55 =	vpop (erf)  }
0x337: {  	v1 =	vmul.f32 v1, v50;
	v2 =	vmul.f32 $1.702961140e-02, v55;
	v46 =	vsub.f32 $8.152318000e-02, v46  }
0x338: {  	v51 =	vadd.f32 v3, v51;
	v0 =	vmul.f32 v0, v59;
	v50 =	vld.idx.msk [tilespmem:v9+s11+$0x0], $0xffff;
	v54 =	vmul.f32 v40, v45  }
0x339: {  	v3 =	vmul.f32 v11, v47;
	v2 =	vsub.f32 $8.152318000e-02, v2;
	v11 =	vmul.f32 v46, v44  }
0x33a: {  	v52 =	vadd.f32 v1, v52;
	v40 =	vld.idx.msk [tilespmem:v9+s12+$0x0], $0xffff;
	v9 =	vadd.f32 $3.150412740e-01, v54;
	v54 =	vmul.f32 v57, v42  }
0x33b: {  	v3 =	vadd.f32 $-1.890195460e-01, v3;
	v1 =	vld.idx.msk [tilespmem:v53+s1+$0x0], $0xffff;
	v2 =	vmul.f32 v2, v55;
	v11 =	vadd.f32 $-1.890195460e-01, v11  }
0x33c: {  	v49 =	vadd.f32 v0, v49;
	v57 =	vmax.f32 v41, $0.0e+00;
	v9 =	vmul.f32 v9, v45  }
0x33d: {  	v0 =	vmul.f32 v3, v47;
	v2 =	vadd.f32 $-1.890195460e-01, v2;
	v3 =	vmul.f32 v11, v44  }
0x33e: {  	v53 =	vsub.f32 v32, v50;
	v11 =	vmul.f32 v58, v56;
	v56 =	vsub.f32 v35, v50  }
0x33f: {  	v46 =	vsub.f32 v31, v50;
	v42 =	vsub.f32 v34, v50;
	v2 =	vmul.f32 v2, v55  }
0x340: {  	v9 =	vadd.f32 $-4.972033200e-01, v9;
	v58 =	vsub.f32 v40, v33;
	v50 =	vand.u32 $0x7FFFFFFF, v11  }
0x341: {  	v60 =	vmax.f32 v39, $0.0e+00;
	v63 =	vsub.f32 v1, v15;
	v2 =	vadd.f32 $3.150412740e-01, v2  }
0x342: {  	v3 =	vadd.f32 $3.150412740e-01, v3;
	v41 =	vsub.f32 v1, v13;
	v11 =	vmul.f32 v9, v45  }
0x343: {  	v39 =	vsub.f32 v1, v14;
	v61 =	vsub.f32 v1, v12;
	v9 =	vand.u32 $0x7FFFFFFF, v63  }
0x344: {  	v3 =	vmul.f32 v3, v44;
	v1 =	vsub.f32 $0.0e+00, v9;
	v9 =	vadd.f32 $3.150412740e-01, v0  }
0x345: {  	v59 =	vand.u32 $0x7FFFFFFF, v39;
	v0 =	vand.u32 $0x7FFFFFFF, v41;
	v2 =	vmul.f32 v2, v55  }
0x346: {  	v0 =	vsub.f32 $0.0e+00, v0;
	v1 =	vmul.f32 $1.442695020e+00, v1;
	v9 =	vmul.f32 v9, v47  }
.Ltmp8:
0x347: {  	v62 =	vand.u32 $0x7FFFFFFF, v61;
	v59 =	vsub.f32 $0.0e+00, v59;
	v21 =	vadd.f32 $-4.972033200e-01, v2;
	(pc) =	sbr.rel @p2 .LBB2_9-.Ltmp8, $4  }
0x348: {  	v2 =	vsub.f32 $0.0e+00, v62;
	(erf) = vpow2.f32 v1;
	v1 =	vadd.f32 $-4.972033200e-01, v3  }
0x349: {  	v22 =	vadd.f32 $-4.972033200e-01, v9;
	v3 =	vmul.f32 $1.442695020e+00, v59;
	v59 =	vand.u32 $0x7FFFFFFF, v10  }
0x34a: {  	v62 =	vand.u32 $0x7FFFFFFF, v20;
	v2 =	vmul.f32 $1.442695020e+00, v2;
	v9 =	vmul.f32 v21, v55  }
0x34b: {  	v10 =	vmul.f32 v22, v47;
	(erf) = vpow2.f32 v3;
	v3 =	vadd.f32 $9.998325700e-01, v11  }
.Ltmp9:
0x34c: {  	(pc) =	sbr.rel .LBB2_11-.Ltmp9, $3  }
0x34d: {  	_ =	sdelay $0x1  }
0x34e: {  	v32 =	vmov v37;
	v31 =	vmov v38;
	v37 =	vmov v63  }
0x34f: {  	v38 =	vmovc v61;
	v61 =	vmovc v56;
	v56 =	vmov v23;
	v63 =	vmov v36;
	v23 =	vld [tilespmem:$0x1FF90];
	v36 =	vimm.f32 $0.0e+00  }
.LBB2_8:
.Ltmp10:
0x350: {  	(pc) =	sbr.rel .LBB2_11-.Ltmp10, $4  }
0x351: {  	_ = 	snop  }
0x352: {  	v32 =	vmov v37;
	v31 =	vmov v38  }
0x353: {  	v48 =	vimm.f32 $0.0e+00;
	v37 =	vmovc v63;
	v38 =	vmovc v61;
	v51 =	vimm.f32 $0.0e+00;
	v52 =	vimm.f32 $0.0e+00  }
0x354: {  	v49 =	vimm.f32 $0.0e+00;
	v61 =	vmovc v56;
	v56 =	vmovc v23;
	v63 =	vmov v36;
	v23 =	vld [tilespmem:$0x1FF90];
	v36 =	vimm.f32 $0.0e+00  }
.LBB2_14:
0x355: {  	_ =	sfence.sel $0x180000  }
0x356: {  	[bflag:$0x0] =	sbarrier.arrive $0xFFFF  }
0x357: {  	_ =	strace $0x90000047  }
0x358: {  	s0 =	stileid.u32;
	[bflag:$0x2] =	sbarrier.arrive $0xFFFF  }
0x359: {  	p0 =	sne.s32 s0, $0x0;
	s0 =	rddreg [dreg:$0x3]  }
0x35a: {  	s0 =	sadd.s32 @!p0 $0x100000, s0  }
0x35b: {  	[sflag:s0] =	ssyncadd.tile.s32 @!p0 $0x1;
	_ =	shalt  }
.Lfunc_end2:
_tile_overlayer_lowered:
.L_overlay_start_2:
0x35c: {  	(tag) =	ssettag $0x2  }
0x35d: {  	s0 =	rddreg [dreg:$0x0];
	s2 =	stileid.u32  }
0x35e: {  	s1 =	rddreg [dreg:$0x1];
	p0 =	sne.s32 s2, $0x0  }
0x35f: {  	s3 =	rddreg [dreg:$0x2];
	[bflag:$0x3] =	sbarrier.arrive $0xFFFF;
	s2 =	simm.s32 @!p0 $0x1C01  }
0x360: {  	[timem:s3], [sflag:s2] =	dma.local @!p0 [hbm:s0], s1  }
0x361: {  	s0 =	simm.s32 @!p0 $0x1  }
0x362: {  	_ =	swait.ge @!p0 [sflag:s0], s1  }
0x363: {  	s1 =	ssub.s32 @!p0 $0x0, s1;
	[sflag:s0] =	ssyncset.done @!p0 $0x0  }
0x364: {  	[sflag:s0] =	ssyncadd.s32 @!p0 s1  }
0x365: {  	[bflag:$0x3] =	sbarrier.arrive $0xFFFF  }
0x366: {  	_ =	shalt  }

</sc_bundles>
